<compile_context>
chip_gen: v7x
topology: tpu7x:2x2x1
jax: 0.10.2.dev20260603
libtpu: 0.0.44.dev20260713+nightly
codegen_flags: <defaults>
</compile_context>

<pallas_src>
import functools

import jax
import jax.numpy as jnp
from jax import lax
from jax.experimental import pallas as pl
from jax.experimental.pallas import tpu as pltpu
from jax.experimental.pallas import tpu_sc as plsc

N_CB = 2
K = 1024
D = 128
DM = 256
ROWS = 8192
RB = 512
NB = ROWS // RB

_NC = 2
_NS = 16
_NW = _NC * _NS
_BPW = ROWS // _NW
_CHUNK = 64


def _tables_body(cb_ref, w_ref, m_ref):
    m_ref[0] = jnp.dot(cb_ref[0], w_ref[...],
                       preferred_element_type=jnp.float32)


def _build_tables(codebooks, W_dec):
    return pl.pallas_call(
        _tables_body,
        grid=(N_CB,),
        in_specs=[
            pl.BlockSpec((1, K, D), lambda i: (i, 0, 0)),
            pl.BlockSpec((D, DM), lambda i: (i, 0)),
        ],
        out_specs=pl.BlockSpec((1, K, DM), lambda i: (i, 0, 0)),
        out_shape=jax.ShapeDtypeStruct((N_CB, K, DM), jnp.float32),
    )(codebooks, W_dec)


def _argmin_body(z_ref, cb_ref, idx0_ref, idx1_ref, dsum_ref):
    zb = z_ref[...]
    acc = jnp.float32(0.0)
    for i in range(N_CB):
        cb = cb_ref[i]
        zc = zb[:, i * D:(i + 1) * D]
        s = lax.dot_general(cb, zc, (((1,), (1,)), ((), ())),
                            preferred_element_type=jnp.float32)
        cn = jnp.sum(cb * cb, axis=1)
        d = cn[:, None] - 2.0 * s
        iota = lax.broadcasted_iota(jnp.int32, (128, RB), 0)
        best = d[0:128, :]
        bidx = iota
        for j in range(1, K // 128):
            blk = d[j * 128:(j + 1) * 128, :]
            lt = blk < best
            best = jnp.minimum(best, blk)
            bidx = jnp.where(lt, iota + j * 128, bidx)
        m = jnp.min(best, axis=0, keepdims=True)
        idx = jnp.min(jnp.where(best == m, bidx, K), axis=0)
        if i == 0:
            idx0_ref[0, 0, :] = idx
        else:
            idx1_ref[0, 0, :] = idx + K
        acc += jnp.sum(zc * zc) + jnp.sum(m)
    prev = jnp.where(pl.program_id(0) == 0,
                     jnp.zeros((1, 1), jnp.float32), dsum_ref[...])
    dsum_ref[...] = prev + acc


def _argmin(zf, codebooks):
    return pl.pallas_call(
        _argmin_body,
        grid=(NB,),
        in_specs=[
            pl.BlockSpec((RB, DM), lambda i: (i, 0)),
            pl.BlockSpec((N_CB, K, D), lambda i: (0, 0, 0)),
        ],
        out_specs=[
            pl.BlockSpec((1, 1, RB), lambda i: (i, 0, 0)),
            pl.BlockSpec((1, 1, RB), lambda i: (i, 0, 0)),
            pl.BlockSpec((1, 1), lambda i: (0, 0)),
        ],
        out_shape=[
            jax.ShapeDtypeStruct((NB, 1, RB), jnp.int32),
            jax.ShapeDtypeStruct((NB, 1, RB), jnp.int32),
            jax.ShapeDtypeStruct((1, 1), jnp.float32),
        ],
    )(zf, codebooks)


def _sc_gather_add(tables, idxc):
    mesh = plsc.VectorSubcoreMesh(core_axis_name="c", subcore_axis_name="s")
    nchunks = _BPW // _CHUNK

    @functools.partial(
        pl.kernel, mesh=mesh,
        out_type=jax.ShapeDtypeStruct((ROWS, DM), jnp.float32),
        scratch_types=[
            pltpu.VMEM((nchunks, 2 * _CHUNK), jnp.int32),
            pltpu.VMEM((2 * _CHUNK, DM), jnp.float32),
            pltpu.VMEM((2 * _CHUNK, DM), jnp.float32),
            pltpu.SemaphoreType.DMA,
            pltpu.SemaphoreType.DMA,
            pltpu.SemaphoreType.DMA,
        ],
    )
    def k(tab_hbm, ic_hbm, out_hbm, ic_v, ra, rb, sema, semb, wsem):
        wid = lax.axis_index("s") * _NC + lax.axis_index("c")
        base = wid * _BPW
        pltpu.sync_copy(ic_hbm.at[wid], ic_v)
        bufs = [(ra, sema), (rb, semb)]

        def fire(c):
            r, sem = bufs[c % 2]
            return pltpu.async_copy(tab_hbm.at[ic_v.at[c]], r, sem)

        gh = {0: fire(0)}
        wh = {}
        for c in range(nchunks):
            r, _ = bufs[c % 2]
            if c + 1 < nchunks:
                if c - 1 >= 0:
                    wh[c - 1].wait()
                gh[c + 1] = fire(c + 1)
            gh[c].wait()

            def body(i, carry):
                for g in range(DM // 16):
                    sl = pl.ds(g * 16, 16)
                    r[i, sl] = r[i, sl] + r[_CHUNK + i, sl]
                return carry

            lax.fori_loop(0, _CHUNK, body, 0)
            wh[c] = pltpu.async_copy(
                r.at[pl.ds(0, _CHUNK)],
                out_hbm.at[pl.ds(base + c * _CHUNK, _CHUNK)], wsem)
        wh[nchunks - 2].wait()
        wh[nchunks - 1].wait()

    return k(tables, idxc)


def kernel(z, codebooks, W_dec):
    zf = z.reshape(ROWS, DM)
    tables = _build_tables(codebooks, W_dec).reshape(N_CB * K, DM)
    idx0, idx1, dsum = _argmin(zf, codebooks)
    nchunks = _BPW // _CHUNK
    i0 = idx0.reshape(_NW, nchunks, 1, _CHUNK)
    i1 = idx1.reshape(_NW, nchunks, 1, _CHUNK)
    idxc = jnp.concatenate([i0, i1], axis=2).reshape(_NW, nchunks, 2 * _CHUNK)
    out = _sc_gather_add(tables, idxc)
    output = out.reshape(z.shape)
    diff_mean = dsum[0, 0] * (1.0 / (N_CB * ROWS * D))
    return output, diff_mean

# --- scband reference (transcript-rebuilt; emitter-appended) ---
"""Pipeline reference for scband-qstack-79654463472382 (READ-ONLY COPY).

The authoritative reference and input builder live on the scoring server;
editing this copy changes nothing except your own understanding.
"""

import jax, jax.numpy as jnp
import numpy as np

NUM_CODEBOOKS = 2
EMBED_DIM = 256
NUM_EMBEDDINGS = 1024
CODE_DIM = EMBED_DIM // NUM_CODEBOOKS
B = 8
T = 1024  # 32x32 latent grid


def setup_inputs(seed: int = 0) -> dict:
    key = jax.random.key(seed)
    k1, k2, k3 = jax.random.split(key, 3)
    z = jax.random.normal(k1, (B, T, EMBED_DIM), dtype=jnp.float32)
    codebooks = jax.random.normal(k2, (NUM_CODEBOOKS, NUM_EMBEDDINGS, CODE_DIM), dtype=jnp.float32)
    W_dec = jax.random.normal(k3, (EMBED_DIM, EMBED_DIM), dtype=jnp.float32) * 0.02
    return {"z": z, "codebooks": codebooks, "W_dec": W_dec}


def _quantize(z_e, codebook):
    # z_e: [B, T, d], codebook: [K, d] -- nearest-neighbour VQ (Quantize module)
    flat = z_e.reshape(-1, z_e.shape[-1])
    dist = (
        jnp.sum(flat ** 2, axis=1, keepdims=True)
        - 2.0 * flat @ codebook.T
        + jnp.sum(codebook ** 2, axis=1)[None, :]
    )
    argmin = jnp.argmin(dist, axis=1)
    quantized = jnp.take(codebook, argmin, axis=0).reshape(z_e.shape)
    # commitment term: (quantize.detach() - input)^2.mean()
    diff = jnp.mean((jax.lax.stop_gradient(quantized) - z_e) ** 2)
    # straight-through estimator
    z_q = z_e + jax.lax.stop_gradient(quantized - z_e)
    # codebook perplexity
    counts = jnp.bincount(argmin, length=NUM_EMBEDDINGS).astype(jnp.float32)
    probs = counts / jnp.sum(counts)
    ppl = jnp.exp(-jnp.sum(probs * jnp.log(probs + 1e-10)))
    return z_q, diff, argmin, ppl


def reference(z, codebooks, W_dec):
    # QLayer.up: encode -> chunk over codebooks -> quantize each chunk -> concat
    chunks = jnp.split(z, NUM_CODEBOOKS, axis=-1)
    z_q_s, diffs, argmins, ppls = [], [], [], []
    for i in range(NUM_CODEBOOKS):
        z_q, diff, argmin, ppl = _quantize(chunks[i], codebooks[i])
        z_q_s.append(z_q)
        diffs.append(diff)
        argmins.append(argmin)
        ppls.append(ppl)
    z_q = jnp.concatenate(z_q_s, axis=-1)
    # QLayer.down: decode (modeled as a dense projection)
    output = z_q @ W_dec
    diff_mean = sum(diffs) / len(diffs)
    return output, diff_mean

if __name__ == "__main__":
    import jax
    _d = setup_inputs()
    print(jax.jit(kernel)(*tuple(_d.values())))

</pallas_src>

<mosaic_0001>
#map = affine_map<(d0, d1) -> (0, 0)>
#map1 = affine_map<(d0, d1) -> (0, 0, 0)>
module attributes {stable_mosaic.version = 14 : i64} {
  func.func @k(%arg0: i32, %arg1: i32, %arg2: memref<2048x256xf32, #tpu.memory_space<hbm>>, %arg3: memref<32x4x128xi32, #tpu.memory_space<hbm>>, %arg4: memref<8192x256xf32, #tpu.memory_space<hbm>>, %arg5: memref<4x128xi32, #tpu.memory_space<vmem>>, %arg6: memref<128x256xf32, #tpu.memory_space<vmem>>, %arg7: memref<128x256xf32, #tpu.memory_space<vmem>>, %arg8: memref<!tpu.dma_semaphore, #tpu.memory_space<semaphore_mem>>, %arg9: memref<!tpu.dma_semaphore, #tpu.memory_space<semaphore_mem>>, %arg10: memref<!tpu.dma_semaphore, #tpu.memory_space<semaphore_mem>>) attributes {dimension_semantics = [#tpu.dimension_semantics<core_parallel>, #tpu.dimension_semantics<subcore_parallel>], iteration_bounds = array<i64: 2, 16>, scalar_prefetch = 0 : i64, scratch_operands = 6 : i64, tpu.core_type = #tpu.core_type<sc_vector_subcore>, window_params = [{transform_indices = #map}, {transform_indices = #map1}, {transform_indices = #map}]} {
    %mul3A = arith.constant 2 : i32
    %mul3A_0 = arith.muli %arg1, %mul3A : i32
    %add3A = arith.addi %mul3A_0, %arg0 : i32
    %mul3A_1 = arith.constant 256 : i32
    %mul3A_2 = arith.muli %add3A, %mul3A_1 : i32
    "tpu.region"() ({
      %run_scoped3A = tpu.sem_alloc : memref<!tpu.dma_semaphore, #tpu.memory_space<semaphore_mem>>
      %dma_start3A_168 = arith.constant 0 : i32
      %dma_start3A_169 = arith.constant 0 : i32
      %dma_start3A_170 = tpu.memref_slice %arg3[%add3A, %dma_start3A_168, %dma_start3A_169] : memref<32x4x128xi32, #tpu.memory_space<hbm>> -> memref<1x4x128xi32, #tpu.memory_space<hbm>>
      %dma_start3A_171 = tpu.memref_squeeze %dma_start3A_170 : memref<1x4x128xi32, #tpu.memory_space<hbm>> -> memref<4x128xi32, #tpu.memory_space<hbm>>
      %dma_start3A_172 = arith.constant 0 : i32
      %dma_start3A_173 = arith.constant 0 : i32
      %dma_start3A_174 = tpu.memref_slice %arg3[%add3A, %dma_start3A_172, %dma_start3A_173] : memref<32x4x128xi32, #tpu.memory_space<hbm>> -> memref<1x4x128xi32, #tpu.memory_space<hbm>>
      %dma_start3A_175 = tpu.memref_squeeze %dma_start3A_174 : memref<1x4x128xi32, #tpu.memory_space<hbm>> -> memref<4x128xi32, #tpu.memory_space<hbm>>
      tpu.enqueue_dma source(%dma_start3A_175 : memref<4x128xi32, #tpu.memory_space<hbm>>) target(%arg5 : memref<4x128xi32, #tpu.memory_space<vmem>>) target_semaphore(%run_scoped3A : memref<!tpu.dma_semaphore, #tpu.memory_space<semaphore_mem>>)
      %dma_wait3A_176 = arith.constant 0 : i32
      %dma_wait3A_177 = arith.constant 0 : i32
      %dma_wait3A_178 = tpu.memref_slice %arg3[%add3A, %dma_wait3A_176, %dma_wait3A_177] : memref<32x4x128xi32, #tpu.memory_space<hbm>> -> memref<1x4x128xi32, #tpu.memory_space<hbm>>
      %dma_wait3A_179 = tpu.memref_squeeze %dma_wait3A_178 : memref<1x4x128xi32, #tpu.memory_space<hbm>> -> memref<4x128xi32, #tpu.memory_space<hbm>>
      %dma_wait3A_180 = arith.constant 0 : i32
      %dma_wait3A_181 = arith.constant 0 : i32
      %dma_wait3A_182 = tpu.memref_slice %arg3[%add3A, %dma_wait3A_180, %dma_wait3A_181] : memref<32x4x128xi32, #tpu.memory_space<hbm>> -> memref<1x4x128xi32, #tpu.memory_space<hbm>>
      %dma_wait3A_183 = tpu.memref_squeeze %dma_wait3A_182 : memref<1x4x128xi32, #tpu.memory_space<hbm>> -> memref<4x128xi32, #tpu.memory_space<hbm>>
      tpu.wait_dma2 semaphore(%run_scoped3A : memref<!tpu.dma_semaphore, #tpu.memory_space<semaphore_mem>>) src(%dma_wait3A_183 : memref<4x128xi32, #tpu.memory_space<hbm>>) dst(%arg5 : memref<4x128xi32, #tpu.memory_space<vmem>>)
      tpu.yield
    }) : () -> ()
    %dma_start3A = arith.constant 0 : i32
    %dma_start3A_3 = arith.constant 0 : i32
    %dma_start3A_4 = tpu.memref_slice %arg5[%dma_start3A, %dma_start3A_3] : memref<4x128xi32, #tpu.memory_space<vmem>> -> memref<1x128xi32, #tpu.memory_space<vmem>>
    %dma_start3A_5 = tpu.memref_squeeze %dma_start3A_4 : memref<1x128xi32, #tpu.memory_space<vmem>> -> memref<128xi32, #tpu.memory_space<vmem>>
    %dma_start3A_6 = arith.constant 0 : i32
    %dma_start3A_7 = arith.constant 0 : i32
    %dma_start3A_8 = tpu.memref_slice %arg2[%dma_start3A_6, %dma_start3A_7] : memref<2048x256xf32, #tpu.memory_space<hbm>> -> memref<2048x256xf32, #tpu.memory_space<hbm>>
    tpu.enqueue_indirect_dma source(%dma_start3A_8 : memref<2048x256xf32, #tpu.memory_space<hbm>>) target(%arg6 : memref<128x256xf32, #tpu.memory_space<vmem>>) offsets(%dma_start3A_5 : memref<128xi32, #tpu.memory_space<vmem>>) semaphore(%arg8 : memref<!tpu.dma_semaphore, #tpu.memory_space<semaphore_mem>>)
    %dma_start3A_9 = arith.constant 1 : i32
    %dma_start3A_10 = arith.constant 0 : i32
    %dma_start3A_11 = tpu.memref_slice %arg5[%dma_start3A_9, %dma_start3A_10] : memref<4x128xi32, #tpu.memory_space<vmem>> -> memref<1x128xi32, #tpu.memory_space<vmem>>
    %dma_start3A_12 = tpu.memref_squeeze %dma_start3A_11 : memref<1x128xi32, #tpu.memory_space<vmem>> -> memref<128xi32, #tpu.memory_space<vmem>>
    %dma_start3A_13 = arith.constant 0 : i32
    %dma_start3A_14 = arith.constant 0 : i32
    %dma_start3A_15 = tpu.memref_slice %arg2[%dma_start3A_13, %dma_start3A_14] : memref<2048x256xf32, #tpu.memory_space<hbm>> -> memref<2048x256xf32, #tpu.memory_space<hbm>>
    tpu.enqueue_indirect_dma source(%dma_start3A_15 : memref<2048x256xf32, #tpu.memory_space<hbm>>) target(%arg7 : memref<128x256xf32, #tpu.memory_space<vmem>>) offsets(%dma_start3A_12 : memref<128xi32, #tpu.memory_space<vmem>>) semaphore(%arg9 : memref<!tpu.dma_semaphore, #tpu.memory_space<semaphore_mem>>)
    %dma_wait3A = arith.constant 0 : i32
    %dma_wait3A_16 = arith.constant 0 : i32
    %dma_wait3A_17 = tpu.memref_slice %arg5[%dma_wait3A, %dma_wait3A_16] : memref<4x128xi32, #tpu.memory_space<vmem>> -> memref<1x128xi32, #tpu.memory_space<vmem>>
    %dma_wait3A_18 = tpu.memref_squeeze %dma_wait3A_17 : memref<1x128xi32, #tpu.memory_space<vmem>> -> memref<128xi32, #tpu.memory_space<vmem>>
    %dma_wait3A_19 = arith.constant 0 : i32
    %dma_wait3A_20 = arith.constant 0 : i32
    %dma_wait3A_21 = tpu.memref_slice %arg2[%dma_wait3A_19, %dma_wait3A_20] : memref<2048x256xf32, #tpu.memory_space<hbm>> -> memref<2048x256xf32, #tpu.memory_space<hbm>>
    tpu.wait_indirect_dma semaphore(%arg8 : memref<!tpu.dma_semaphore, #tpu.memory_space<semaphore_mem>>) src(%dma_wait3A_21 : memref<2048x256xf32, #tpu.memory_space<hbm>>) dst(%arg6 : memref<128x256xf32, #tpu.memory_space<vmem>>)
    %scan3A = arith.constant 0 : i32
    %scan3A_22 = arith.constant 0 : i32
    %scan3A_23 = arith.constant 64 : i32
    %scan3A_24 = arith.addi %scan3A_22, %scan3A_23 : i32
    %scan3A_25 = arith.constant 1 : i32
    scf.for %scan3A_168 = %scan3A_22 to %scan3A_24 step %scan3A_25  : i32 {
      %get3A = arith.index_cast %scan3A_168 : i32 to index
      %get3A_169 = arith.constant 0 : index
      %get3A_170 = tpu.vector_load %arg6[%get3A, %get3A_169] {strides = array<i32>} : memref<128x256xf32, #tpu.memory_space<vmem>>, vector<1x16xf32>,
      %get3A_171 = vector.shape_cast %get3A_170 : vector<1x16xf32> to vector<16xf32>
      %add3A_172 = arith.constant 64 : i32
      %add3A_173 = arith.addi %add3A_172, %scan3A_168 : i32
      %get3A_174 = arith.index_cast %add3A_173 : i32 to index
      %get3A_175 = arith.constant 0 : index
      %get3A_176 = tpu.vector_load %arg6[%get3A_174, %get3A_175] {strides = array<i32>} : memref<128x256xf32, #tpu.memory_space<vmem>>, vector<1x16xf32>,
      %get3A_177 = vector.shape_cast %get3A_176 : vector<1x16xf32> to vector<16xf32>
      %add3A_178 = arith.addf %get3A_171, %get3A_177 : vector<16xf32>
      %swap3A = arith.index_cast %scan3A_168 : i32 to index
      %swap3A_179 = arith.constant 0 : index
      %swap3A_180 = tpu.vector_load %arg6[%swap3A, %swap3A_179] {strides = array<i32>} : memref<128x256xf32, #tpu.memory_space<vmem>>, vector<1x16xf32>,
      %swap3A_181 = vector.shape_cast %swap3A_180 : vector<1x16xf32> to vector<16xf32>
      %swap3A_182 = vector.shape_cast %add3A_178 : vector<16xf32> to vector<1x16xf32>
      tpu.vector_store %arg6[%swap3A, %swap3A_179], %swap3A_182 {strides = array<i32>} : memref<128x256xf32, #tpu.memory_space<vmem>>, vector<1x16xf32>,
      %get3A_183 = arith.index_cast %scan3A_168 : i32 to index
      %get3A_184 = arith.constant 16 : index
      %get3A_185 = tpu.vector_load %arg6[%get3A_183, %get3A_184] {strides = array<i32>} : memref<128x256xf32, #tpu.memory_space<vmem>>, vector<1x16xf32>,
      %get3A_186 = vector.shape_cast %get3A_185 : vector<1x16xf32> to vector<16xf32>
      %add3A_187 = arith.constant 64 : i32
      %add3A_188 = arith.addi %add3A_187, %scan3A_168 : i32
      %get3A_189 = arith.index_cast %add3A_188 : i32 to index
      %get3A_190 = arith.constant 16 : index
      %get3A_191 = tpu.vector_load %arg6[%get3A_189, %get3A_190] {strides = array<i32>} : memref<128x256xf32, #tpu.memory_space<vmem>>, vector<1x16xf32>,
      %get3A_192 = vector.shape_cast %get3A_191 : vector<1x16xf32> to vector<16xf32>
      %add3A_193 = arith.addf %get3A_186, %get3A_192 : vector<16xf32>
      %swap3A_194 = arith.index_cast %scan3A_168 : i32 to index
      %swap3A_195 = arith.constant 16 : index
      %swap3A_196 = tpu.vector_load %arg6[%swap3A_194, %swap3A_195] {strides = array<i32>} : memref<128x256xf32, #tpu.memory_space<vmem>>, vector<1x16xf32>,
      %swap3A_197 = vector.shape_cast %swap3A_196 : vector<1x16xf32> to vector<16xf32>
      %swap3A_198 = vector.shape_cast %add3A_193 : vector<16xf32> to vector<1x16xf32>
      tpu.vector_store %arg6[%swap3A_194, %swap3A_195], %swap3A_198 {strides = array<i32>} : memref<128x256xf32, #tpu.memory_space<vmem>>, vector<1x16xf32>,
      %get3A_199 = arith.index_cast %scan3A_168 : i32 to index
      %get3A_200 = arith.constant 32 : index
      %get3A_201 = tpu.vector_load %arg6[%get3A_199, %get3A_200] {strides = array<i32>} : memref<128x256xf32, #tpu.memory_space<vmem>>, vector<1x16xf32>,
      %get3A_202 = vector.shape_cast %get3A_201 : vector<1x16xf32> to vector<16xf32>
      %add3A_203 = arith.constant 64 : i32
      %add3A_204 = arith.addi %add3A_203, %scan3A_168 : i32
      %get3A_205 = arith.index_cast %add3A_204 : i32 to index
      %get3A_206 = arith.constant 32 : index
      %get3A_207 = tpu.vector_load %arg6[%get3A_205, %get3A_206] {strides = array<i32>} : memref<128x256xf32, #tpu.memory_space<vmem>>, vector<1x16xf32>,
      %get3A_208 = vector.shape_cast %get3A_207 : vector<1x16xf32> to vector<16xf32>
      %add3A_209 = arith.addf %get3A_202, %get3A_208 : vector<16xf32>
      %swap3A_210 = arith.index_cast %scan3A_168 : i32 to index
      %swap3A_211 = arith.constant 32 : index
      %swap3A_212 = tpu.vector_load %arg6[%swap3A_210, %swap3A_211] {strides = array<i32>} : memref<128x256xf32, #tpu.memory_space<vmem>>, vector<1x16xf32>,
      %swap3A_213 = vector.shape_cast %swap3A_212 : vector<1x16xf32> to vector<16xf32>
      %swap3A_214 = vector.shape_cast %add3A_209 : vector<16xf32> to vector<1x16xf32>
      tpu.vector_store %arg6[%swap3A_210, %swap3A_211], %swap3A_214 {strides = array<i32>} : memref<128x256xf32, #tpu.memory_space<vmem>>, vector<1x16xf32>,
      %get3A_215 = arith.index_cast %scan3A_168 : i32 to index
      %get3A_216 = arith.constant 48 : index
      %get3A_217 = tpu.vector_load %arg6[%get3A_215, %get3A_216] {strides = array<i32>} : memref<128x256xf32, #tpu.memory_space<vmem>>, vector<1x16xf32>,
      %get3A_218 = vector.shape_cast %get3A_217 : vector<1x16xf32> to vector<16xf32>
      %add3A_219 = arith.constant 64 : i32
      %add3A_220 = arith.addi %add3A_219, %scan3A_168 : i32
      %get3A_221 = arith.index_cast %add3A_220 : i32 to index
      %get3A_222 = arith.constant 48 : index
      %get3A_223 = tpu.vector_load %arg6[%get3A_221, %get3A_222] {strides = array<i32>} : memref<128x256xf32, #tpu.memory_space<vmem>>, vector<1x16xf32>,
      %get3A_224 = vector.shape_cast %get3A_223 : vector<1x16xf32> to vector<16xf32>
      %add3A_225 = arith.addf %get3A_218, %get3A_224 : vector<16xf32>
      %swap3A_226 = arith.index_cast %scan3A_168 : i32 to index
      %swap3A_227 = arith.constant 48 : index
      %swap3A_228 = tpu.vector_load %arg6[%swap3A_226, %swap3A_227] {strides = array<i32>} : memref<128x256xf32, #tpu.memory_space<vmem>>, vector<1x16xf32>,
      %swap3A_229 = vector.shape_cast %swap3A_228 : vector<1x16xf32> to vector<16xf32>
      %swap3A_230 = vector.shape_cast %add3A_225 : vector<16xf32> to vector<1x16xf32>
      tpu.vector_store %arg6[%swap3A_226, %swap3A_227], %swap3A_230 {strides = array<i32>} : memref<128x256xf32, #tpu.memory_space<vmem>>, vector<1x16xf32>,
      %get3A_231 = arith.index_cast %scan3A_168 : i32 to index
      %get3A_232 = arith.constant 64 : index
      %get3A_233 = tpu.vector_load %arg6[%get3A_231, %get3A_232] {strides = array<i32>} : memref<128x256xf32, #tpu.memory_space<vmem>>, vector<1x16xf32>,
      %get3A_234 = vector.shape_cast %get3A_233 : vector<1x16xf32> to vector<16xf32>
      %add3A_235 = arith.constant 64 : i32
      %add3A_236 = arith.addi %add3A_235, %scan3A_168 : i32
      %get3A_237 = arith.index_cast %add3A_236 : i32 to index
      %get3A_238 = arith.constant 64 : index
      %get3A_239 = tpu.vector_load %arg6[%get3A_237, %get3A_238] {strides = array<i32>} : memref<128x256xf32, #tpu.memory_space<vmem>>, vector<1x16xf32>,
      %get3A_240 = vector.shape_cast %get3A_239 : vector<1x16xf32> to vector<16xf32>
      %add3A_241 = arith.addf %get3A_234, %get3A_240 : vector<16xf32>
      %swap3A_242 = arith.index_cast %scan3A_168 : i32 to index
      %swap3A_243 = arith.constant 64 : index
      %swap3A_244 = tpu.vector_load %arg6[%swap3A_242, %swap3A_243] {strides = array<i32>} : memref<128x256xf32, #tpu.memory_space<vmem>>, vector<1x16xf32>,
      %swap3A_245 = vector.shape_cast %swap3A_244 : vector<1x16xf32> to vector<16xf32>
      %swap3A_246 = vector.shape_cast %add3A_241 : vector<16xf32> to vector<1x16xf32>
      tpu.vector_store %arg6[%swap3A_242, %swap3A_243], %swap3A_246 {strides = array<i32>} : memref<128x256xf32, #tpu.memory_space<vmem>>, vector<1x16xf32>,
      %get3A_247 = arith.index_cast %scan3A_168 : i32 to index
      %get3A_248 = arith.constant 80 : index
      %get3A_249 = tpu.vector_load %arg6[%get3A_247, %get3A_248] {strides = array<i32>} : memref<128x256xf32, #tpu.memory_space<vmem>>, vector<1x16xf32>,
      %get3A_250 = vector.shape_cast %get3A_249 : vector<1x16xf32> to vector<16xf32>
      %add3A_251 = arith.constant 64 : i32
      %add3A_252 = arith.addi %add3A_251, %scan3A_168 : i32
      %get3A_253 = arith.index_cast %add3A_252 : i32 to index
      %get3A_254 = arith.constant 80 : index
      %get3A_255 = tpu.vector_load %arg6[%get3A_253, %get3A_254] {strides = array<i32>} : memref<128x256xf32, #tpu.memory_space<vmem>>, vector<1x16xf32>,
      %get3A_256 = vector.shape_cast %get3A_255 : vector<1x16xf32> to vector<16xf32>
      %add3A_257 = arith.addf %get3A_250, %get3A_256 : vector<16xf32>
      %swap3A_258 = arith.index_cast %scan3A_168 : i32 to index
      %swap3A_259 = arith.constant 80 : index
      %swap3A_260 = tpu.vector_load %arg6[%swap3A_258, %swap3A_259] {strides = array<i32>} : memref<128x256xf32, #tpu.memory_space<vmem>>, vector<1x16xf32>,
      %swap3A_261 = vector.shape_cast %swap3A_260 : vector<1x16xf32> to vector<16xf32>
      %swap3A_262 = vector.shape_cast %add3A_257 : vector<16xf32> to vector<1x16xf32>
      tpu.vector_store %arg6[%swap3A_258, %swap3A_259], %swap3A_262 {strides = array<i32>} : memref<128x256xf32, #tpu.memory_space<vmem>>, vector<1x16xf32>,
      %get3A_263 = arith.index_cast %scan3A_168 : i32 to index
      %get3A_264 = arith.constant 96 : index
      %get3A_265 = tpu.vector_load %arg6[%get3A_263, %get3A_264] {strides = array<i32>} : memref<128x256xf32, #tpu.memory_space<vmem>>, vector<1x16xf32>,
      %get3A_266 = vector.shape_cast %get3A_265 : vector<1x16xf32> to vector<16xf32>
      %add3A_267 = arith.constant 64 : i32
      %add3A_268 = arith.addi %add3A_267, %scan3A_168 : i32
      %get3A_269 = arith.index_cast %add3A_268 : i32 to index
      %get3A_270 = arith.constant 96 : index
      %get3A_271 = tpu.vector_load %arg6[%get3A_269, %get3A_270] {strides = array<i32>} : memref<128x256xf32, #tpu.memory_space<vmem>>, vector<1x16xf32>,
      %get3A_272 = vector.shape_cast %get3A_271 : vector<1x16xf32> to vector<16xf32>
      %add3A_273 = arith.addf %get3A_266, %get3A_272 : vector<16xf32>
      %swap3A_274 = arith.index_cast %scan3A_168 : i32 to index
      %swap3A_275 = arith.constant 96 : index
      %swap3A_276 = tpu.vector_load %arg6[%swap3A_274, %swap3A_275] {strides = array<i32>} : memref<128x256xf32, #tpu.memory_space<vmem>>, vector<1x16xf32>,
      %swap3A_277 = vector.shape_cast %swap3A_276 : vector<1x16xf32> to vector<16xf32>
      %swap3A_278 = vector.shape_cast %add3A_273 : vector<16xf32> to vector<1x16xf32>
      tpu.vector_store %arg6[%swap3A_274, %swap3A_275], %swap3A_278 {strides = array<i32>} : memref<128x256xf32, #tpu.memory_space<vmem>>, vector<1x16xf32>,
      %get3A_279 = arith.index_cast %scan3A_168 : i32 to index
      %get3A_280 = arith.constant 112 : index
      %get3A_281 = tpu.vector_load %arg6[%get3A_279, %get3A_280] {strides = array<i32>} : memref<128x256xf32, #tpu.memory_space<vmem>>, vector<1x16xf32>,
      %get3A_282 = vector.shape_cast %get3A_281 : vector<1x16xf32> to vector<16xf32>
      %add3A_283 = arith.constant 64 : i32
      %add3A_284 = arith.addi %add3A_283, %scan3A_168 : i32
      %get3A_285 = arith.index_cast %add3A_284 : i32 to index
      %get3A_286 = arith.constant 112 : index
      %get3A_287 = tpu.vector_load %arg6[%get3A_285, %get3A_286] {strides = array<i32>} : memref<128x256xf32, #tpu.memory_space<vmem>>, vector<1x16xf32>,
      %get3A_288 = vector.shape_cast %get3A_287 : vector<1x16xf32> to vector<16xf32>
      %add3A_289 = arith.addf %get3A_282, %get3A_288 : vector<16xf32>
      %swap3A_290 = arith.index_cast %scan3A_168 : i32 to index
      %swap3A_291 = arith.constant 112 : index
      %swap3A_292 = tpu.vector_load %arg6[%swap3A_290, %swap3A_291] {strides = array<i32>} : memref<128x256xf32, #tpu.memory_space<vmem>>, vector<1x16xf32>,
      %swap3A_293 = vector.shape_cast %swap3A_292 : vector<1x16xf32> to vector<16xf32>
      %swap3A_294 = vector.shape_cast %add3A_289 : vector<16xf32> to vector<1x16xf32>
      tpu.vector_store %arg6[%swap3A_290, %swap3A_291], %swap3A_294 {strides = array<i32>} : memref<128x256xf32, #tpu.memory_space<vmem>>, vector<1x16xf32>,
      %get3A_295 = arith.index_cast %scan3A_168 : i32 to index
      %get3A_296 = arith.constant 128 : index
      %get3A_297 = tpu.vector_load %arg6[%get3A_295, %get3A_296] {strides = array<i32>} : memref<128x256xf32, #tpu.memory_space<vmem>>, vector<1x16xf32>,
      %get3A_298 = vector.shape_cast %get3A_297 : vector<1x16xf32> to vector<16xf32>
      %add3A_299 = arith.constant 64 : i32
      %add3A_300 = arith.addi %add3A_299, %scan3A_168 : i32
      %get3A_301 = arith.index_cast %add3A_300 : i32 to index
      %get3A_302 = arith.constant 128 : index
      %get3A_303 = tpu.vector_load %arg6[%get3A_301, %get3A_302] {strides = array<i32>} : memref<128x256xf32, #tpu.memory_space<vmem>>, vector<1x16xf32>,
      %get3A_304 = vector.shape_cast %get3A_303 : vector<1x16xf32> to vector<16xf32>
      %add3A_305 = arith.addf %get3A_298, %get3A_304 : vector<16xf32>
      %swap3A_306 = arith.index_cast %scan3A_168 : i32 to index
      %swap3A_307 = arith.constant 128 : index
      %swap3A_308 = tpu.vector_load %arg6[%swap3A_306, %swap3A_307] {strides = array<i32>} : memref<128x256xf32, #tpu.memory_space<vmem>>, vector<1x16xf32>,
      %swap3A_309 = vector.shape_cast %swap3A_308 : vector<1x16xf32> to vector<16xf32>
      %swap3A_310 = vector.shape_cast %add3A_305 : vector<16xf32> to vector<1x16xf32>
      tpu.vector_store %arg6[%swap3A_306, %swap3A_307], %swap3A_310 {strides = array<i32>} : memref<128x256xf32, #tpu.memory_space<vmem>>, vector<1x16xf32>,
      %get3A_311 = arith.index_cast %scan3A_168 : i32 to index
      %get3A_312 = arith.constant 144 : index
      %get3A_313 = tpu.vector_load %arg6[%get3A_311, %get3A_312] {strides = array<i32>} : memref<128x256xf32, #tpu.memory_space<vmem>>, vector<1x16xf32>,
      %get3A_314 = vector.shape_cast %get3A_313 : vector<1x16xf32> to vector<16xf32>
      %add3A_315 = arith.constant 64 : i32
      %add3A_316 = arith.addi %add3A_315, %scan3A_168 : i32
      %get3A_317 = arith.index_cast %add3A_316 : i32 to index
      %get3A_318 = arith.constant 144 : index
      %get3A_319 = tpu.vector_load %arg6[%get3A_317, %get3A_318] {strides = array<i32>} : memref<128x256xf32, #tpu.memory_space<vmem>>, vector<1x16xf32>,
      %get3A_320 = vector.shape_cast %get3A_319 : vector<1x16xf32> to vector<16xf32>
      %add3A_321 = arith.addf %get3A_314, %get3A_320 : vector<16xf32>
      %swap3A_322 = arith.index_cast %scan3A_168 : i32 to index
      %swap3A_323 = arith.constant 144 : index
      %swap3A_324 = tpu.vector_load %arg6[%swap3A_322, %swap3A_323] {strides = array<i32>} : memref<128x256xf32, #tpu.memory_space<vmem>>, vector<1x16xf32>,
      %swap3A_325 = vector.shape_cast %swap3A_324 : vector<1x16xf32> to vector<16xf32>
      %swap3A_326 = vector.shape_cast %add3A_321 : vector<16xf32> to vector<1x16xf32>
      tpu.vector_store %arg6[%swap3A_322, %swap3A_323], %swap3A_326 {strides = array<i32>} : memref<128x256xf32, #tpu.memory_space<vmem>>, vector<1x16xf32>,
      %get3A_327 = arith.index_cast %scan3A_168 : i32 to index
      %get3A_328 = arith.constant 160 : index
      %get3A_329 = tpu.vector_load %arg6[%get3A_327, %get3A_328] {strides = array<i32>} : memref<128x256xf32, #tpu.memory_space<vmem>>, vector<1x16xf32>,
      %get3A_330 = vector.shape_cast %get3A_329 : vector<1x16xf32> to vector<16xf32>
      %add3A_331 = arith.constant 64 : i32
      %add3A_332 = arith.addi %add3A_331, %scan3A_168 : i32
      %get3A_333 = arith.index_cast %add3A_332 : i32 to index
      %get3A_334 = arith.constant 160 : index
      %get3A_335 = tpu.vector_load %arg6[%get3A_333, %get3A_334] {strides = array<i32>} : memref<128x256xf32, #tpu.memory_space<vmem>>, vector<1x16xf32>,
      %get3A_336 = vector.shape_cast %get3A_335 : vector<1x16xf32> to vector<16xf32>
      %add3A_337 = arith.addf %get3A_330, %get3A_336 : vector<16xf32>
      %swap3A_338 = arith.index_cast %scan3A_168 : i32 to index
      %swap3A_339 = arith.constant 160 : index
      %swap3A_340 = tpu.vector_load %arg6[%swap3A_338, %swap3A_339] {strides = array<i32>} : memref<128x256xf32, #tpu.memory_space<vmem>>, vector<1x16xf32>,
      %swap3A_341 = vector.shape_cast %swap3A_340 : vector<1x16xf32> to vector<16xf32>
      %swap3A_342 = vector.shape_cast %add3A_337 : vector<16xf32> to vector<1x16xf32>
      tpu.vector_store %arg6[%swap3A_338, %swap3A_339], %swap3A_342 {strides = array<i32>} : memref<128x256xf32, #tpu.memory_space<vmem>>, vector<1x16xf32>,
      %get3A_343 = arith.index_cast %scan3A_168 : i32 to index
      %get3A_344 = arith.constant 176 : index
      %get3A_345 = tpu.vector_load %arg6[%get3A_343, %get3A_344] {strides = array<i32>} : memref<128x256xf32, #tpu.memory_space<vmem>>, vector<1x16xf32>,
      %get3A_346 = vector.shape_cast %get3A_345 : vector<1x16xf32> to vector<16xf32>
      %add3A_347 = arith.constant 64 : i32
      %add3A_348 = arith.addi %add3A_347, %scan3A_168 : i32
      %get3A_349 = arith.index_cast %add3A_348 : i32 to index
      %get3A_350 = arith.constant 176 : index
      %get3A_351 = tpu.vector_load %arg6[%get3A_349, %get3A_350] {strides = array<i32>} : memref<128x256xf32, #tpu.memory_space<vmem>>, vector<1x16xf32>,
      %get3A_352 = vector.shape_cast %get3A_351 : vector<1x16xf32> to vector<16xf32>
      %add3A_353 = arith.addf %get3A_346, %get3A_352 : vector<16xf32>
      %swap3A_354 = arith.index_cast %scan3A_168 : i32 to index
      %swap3A_355 = arith.constant 176 : index
      %swap3A_356 = tpu.vector_load %arg6[%swap3A_354, %swap3A_355] {strides = array<i32>} : memref<128x256xf32, #tpu.memory_space<vmem>>, vector<1x16xf32>,
      %swap3A_357 = vector.shape_cast %swap3A_356 : vector<1x16xf32> to vector<16xf32>
      %swap3A_358 = vector.shape_cast %add3A_353 : vector<16xf32> to vector<1x16xf32>
      tpu.vector_store %arg6[%swap3A_354, %swap3A_355], %swap3A_358 {strides = array<i32>} : memref<128x256xf32, #tpu.memory_space<vmem>>, vector<1x16xf32>,
      %get3A_359 = arith.index_cast %scan3A_168 : i32 to index
      %get3A_360 = arith.constant 192 : index
      %get3A_361 = tpu.vector_load %arg6[%get3A_359, %get3A_360] {strides = array<i32>} : memref<128x256xf32, #tpu.memory_space<vmem>>, vector<1x16xf32>,
      %get3A_362 = vector.shape_cast %get3A_361 : vector<1x16xf32> to vector<16xf32>
      %add3A_363 = arith.constant 64 : i32
      %add3A_364 = arith.addi %add3A_363, %scan3A_168 : i32
      %get3A_365 = arith.index_cast %add3A_364 : i32 to index
      %get3A_366 = arith.constant 192 : index
      %get3A_367 = tpu.vector_load %arg6[%get3A_365, %get3A_366] {strides = array<i32>} : memref<128x256xf32, #tpu.memory_space<vmem>>, vector<1x16xf32>,
      %get3A_368 = vector.shape_cast %get3A_367 : vector<1x16xf32> to vector<16xf32>
      %add3A_369 = arith.addf %get3A_362, %get3A_368 : vector<16xf32>
      %swap3A_370 = arith.index_cast %scan3A_168 : i32 to index
      %swap3A_371 = arith.constant 192 : index
      %swap3A_372 = tpu.vector_load %arg6[%swap3A_370, %swap3A_371] {strides = array<i32>} : memref<128x256xf32, #tpu.memory_space<vmem>>, vector<1x16xf32>,
      %swap3A_373 = vector.shape_cast %swap3A_372 : vector<1x16xf32> to vector<16xf32>
      %swap3A_374 = vector.shape_cast %add3A_369 : vector<16xf32> to vector<1x16xf32>
      tpu.vector_store %arg6[%swap3A_370, %swap3A_371], %swap3A_374 {strides = array<i32>} : memref<128x256xf32, #tpu.memory_space<vmem>>, vector<1x16xf32>,
      %get3A_375 = arith.index_cast %scan3A_168 : i32 to index
      %get3A_376 = arith.constant 208 : index
      %get3A_377 = tpu.vector_load %arg6[%get3A_375, %get3A_376] {strides = array<i32>} : memref<128x256xf32, #tpu.memory_space<vmem>>, vector<1x16xf32>,
      %get3A_378 = vector.shape_cast %get3A_377 : vector<1x16xf32> to vector<16xf32>
      %add3A_379 = arith.constant 64 : i32
      %add3A_380 = arith.addi %add3A_379, %scan3A_168 : i32
      %get3A_381 = arith.index_cast %add3A_380 : i32 to index
      %get3A_382 = arith.constant 208 : index
      %get3A_383 = tpu.vector_load %arg6[%get3A_381, %get3A_382] {strides = array<i32>} : memref<128x256xf32, #tpu.memory_space<vmem>>, vector<1x16xf32>,
      %get3A_384 = vector.shape_cast %get3A_383 : vector<1x16xf32> to vector<16xf32>
      %add3A_385 = arith.addf %get3A_378, %get3A_384 : vector<16xf32>
      %swap3A_386 = arith.index_cast %scan3A_168 : i32 to index
      %swap3A_387 = arith.constant 208 : index
      %swap3A_388 = tpu.vector_load %arg6[%swap3A_386, %swap3A_387] {strides = array<i32>} : memref<128x256xf32, #tpu.memory_space<vmem>>, vector<1x16xf32>,
      %swap3A_389 = vector.shape_cast %swap3A_388 : vector<1x16xf32> to vector<16xf32>
      %swap3A_390 = vector.shape_cast %add3A_385 : vector<16xf32> to vector<1x16xf32>
      tpu.vector_store %arg6[%swap3A_386, %swap3A_387], %swap3A_390 {strides = array<i32>} : memref<128x256xf32, #tpu.memory_space<vmem>>, vector<1x16xf32>,
      %get3A_391 = arith.index_cast %scan3A_168 : i32 to index
      %get3A_392 = arith.constant 224 : index
      %get3A_393 = tpu.vector_load %arg6[%get3A_391, %get3A_392] {strides = array<i32>} : memref<128x256xf32, #tpu.memory_space<vmem>>, vector<1x16xf32>,
      %get3A_394 = vector.shape_cast %get3A_393 : vector<1x16xf32> to vector<16xf32>
      %add3A_395 = arith.constant 64 : i32
      %add3A_396 = arith.addi %add3A_395, %scan3A_168 : i32
      %get3A_397 = arith.index_cast %add3A_396 : i32 to index
      %get3A_398 = arith.constant 224 : index
      %get3A_399 = tpu.vector_load %arg6[%get3A_397, %get3A_398] {strides = array<i32>} : memref<128x256xf32, #tpu.memory_space<vmem>>, vector<1x16xf32>,
      %get3A_400 = vector.shape_cast %get3A_399 : vector<1x16xf32> to vector<16xf32>
      %add3A_401 = arith.addf %get3A_394, %get3A_400 : vector<16xf32>
      %swap3A_402 = arith.index_cast %scan3A_168 : i32 to index
      %swap3A_403 = arith.constant 224 : index
      %swap3A_404 = tpu.vector_load %arg6[%swap3A_402, %swap3A_403] {strides = array<i32>} : memref<128x256xf32, #tpu.memory_space<vmem>>, vector<1x16xf32>,
      %swap3A_405 = vector.shape_cast %swap3A_404 : vector<1x16xf32> to vector<16xf32>
      %swap3A_406 = vector.shape_cast %add3A_401 : vector<16xf32> to vector<1x16xf32>
      tpu.vector_store %arg6[%swap3A_402, %swap3A_403], %swap3A_406 {strides = array<i32>} : memref<128x256xf32, #tpu.memory_space<vmem>>, vector<1x16xf32>,
      %get3A_407 = arith.index_cast %scan3A_168 : i32 to index
      %get3A_408 = arith.constant 240 : index
      %get3A_409 = tpu.vector_load %arg6[%get3A_407, %get3A_408] {strides = array<i32>} : memref<128x256xf32, #tpu.memory_space<vmem>>, vector<1x16xf32>,
      %get3A_410 = vector.shape_cast %get3A_409 : vector<1x16xf32> to vector<16xf32>
      %add3A_411 = arith.constant 64 : i32
      %add3A_412 = arith.addi %add3A_411, %scan3A_168 : i32
      %get3A_413 = arith.index_cast %add3A_412 : i32 to index
      %get3A_414 = arith.constant 240 : index
      %get3A_415 = tpu.vector_load %arg6[%get3A_413, %get3A_414] {strides = array<i32>} : memref<128x256xf32, #tpu.memory_space<vmem>>, vector<1x16xf32>,
      %get3A_416 = vector.shape_cast %get3A_415 : vector<1x16xf32> to vector<16xf32>
      %add3A_417 = arith.addf %get3A_410, %get3A_416 : vector<16xf32>
      %swap3A_418 = arith.index_cast %scan3A_168 : i32 to index
      %swap3A_419 = arith.constant 240 : index
      %swap3A_420 = tpu.vector_load %arg6[%swap3A_418, %swap3A_419] {strides = array<i32>} : memref<128x256xf32, #tpu.memory_space<vmem>>, vector<1x16xf32>,
      %swap3A_421 = vector.shape_cast %swap3A_420 : vector<1x16xf32> to vector<16xf32>
      %swap3A_422 = vector.shape_cast %add3A_417 : vector<16xf32> to vector<1x16xf32>
      tpu.vector_store %arg6[%swap3A_418, %swap3A_419], %swap3A_422 {strides = array<i32>} : memref<128x256xf32, #tpu.memory_space<vmem>>, vector<1x16xf32>,
    }
    %scan3A_26 = arith.constant 64 : i32
    %add3A_27 = arith.constant 0 : i32
    %add3A_28 = arith.addi %mul3A_2, %add3A_27 : i32
    %dma_start3A_29 = arith.constant 0 : i32
    %dma_start3A_30 = arith.constant 0 : i32
    %dma_start3A_31 = tpu.memref_slice %arg6[%dma_start3A_29, %dma_start3A_30] : memref<128x256xf32, #tpu.memory_space<vmem>> -> memref<64x256xf32, #tpu.memory_space<vmem>>
    %dma_start3A_32 = arith.constant 0 : i32
    %dma_start3A_33 = tpu.memref_slice %arg4[%add3A_28, %dma_start3A_32] : memref<8192x256xf32, #tpu.memory_space<hbm>> -> memref<64x256xf32, #tpu.memory_space<hbm>>
    %dma_start3A_34 = arith.constant 0 : i32
    %dma_start3A_35 = tpu.memref_slice %arg4[%add3A_28, %dma_start3A_34] : memref<8192x256xf32, #tpu.memory_space<hbm>> -> memref<64x256xf32, #tpu.memory_space<hbm>>
    %dma_start3A_36 = arith.constant 0 : i32
    %dma_start3A_37 = arith.constant 0 : i32
    %dma_start3A_38 = tpu.memref_slice %arg6[%dma_start3A_36, %dma_start3A_37] : memref<128x256xf32, #tpu.memory_space<vmem>> -> memref<64x256xf32, #tpu.memory_space<vmem>>
    tpu.enqueue_dma source(%dma_start3A_38 : memref<64x256xf32, #tpu.memory_space<vmem>>) target(%dma_start3A_35 : memref<64x256xf32, #tpu.memory_space<hbm>>) target_semaphore(%arg10 : memref<!tpu.dma_semaphore, #tpu.memory_space<semaphore_mem>>)
    %dma_wait3A_39 = arith.constant 0 : i32
    %dma_wait3A_40 = arith.constant 0 : i32
    %dma_wait3A_41 = tpu.memref_slice %arg6[%dma_wait3A_39, %dma_wait3A_40] : memref<128x256xf32, #tpu.memory_space<vmem>> -> memref<64x256xf32, #tpu.memory_space<vmem>>
    %dma_wait3A_42 = arith.constant 0 : i32
    %dma_wait3A_43 = tpu.memref_slice %arg4[%add3A_28, %dma_wait3A_42] : memref<8192x256xf32, #tpu.memory_space<hbm>> -> memref<64x256xf32, #tpu.memory_space<hbm>>
    %dma_wait3A_44 = arith.constant 0 : i32
    %dma_wait3A_45 = tpu.memref_slice %arg4[%add3A_28, %dma_wait3A_44] : memref<8192x256xf32, #tpu.memory_space<hbm>> -> memref<64x256xf32, #tpu.memory_space<hbm>>
    %dma_wait3A_46 = arith.constant 0 : i32
    %dma_wait3A_47 = arith.constant 0 : i32
    %dma_wait3A_48 = tpu.memref_slice %arg6[%dma_wait3A_46, %dma_wait3A_47] : memref<128x256xf32, #tpu.memory_space<vmem>> -> memref<64x256xf32, #tpu.memory_space<vmem>>
    tpu.wait_dma2 semaphore(%arg10 : memref<!tpu.dma_semaphore, #tpu.memory_space<semaphore_mem>>) src(%dma_wait3A_48 : memref<64x256xf32, #tpu.memory_space<vmem>>) dst(%dma_wait3A_45 : memref<64x256xf32, #tpu.memory_space<hbm>>)
    %dma_start3A_49 = arith.constant 2 : i32
    %dma_start3A_50 = arith.constant 0 : i32
    %dma_start3A_51 = tpu.memref_slice %arg5[%dma_start3A_49, %dma_start3A_50] : memref<4x128xi32, #tpu.memory_space<vmem>> -> memref<1x128xi32, #tpu.memory_space<vmem>>
    %dma_start3A_52 = tpu.memref_squeeze %dma_start3A_51 : memref<1x128xi32, #tpu.memory_space<vmem>> -> memref<128xi32, #tpu.memory_space<vmem>>
    %dma_start3A_53 = arith.constant 0 : i32
    %dma_start3A_54 = arith.constant 0 : i32
    %dma_start3A_55 = tpu.memref_slice %arg2[%dma_start3A_53, %dma_start3A_54] : memref<2048x256xf32, #tpu.memory_space<hbm>> -> memref<2048x256xf32, #tpu.memory_space<hbm>>
    tpu.enqueue_indirect_dma source(%dma_start3A_55 : memref<2048x256xf32, #tpu.memory_space<hbm>>) target(%arg6 : memref<128x256xf32, #tpu.memory_space<vmem>>) offsets(%dma_start3A_52 : memref<128xi32, #tpu.memory_space<vmem>>) semaphore(%arg8 : memref<!tpu.dma_semaphore, #tpu.memory_space<semaphore_mem>>)
    %dma_wait3A_56 = arith.constant 1 : i32
    %dma_wait3A_57 = arith.constant 0 : i32
    %dma_wait3A_58 = tpu.memref_slice %arg5[%dma_wait3A_56, %dma_wait3A_57] : memref<4x128xi32, #tpu.memory_space<vmem>> -> memref<1x128xi32, #tpu.memory_space<vmem>>
    %dma_wait3A_59 = tpu.memref_squeeze %dma_wait3A_58 : memref<1x128xi32, #tpu.memory_space<vmem>> -> memref<128xi32, #tpu.memory_space<vmem>>
    %dma_wait3A_60 = arith.constant 0 : i32
    %dma_wait3A_61 = arith.constant 0 : i32
    %dma_wait3A_62 = tpu.memref_slice %arg2[%dma_wait3A_60, %dma_wait3A_61] : memref<2048x256xf32, #tpu.memory_space<hbm>> -> memref<2048x256xf32, #tpu.memory_space<hbm>>
    tpu.wait_indirect_dma semaphore(%arg9 : memref<!tpu.dma_semaphore, #tpu.memory_space<semaphore_mem>>) src(%dma_wait3A_62 : memref<2048x256xf32, #tpu.memory_space<hbm>>) dst(%arg7 : memref<128x256xf32, #tpu.memory_space<vmem>>)
    %scan3A_63 = arith.constant 0 : i32
    %scan3A_64 = arith.constant 0 : i32
    %scan3A_65 = arith.constant 64 : i32
    %scan3A_66 = arith.addi %scan3A_64, %scan3A_65 : i32
    %scan3A_67 = arith.constant 1 : i32
    scf.for %scan3A_168 = %scan3A_64 to %scan3A_66 step %scan3A_67  : i32 {
      %get3A = arith.index_cast %scan3A_168 : i32 to index
      %get3A_169 = arith.constant 0 : index
      %get3A_170 = tpu.vector_load %arg7[%get3A, %get3A_169] {strides = array<i32>} : memref<128x256xf32, #tpu.memory_space<vmem>>, vector<1x16xf32>,
      %get3A_171 = vector.shape_cast %get3A_170 : vector<1x16xf32> to vector<16xf32>
      %add3A_172 = arith.constant 64 : i32
      %add3A_173 = arith.addi %add3A_172, %scan3A_168 : i32
      %get3A_174 = arith.index_cast %add3A_173 : i32 to index
      %get3A_175 = arith.constant 0 : index
      %get3A_176 = tpu.vector_load %arg7[%get3A_174, %get3A_175] {strides = array<i32>} : memref<128x256xf32, #tpu.memory_space<vmem>>, vector<1x16xf32>,
      %get3A_177 = vector.shape_cast %get3A_176 : vector<1x16xf32> to vector<16xf32>
      %add3A_178 = arith.addf %get3A_171, %get3A_177 : vector<16xf32>
      %swap3A = arith.index_cast %scan3A_168 : i32 to index
      %swap3A_179 = arith.constant 0 : index
      %swap3A_180 = tpu.vector_load %arg7[%swap3A, %swap3A_179] {strides = array<i32>} : memref<128x256xf32, #tpu.memory_space<vmem>>, vector<1x16xf32>,
      %swap3A_181 = vector.shape_cast %swap3A_180 : vector<1x16xf32> to vector<16xf32>
      %swap3A_182 = vector.shape_cast %add3A_178 : vector<16xf32> to vector<1x16xf32>
      tpu.vector_store %arg7[%swap3A, %swap3A_179], %swap3A_182 {strides = array<i32>} : memref<128x256xf32, #tpu.memory_space<vmem>>, vector<1x16xf32>,
      %get3A_183 = arith.index_cast %scan3A_168 : i32 to index
      %get3A_184 = arith.constant 16 : index
      %get3A_185 = tpu.vector_load %arg7[%get3A_183, %get3A_184] {strides = array<i32>} : memref<128x256xf32, #tpu.memory_space<vmem>>, vector<1x16xf32>,
      %get3A_186 = vector.shape_cast %get3A_185 : vector<1x16xf32> to vector<16xf32>
      %add3A_187 = arith.constant 64 : i32
      %add3A_188 = arith.addi %add3A_187, %scan3A_168 : i32
      %get3A_189 = arith.index_cast %add3A_188 : i32 to index
      %get3A_190 = arith.constant 16 : index
      %get3A_191 = tpu.vector_load %arg7[%get3A_189, %get3A_190] {strides = array<i32>} : memref<128x256xf32, #tpu.memory_space<vmem>>, vector<1x16xf32>,
      %get3A_192 = vector.shape_cast %get3A_191 : vector<1x16xf32> to vector<16xf32>
      %add3A_193 = arith.addf %get3A_186, %get3A_192 : vector<16xf32>
      %swap3A_194 = arith.index_cast %scan3A_168 : i32 to index
      %swap3A_195 = arith.constant 16 : index
      %swap3A_196 = tpu.vector_load %arg7[%swap3A_194, %swap3A_195] {strides = array<i32>} : memref<128x256xf32, #tpu.memory_space<vmem>>, vector<1x16xf32>,
      %swap3A_197 = vector.shape_cast %swap3A_196 : vector<1x16xf32> to vector<16xf32>
      %swap3A_198 = vector.shape_cast %add3A_193 : vector<16xf32> to vector<1x16xf32>
      tpu.vector_store %arg7[%swap3A_194, %swap3A_195], %swap3A_198 {strides = array<i32>} : memref<128x256xf32, #tpu.memory_space<vmem>>, vector<1x16xf32>,
      %get3A_199 = arith.index_cast %scan3A_168 : i32 to index
      %get3A_200 = arith.constant 32 : index
      %get3A_201 = tpu.vector_load %arg7[%get3A_199, %get3A_200] {strides = array<i32>} : memref<128x256xf32, #tpu.memory_space<vmem>>, vector<1x16xf32>,
      %get3A_202 = vector.shape_cast %get3A_201 : vector<1x16xf32> to vector<16xf32>
      %add3A_203 = arith.constant 64 : i32
      %add3A_204 = arith.addi %add3A_203, %scan3A_168 : i32
      %get3A_205 = arith.index_cast %add3A_204 : i32 to index
      %get3A_206 = arith.constant 32 : index
      %get3A_207 = tpu.vector_load %arg7[%get3A_205, %get3A_206] {strides = array<i32>} : memref<128x256xf32, #tpu.memory_space<vmem>>, vector<1x16xf32>,
      %get3A_208 = vector.shape_cast %get3A_207 : vector<1x16xf32> to vector<16xf32>
      %add3A_209 = arith.addf %get3A_202, %get3A_208 : vector<16xf32>
      %swap3A_210 = arith.index_cast %scan3A_168 : i32 to index
      %swap3A_211 = arith.constant 32 : index
      %swap3A_212 = tpu.vector_load %arg7[%swap3A_210, %swap3A_211] {strides = array<i32>} : memref<128x256xf32, #tpu.memory_space<vmem>>, vector<1x16xf32>,
      %swap3A_213 = vector.shape_cast %swap3A_212 : vector<1x16xf32> to vector<16xf32>
      %swap3A_214 = vector.shape_cast %add3A_209 : vector<16xf32> to vector<1x16xf32>
      tpu.vector_store %arg7[%swap3A_210, %swap3A_211], %swap3A_214 {strides = array<i32>} : memref<128x256xf32, #tpu.memory_space<vmem>>, vector<1x16xf32>,
      %get3A_215 = arith.index_cast %scan3A_168 : i32 to index
      %get3A_216 = arith.constant 48 : index
      %get3A_217 = tpu.vector_load %arg7[%get3A_215, %get3A_216] {strides = array<i32>} : memref<128x256xf32, #tpu.memory_space<vmem>>, vector<1x16xf32>,
      %get3A_218 = vector.shape_cast %get3A_217 : vector<1x16xf32> to vector<16xf32>
      %add3A_219 = arith.constant 64 : i32
      %add3A_220 = arith.addi %add3A_219, %scan3A_168 : i32
      %get3A_221 = arith.index_cast %add3A_220 : i32 to index
      %get3A_222 = arith.constant 48 : index
      %get3A_223 = tpu.vector_load %arg7[%get3A_221, %get3A_222] {strides = array<i32>} : memref<128x256xf32, #tpu.memory_space<vmem>>, vector<1x16xf32>,
      %get3A_224 = vector.shape_cast %get3A_223 : vector<1x16xf32> to vector<16xf32>
      %add3A_225 = arith.addf %get3A_218, %get3A_224 : vector<16xf32>
      %swap3A_226 = arith.index_cast %scan3A_168 : i32 to index
      %swap3A_227 = arith.constant 48 : index
      %swap3A_228 = tpu.vector_load %arg7[%swap3A_226, %swap3A_227] {strides = array<i32>} : memref<128x256xf32, #tpu.memory_space<vmem>>, vector<1x16xf32>,
      %swap3A_229 = vector.shape_cast %swap3A_228 : vector<1x16xf32> to vector<16xf32>
      %swap3A_230 = vector.shape_cast %add3A_225 : vector<16xf32> to vector<1x16xf32>
      tpu.vector_store %arg7[%swap3A_226, %swap3A_227], %swap3A_230 {strides = array<i32>} : memref<128x256xf32, #tpu.memory_space<vmem>>, vector<1x16xf32>,
      %get3A_231 = arith.index_cast %scan3A_168 : i32 to index
      %get3A_232 = arith.constant 64 : index
      %get3A_233 = tpu.vector_load %arg7[%get3A_231, %get3A_232] {strides = array<i32>} : memref<128x256xf32, #tpu.memory_space<vmem>>, vector<1x16xf32>,
      %get3A_234 = vector.shape_cast %get3A_233 : vector<1x16xf32> to vector<16xf32>
      %add3A_235 = arith.constant 64 : i32
      %add3A_236 = arith.addi %add3A_235, %scan3A_168 : i32
      %get3A_237 = arith.index_cast %add3A_236 : i32 to index
      %get3A_238 = arith.constant 64 : index
      %get3A_239 = tpu.vector_load %arg7[%get3A_237, %get3A_238] {strides = array<i32>} : memref<128x256xf32, #tpu.memory_space<vmem>>, vector<1x16xf32>,
      %get3A_240 = vector.shape_cast %get3A_239 : vector<1x16xf32> to vector<16xf32>
      %add3A_241 = arith.addf %get3A_234, %get3A_240 : vector<16xf32>
      %swap3A_242 = arith.index_cast %scan3A_168 : i32 to index
      %swap3A_243 = arith.constant 64 : index
      %swap3A_244 = tpu.vector_load %arg7[%swap3A_242, %swap3A_243] {strides = array<i32>} : memref<128x256xf32, #tpu.memory_space<vmem>>, vector<1x16xf32>,
      %swap3A_245 = vector.shape_cast %swap3A_244 : vector<1x16xf32> to vector<16xf32>
      %swap3A_246 = vector.shape_cast %add3A_241 : vector<16xf32> to vector<1x16xf32>
      tpu.vector_store %arg7[%swap3A_242, %swap3A_243], %swap3A_246 {strides = array<i32>} : memref<128x256xf32, #tpu.memory_space<vmem>>, vector<1x16xf32>,
      %get3A_247 = arith.index_cast %scan3A_168 : i32 to index
      %get3A_248 = arith.constant 80 : index
      %get3A_249 = tpu.vector_load %arg7[%get3A_247, %get3A_248] {strides = array<i32>} : memref<128x256xf32, #tpu.memory_space<vmem>>, vector<1x16xf32>,
      %get3A_250 = vector.shape_cast %get3A_249 : vector<1x16xf32> to vector<16xf32>
      %add3A_251 = arith.constant 64 : i32
      %add3A_252 = arith.addi %add3A_251, %scan3A_168 : i32
      %get3A_253 = arith.index_cast %add3A_252 : i32 to index
      %get3A_254 = arith.constant 80 : index
      %get3A_255 = tpu.vector_load %arg7[%get3A_253, %get3A_254] {strides = array<i32>} : memref<128x256xf32, #tpu.memory_space<vmem>>, vector<1x16xf32>,
      %get3A_256 = vector.shape_cast %get3A_255 : vector<1x16xf32> to vector<16xf32>
      %add3A_257 = arith.addf %get3A_250, %get3A_256 : vector<16xf32>
      %swap3A_258 = arith.index_cast %scan3A_168 : i32 to index
      %swap3A_259 = arith.constant 80 : index
      %swap3A_260 = tpu.vector_load %arg7[%swap3A_258, %swap3A_259] {strides = array<i32>} : memref<128x256xf32, #tpu.memory_space<vmem>>, vector<1x16xf32>,
      %swap3A_261 = vector.shape_cast %swap3A_260 : vector<1x16xf32> to vector<16xf32>
      %swap3A_262 = vector.shape_cast %add3A_257 : vector<16xf32> to vector<1x16xf32>
      tpu.vector_store %arg7[%swap3A_258, %swap3A_259], %swap3A_262 {strides = array<i32>} : memref<128x256xf32, #tpu.memory_space<vmem>>, vector<1x16xf32>,
      %get3A_263 = arith.index_cast %scan3A_168 : i32 to index
      %get3A_264 = arith.constant 96 : index
      %get3A_265 = tpu.vector_load %arg7[%get3A_263, %get3A_264] {strides = array<i32>} : memref<128x256xf32, #tpu.memory_space<vmem>>, vector<1x16xf32>,
      %get3A_266 = vector.shape_cast %get3A_265 : vector<1x16xf32> to vector<16xf32>
      %add3A_267 = arith.constant 64 : i32
      %add3A_268 = arith.addi %add3A_267, %scan3A_168 : i32
      %get3A_269 = arith.index_cast %add3A_268 : i32 to index
      %get3A_270 = arith.constant 96 : index
      %get3A_271 = tpu.vector_load %arg7[%get3A_269, %get3A_270] {strides = array<i32>} : memref<128x256xf32, #tpu.memory_space<vmem>>, vector<1x16xf32>,
      %get3A_272 = vector.shape_cast %get3A_271 : vector<1x16xf32> to vector<16xf32>
      %add3A_273 = arith.addf %get3A_266, %get3A_272 : vector<16xf32>
      %swap3A_274 = arith.index_cast %scan3A_168 : i32 to index
      %swap3A_275 = arith.constant 96 : index
      %swap3A_276 = tpu.vector_load %arg7[%swap3A_274, %swap3A_275] {strides = array<i32>} : memref<128x256xf32, #tpu.memory_space<vmem>>, vector<1x16xf32>,
      %swap3A_277 = vector.shape_cast %swap3A_276 : vector<1x16xf32> to vector<16xf32>
      %swap3A_278 = vector.shape_cast %add3A_273 : vector<16xf32> to vector<1x16xf32>
      tpu.vector_store %arg7[%swap3A_274, %swap3A_275], %swap3A_278 {strides = array<i32>} : memref<128x256xf32, #tpu.memory_space<vmem>>, vector<1x16xf32>,
      %get3A_279 = arith.index_cast %scan3A_168 : i32 to index
      %get3A_280 = arith.constant 112 : index
      %get3A_281 = tpu.vector_load %arg7[%get3A_279, %get3A_280] {strides = array<i32>} : memref<128x256xf32, #tpu.memory_space<vmem>>, vector<1x16xf32>,
      %get3A_282 = vector.shape_cast %get3A_281 : vector<1x16xf32> to vector<16xf32>
      %add3A_283 = arith.constant 64 : i32
      %add3A_284 = arith.addi %add3A_283, %scan3A_168 : i32
      %get3A_285 = arith.index_cast %add3A_284 : i32 to index
      %get3A_286 = arith.constant 112 : index
      %get3A_287 = tpu.vector_load %arg7[%get3A_285, %get3A_286] {strides = array<i32>} : memref<128x256xf32, #tpu.memory_space<vmem>>, vector<1x16xf32>,
      %get3A_288 = vector.shape_cast %get3A_287 : vector<1x16xf32> to vector<16xf32>
      %add3A_289 = arith.addf %get3A_282, %get3A_288 : vector<16xf32>
      %swap3A_290 = arith.index_cast %scan3A_168 : i32 to index
      %swap3A_291 = arith.constant 112 : index
      %swap3A_292 = tpu.vector_load %arg7[%swap3A_290, %swap3A_291] {strides = array<i32>} : memref<128x256xf32, #tpu.memory_space<vmem>>, vector<1x16xf32>,
      %swap3A_293 = vector.shape_cast %swap3A_292 : vector<1x16xf32> to vector<16xf32>
      %swap3A_294 = vector.shape_cast %add3A_289 : vector<16xf32> to vector<1x16xf32>
      tpu.vector_store %arg7[%swap3A_290, %swap3A_291], %swap3A_294 {strides = array<i32>} : memref<128x256xf32, #tpu.memory_space<vmem>>, vector<1x16xf32>,
      %get3A_295 = arith.index_cast %scan3A_168 : i32 to index
      %get3A_296 = arith.constant 128 : index
      %get3A_297 = tpu.vector_load %arg7[%get3A_295, %get3A_296] {strides = array<i32>} : memref<128x256xf32, #tpu.memory_space<vmem>>, vector<1x16xf32>,
      %get3A_298 = vector.shape_cast %get3A_297 : vector<1x16xf32> to vector<16xf32>
      %add3A_299 = arith.constant 64 : i32
      %add3A_300 = arith.addi %add3A_299, %scan3A_168 : i32
      %get3A_301 = arith.index_cast %add3A_300 : i32 to index
      %get3A_302 = arith.constant 128 : index
      %get3A_303 = tpu.vector_load %arg7[%get3A_301, %get3A_302] {strides = array<i32>} : memref<128x256xf32, #tpu.memory_space<vmem>>, vector<1x16xf32>,
      %get3A_304 = vector.shape_cast %get3A_303 : vector<1x16xf32> to vector<16xf32>
      %add3A_305 = arith.addf %get3A_298, %get3A_304 : vector<16xf32>
      %swap3A_306 = arith.index_cast %scan3A_168 : i32 to index
      %swap3A_307 = arith.constant 128 : index
      %swap3A_308 = tpu.vector_load %arg7[%swap3A_306, %swap3A_307] {strides = array<i32>} : memref<128x256xf32, #tpu.memory_space<vmem>>, vector<1x16xf32>,
      %swap3A_309 = vector.shape_cast %swap3A_308 : vector<1x16xf32> to vector<16xf32>
      %swap3A_310 = vector.shape_cast %add3A_305 : vector<16xf32> to vector<1x16xf32>
      tpu.vector_store %arg7[%swap3A_306, %swap3A_307], %swap3A_310 {strides = array<i32>} : memref<128x256xf32, #tpu.memory_space<vmem>>, vector<1x16xf32>,
      %get3A_311 = arith.index_cast %scan3A_168 : i32 to index
      %get3A_312 = arith.constant 144 : index
      %get3A_313 = tpu.vector_load %arg7[%get3A_311, %get3A_312] {strides = array<i32>} : memref<128x256xf32, #tpu.memory_space<vmem>>, vector<1x16xf32>,
      %get3A_314 = vector.shape_cast %get3A_313 : vector<1x16xf32> to vector<16xf32>
      %add3A_315 = arith.constant 64 : i32
      %add3A_316 = arith.addi %add3A_315, %scan3A_168 : i32
      %get3A_317 = arith.index_cast %add3A_316 : i32 to index
      %get3A_318 = arith.constant 144 : index
      %get3A_319 = tpu.vector_load %arg7[%get3A_317, %get3A_318] {strides = array<i32>} : memref<128x256xf32, #tpu.memory_space<vmem>>, vector<1x16xf32>,
      %get3A_320 = vector.shape_cast %get3A_319 : vector<1x16xf32> to vector<16xf32>
      %add3A_321 = arith.addf %get3A_314, %get3A_320 : vector<16xf32>
      %swap3A_322 = arith.index_cast %scan3A_168 : i32 to index
      %swap3A_323 = arith.constant 144 : index
      %swap3A_324 = tpu.vector_load %arg7[%swap3A_322, %swap3A_323] {strides = array<i32>} : memref<128x256xf32, #tpu.memory_space<vmem>>, vector<1x16xf32>,
      %swap3A_325 = vector.shape_cast %swap3A_324 : vector<1x16xf32> to vector<16xf32>
      %swap3A_326 = vector.shape_cast %add3A_321 : vector<16xf32> to vector<1x16xf32>
      tpu.vector_store %arg7[%swap3A_322, %swap3A_323], %swap3A_326 {strides = array<i32>} : memref<128x256xf32, #tpu.memory_space<vmem>>, vector<1x16xf32>,
      %get3A_327 = arith.index_cast %scan3A_168 : i32 to index
      %get3A_328 = arith.constant 160 : index
      %get3A_329 = tpu.vector_load %arg7[%get3A_327, %get3A_328] {strides = array<i32>} : memref<128x256xf32, #tpu.memory_space<vmem>>, vector<1x16xf32>,
      %get3A_330 = vector.shape_cast %get3A_329 : vector<1x16xf32> to vector<16xf32>
      %add3A_331 = arith.constant 64 : i32
      %add3A_332 = arith.addi %add3A_331, %scan3A_168 : i32
      %get3A_333 = arith.index_cast %add3A_332 : i32 to index
      %get3A_334 = arith.constant 160 : index
      %get3A_335 = tpu.vector_load %arg7[%get3A_333, %get3A_334] {strides = array<i32>} : memref<128x256xf32, #tpu.memory_space<vmem>>, vector<1x16xf32>,
      %get3A_336 = vector.shape_cast %get3A_335 : vector<1x16xf32> to vector<16xf32>
      %add3A_337 = arith.addf %get3A_330, %get3A_336 : vector<16xf32>
      %swap3A_338 = arith.index_cast %scan3A_168 : i32 to index
      %swap3A_339 = arith.constant 160 : index
      %swap3A_340 = tpu.vector_load %arg7[%swap3A_338, %swap3A_339] {strides = array<i32>} : memref<128x256xf32, #tpu.memory_space<vmem>>, vector<1x16xf32>,
      %swap3A_341 = vector.shape_cast %swap3A_340 : vector<1x16xf32> to vector<16xf32>
      %swap3A_342 = vector.shape_cast %add3A_337 : vector<16xf32> to vector<1x16xf32>
      tpu.vector_store %arg7[%swap3A_338, %swap3A_339], %swap3A_342 {strides = array<i32>} : memref<128x256xf32, #tpu.memory_space<vmem>>, vector<1x16xf32>,
      %get3A_343 = arith.index_cast %scan3A_168 : i32 to index
      %get3A_344 = arith.constant 176 : index
      %get3A_345 = tpu.vector_load %arg7[%get3A_343, %get3A_344] {strides = array<i32>} : memref<128x256xf32, #tpu.memory_space<vmem>>, vector<1x16xf32>,
      %get3A_346 = vector.shape_cast %get3A_345 : vector<1x16xf32> to vector<16xf32>
      %add3A_347 = arith.constant 64 : i32
      %add3A_348 = arith.addi %add3A_347, %scan3A_168 : i32
      %get3A_349 = arith.index_cast %add3A_348 : i32 to index
      %get3A_350 = arith.constant 176 : index
      %get3A_351 = tpu.vector_load %arg7[%get3A_349, %get3A_350] {strides = array<i32>} : memref<128x256xf32, #tpu.memory_space<vmem>>, vector<1x16xf32>,
      %get3A_352 = vector.shape_cast %get3A_351 : vector<1x16xf32> to vector<16xf32>
      %add3A_353 = arith.addf %get3A_346, %get3A_352 : vector<16xf32>
      %swap3A_354 = arith.index_cast %scan3A_168 : i32 to index
      %swap3A_355 = arith.constant 176 : index
      %swap3A_356 = tpu.vector_load %arg7[%swap3A_354, %swap3A_355] {strides = array<i32>} : memref<128x256xf32, #tpu.memory_space<vmem>>, vector<1x16xf32>,
      %swap3A_357 = vector.shape_cast %swap3A_356 : vector<1x16xf32> to vector<16xf32>
      %swap3A_358 = vector.shape_cast %add3A_353 : vector<16xf32> to vector<1x16xf32>
      tpu.vector_store %arg7[%swap3A_354, %swap3A_355], %swap3A_358 {strides = array<i32>} : memref<128x256xf32, #tpu.memory_space<vmem>>, vector<1x16xf32>,
      %get3A_359 = arith.index_cast %scan3A_168 : i32 to index
      %get3A_360 = arith.constant 192 : index
      %get3A_361 = tpu.vector_load %arg7[%get3A_359, %get3A_360] {strides = array<i32>} : memref<128x256xf32, #tpu.memory_space<vmem>>, vector<1x16xf32>,
      %get3A_362 = vector.shape_cast %get3A_361 : vector<1x16xf32> to vector<16xf32>
      %add3A_363 = arith.constant 64 : i32
      %add3A_364 = arith.addi %add3A_363, %scan3A_168 : i32
      %get3A_365 = arith.index_cast %add3A_364 : i32 to index
      %get3A_366 = arith.constant 192 : index
      %get3A_367 = tpu.vector_load %arg7[%get3A_365, %get3A_366] {strides = array<i32>} : memref<128x256xf32, #tpu.memory_space<vmem>>, vector<1x16xf32>,
      %get3A_368 = vector.shape_cast %get3A_367 : vector<1x16xf32> to vector<16xf32>
      %add3A_369 = arith.addf %get3A_362, %get3A_368 : vector<16xf32>
      %swap3A_370 = arith.index_cast %scan3A_168 : i32 to index
      %swap3A_371 = arith.constant 192 : index
      %swap3A_372 = tpu.vector_load %arg7[%swap3A_370, %swap3A_371] {strides = array<i32>} : memref<128x256xf32, #tpu.memory_space<vmem>>, vector<1x16xf32>,
      %swap3A_373 = vector.shape_cast %swap3A_372 : vector<1x16xf32> to vector<16xf32>
      %swap3A_374 = vector.shape_cast %add3A_369 : vector<16xf32> to vector<1x16xf32>
      tpu.vector_store %arg7[%swap3A_370, %swap3A_371], %swap3A_374 {strides = array<i32>} : memref<128x256xf32, #tpu.memory_space<vmem>>, vector<1x16xf32>,
      %get3A_375 = arith.index_cast %scan3A_168 : i32 to index
      %get3A_376 = arith.constant 208 : index
      %get3A_377 = tpu.vector_load %arg7[%get3A_375, %get3A_376] {strides = array<i32>} : memref<128x256xf32, #tpu.memory_space<vmem>>, vector<1x16xf32>,
      %get3A_378 = vector.shape_cast %get3A_377 : vector<1x16xf32> to vector<16xf32>
      %add3A_379 = arith.constant 64 : i32
      %add3A_380 = arith.addi %add3A_379, %scan3A_168 : i32
      %get3A_381 = arith.index_cast %add3A_380 : i32 to index
      %get3A_382 = arith.constant 208 : index
      %get3A_383 = tpu.vector_load %arg7[%get3A_381, %get3A_382] {strides = array<i32>} : memref<128x256xf32, #tpu.memory_space<vmem>>, vector<1x16xf32>,
      %get3A_384 = vector.shape_cast %get3A_383 : vector<1x16xf32> to vector<16xf32>
      %add3A_385 = arith.addf %get3A_378, %get3A_384 : vector<16xf32>
      %swap3A_386 = arith.index_cast %scan3A_168 : i32 to index
      %swap3A_387 = arith.constant 208 : index
      %swap3A_388 = tpu.vector_load %arg7[%swap3A_386, %swap3A_387] {strides = array<i32>} : memref<128x256xf32, #tpu.memory_space<vmem>>, vector<1x16xf32>,
      %swap3A_389 = vector.shape_cast %swap3A_388 : vector<1x16xf32> to vector<16xf32>
      %swap3A_390 = vector.shape_cast %add3A_385 : vector<16xf32> to vector<1x16xf32>
      tpu.vector_store %arg7[%swap3A_386, %swap3A_387], %swap3A_390 {strides = array<i32>} : memref<128x256xf32, #tpu.memory_space<vmem>>, vector<1x16xf32>,
      %get3A_391 = arith.index_cast %scan3A_168 : i32 to index
      %get3A_392 = arith.constant 224 : index
      %get3A_393 = tpu.vector_load %arg7[%get3A_391, %get3A_392] {strides = array<i32>} : memref<128x256xf32, #tpu.memory_space<vmem>>, vector<1x16xf32>,
      %get3A_394 = vector.shape_cast %get3A_393 : vector<1x16xf32> to vector<16xf32>
      %add3A_395 = arith.constant 64 : i32
      %add3A_396 = arith.addi %add3A_395, %scan3A_168 : i32
      %get3A_397 = arith.index_cast %add3A_396 : i32 to index
      %get3A_398 = arith.constant 224 : index
      %get3A_399 = tpu.vector_load %arg7[%get3A_397, %get3A_398] {strides = array<i32>} : memref<128x256xf32, #tpu.memory_space<vmem>>, vector<1x16xf32>,
      %get3A_400 = vector.shape_cast %get3A_399 : vector<1x16xf32> to vector<16xf32>
      %add3A_401 = arith.addf %get3A_394, %get3A_400 : vector<16xf32>
      %swap3A_402 = arith.index_cast %scan3A_168 : i32 to index
      %swap3A_403 = arith.constant 224 : index
      %swap3A_404 = tpu.vector_load %arg7[%swap3A_402, %swap3A_403] {strides = array<i32>} : memref<128x256xf32, #tpu.memory_space<vmem>>, vector<1x16xf32>,
      %swap3A_405 = vector.shape_cast %swap3A_404 : vector<1x16xf32> to vector<16xf32>
      %swap3A_406 = vector.shape_cast %add3A_401 : vector<16xf32> to vector<1x16xf32>
      tpu.vector_store %arg7[%swap3A_402, %swap3A_403], %swap3A_406 {strides = array<i32>} : memref<128x256xf32, #tpu.memory_space<vmem>>, vector<1x16xf32>,
      %get3A_407 = arith.index_cast %scan3A_168 : i32 to index
      %get3A_408 = arith.constant 240 : index
      %get3A_409 = tpu.vector_load %arg7[%get3A_407, %get3A_408] {strides = array<i32>} : memref<128x256xf32, #tpu.memory_space<vmem>>, vector<1x16xf32>,
      %get3A_410 = vector.shape_cast %get3A_409 : vector<1x16xf32> to vector<16xf32>
      %add3A_411 = arith.constant 64 : i32
      %add3A_412 = arith.addi %add3A_411, %scan3A_168 : i32
      %get3A_413 = arith.index_cast %add3A_412 : i32 to index
      %get3A_414 = arith.constant 240 : index
      %get3A_415 = tpu.vector_load %arg7[%get3A_413, %get3A_414] {strides = array<i32>} : memref<128x256xf32, #tpu.memory_space<vmem>>, vector<1x16xf32>,
      %get3A_416 = vector.shape_cast %get3A_415 : vector<1x16xf32> to vector<16xf32>
      %add3A_417 = arith.addf %get3A_410, %get3A_416 : vector<16xf32>
      %swap3A_418 = arith.index_cast %scan3A_168 : i32 to index
      %swap3A_419 = arith.constant 240 : index
      %swap3A_420 = tpu.vector_load %arg7[%swap3A_418, %swap3A_419] {strides = array<i32>} : memref<128x256xf32, #tpu.memory_space<vmem>>, vector<1x16xf32>,
      %swap3A_421 = vector.shape_cast %swap3A_420 : vector<1x16xf32> to vector<16xf32>
      %swap3A_422 = vector.shape_cast %add3A_417 : vector<16xf32> to vector<1x16xf32>
      tpu.vector_store %arg7[%swap3A_418, %swap3A_419], %swap3A_422 {strides = array<i32>} : memref<128x256xf32, #tpu.memory_space<vmem>>, vector<1x16xf32>,
    }
    %scan3A_68 = arith.constant 64 : i32
    %add3A_69 = arith.constant 64 : i32
    %add3A_70 = arith.addi %mul3A_2, %add3A_69 : i32
    %dma_start3A_71 = arith.constant 0 : i32
    %dma_start3A_72 = arith.constant 0 : i32
    %dma_start3A_73 = tpu.memref_slice %arg7[%dma_start3A_71, %dma_start3A_72] : memref<128x256xf32, #tpu.memory_space<vmem>> -> memref<64x256xf32, #tpu.memory_space<vmem>>
    %dma_start3A_74 = arith.constant 0 : i32
    %dma_start3A_75 = tpu.memref_slice %arg4[%add3A_70, %dma_start3A_74] : memref<8192x256xf32, #tpu.memory_space<hbm>> -> memref<64x256xf32, #tpu.memory_space<hbm>>
    %dma_start3A_76 = arith.constant 0 : i32
    %dma_start3A_77 = tpu.memref_slice %arg4[%add3A_70, %dma_start3A_76] : memref<8192x256xf32, #tpu.memory_space<hbm>> -> memref<64x256xf32, #tpu.memory_space<hbm>>
    %dma_start3A_78 = arith.constant 0 : i32
    %dma_start3A_79 = arith.constant 0 : i32
    %dma_start3A_80 = tpu.memref_slice %arg7[%dma_start3A_78, %dma_start3A_79] : memref<128x256xf32, #tpu.memory_space<vmem>> -> memref<64x256xf32, #tpu.memory_space<vmem>>
    tpu.enqueue_dma source(%dma_start3A_80 : memref<64x256xf32, #tpu.memory_space<vmem>>) target(%dma_start3A_77 : memref<64x256xf32, #tpu.memory_space<hbm>>) target_semaphore(%arg10 : memref<!tpu.dma_semaphore, #tpu.memory_space<semaphore_mem>>)
    %dma_wait3A_81 = arith.constant 0 : i32
    %dma_wait3A_82 = arith.constant 0 : i32
    %dma_wait3A_83 = tpu.memref_slice %arg7[%dma_wait3A_81, %dma_wait3A_82] : memref<128x256xf32, #tpu.memory_space<vmem>> -> memref<64x256xf32, #tpu.memory_space<vmem>>
    %dma_wait3A_84 = arith.constant 0 : i32
    %dma_wait3A_85 = tpu.memref_slice %arg4[%add3A_70, %dma_wait3A_84] : memref<8192x256xf32, #tpu.memory_space<hbm>> -> memref<64x256xf32, #tpu.memory_space<hbm>>
    %dma_wait3A_86 = arith.constant 0 : i32
    %dma_wait3A_87 = tpu.memref_slice %arg4[%add3A_70, %dma_wait3A_86] : memref<8192x256xf32, #tpu.memory_space<hbm>> -> memref<64x256xf32, #tpu.memory_space<hbm>>
    %dma_wait3A_88 = arith.constant 0 : i32
    %dma_wait3A_89 = arith.constant 0 : i32
    %dma_wait3A_90 = tpu.memref_slice %arg7[%dma_wait3A_88, %dma_wait3A_89] : memref<128x256xf32, #tpu.memory_space<vmem>> -> memref<64x256xf32, #tpu.memory_space<vmem>>
    tpu.wait_dma2 semaphore(%arg10 : memref<!tpu.dma_semaphore, #tpu.memory_space<semaphore_mem>>) src(%dma_wait3A_90 : memref<64x256xf32, #tpu.memory_space<vmem>>) dst(%dma_wait3A_87 : memref<64x256xf32, #tpu.memory_space<hbm>>)
    %dma_start3A_91 = arith.constant 3 : i32
    %dma_start3A_92 = arith.constant 0 : i32
    %dma_start3A_93 = tpu.memref_slice %arg5[%dma_start3A_91, %dma_start3A_92] : memref<4x128xi32, #tpu.memory_space<vmem>> -> memref<1x128xi32, #tpu.memory_space<vmem>>
    %dma_start3A_94 = tpu.memref_squeeze %dma_start3A_93 : memref<1x128xi32, #tpu.memory_space<vmem>> -> memref<128xi32, #tpu.memory_space<vmem>>
    %dma_start3A_95 = arith.constant 0 : i32
    %dma_start3A_96 = arith.constant 0 : i32
    %dma_start3A_97 = tpu.memref_slice %arg2[%dma_start3A_95, %dma_start3A_96] : memref<2048x256xf32, #tpu.memory_space<hbm>> -> memref<2048x256xf32, #tpu.memory_space<hbm>>
    tpu.enqueue_indirect_dma source(%dma_start3A_97 : memref<2048x256xf32, #tpu.memory_space<hbm>>) target(%arg7 : memref<128x256xf32, #tpu.memory_space<vmem>>) offsets(%dma_start3A_94 : memref<128xi32, #tpu.memory_space<vmem>>) semaphore(%arg9 : memref<!tpu.dma_semaphore, #tpu.memory_space<semaphore_mem>>)
    %dma_wait3A_98 = arith.constant 2 : i32
    %dma_wait3A_99 = arith.constant 0 : i32
    %dma_wait3A_100 = tpu.memref_slice %arg5[%dma_wait3A_98, %dma_wait3A_99] : memref<4x128xi32, #tpu.memory_space<vmem>> -> memref<1x128xi32, #tpu.memory_space<vmem>>
    %dma_wait3A_101 = tpu.memref_squeeze %dma_wait3A_100 : memref<1x128xi32, #tpu.memory_space<vmem>> -> memref<128xi32, #tpu.memory_space<vmem>>
    %dma_wait3A_102 = arith.constant 0 : i32
    %dma_wait3A_103 = arith.constant 0 : i32
    %dma_wait3A_104 = tpu.memref_slice %arg2[%dma_wait3A_102, %dma_wait3A_103] : memref<2048x256xf32, #tpu.memory_space<hbm>> -> memref<2048x256xf32, #tpu.memory_space<hbm>>
    tpu.wait_indirect_dma semaphore(%arg8 : memref<!tpu.dma_semaphore, #tpu.memory_space<semaphore_mem>>) src(%dma_wait3A_104 : memref<2048x256xf32, #tpu.memory_space<hbm>>) dst(%arg6 : memref<128x256xf32, #tpu.memory_space<vmem>>)
    %scan3A_105 = arith.constant 0 : i32
    %scan3A_106 = arith.constant 0 : i32
    %scan3A_107 = arith.constant 64 : i32
    %scan3A_108 = arith.addi %scan3A_106, %scan3A_107 : i32
    %scan3A_109 = arith.constant 1 : i32
    scf.for %scan3A_168 = %scan3A_106 to %scan3A_108 step %scan3A_109  : i32 {
      %get3A = arith.index_cast %scan3A_168 : i32 to index
      %get3A_169 = arith.constant 0 : index
      %get3A_170 = tpu.vector_load %arg6[%get3A, %get3A_169] {strides = array<i32>} : memref<128x256xf32, #tpu.memory_space<vmem>>, vector<1x16xf32>,
      %get3A_171 = vector.shape_cast %get3A_170 : vector<1x16xf32> to vector<16xf32>
      %add3A_172 = arith.constant 64 : i32
      %add3A_173 = arith.addi %add3A_172, %scan3A_168 : i32
      %get3A_174 = arith.index_cast %add3A_173 : i32 to index
      %get3A_175 = arith.constant 0 : index
      %get3A_176 = tpu.vector_load %arg6[%get3A_174, %get3A_175] {strides = array<i32>} : memref<128x256xf32, #tpu.memory_space<vmem>>, vector<1x16xf32>,
      %get3A_177 = vector.shape_cast %get3A_176 : vector<1x16xf32> to vector<16xf32>
      %add3A_178 = arith.addf %get3A_171, %get3A_177 : vector<16xf32>
      %swap3A = arith.index_cast %scan3A_168 : i32 to index
      %swap3A_179 = arith.constant 0 : index
      %swap3A_180 = tpu.vector_load %arg6[%swap3A, %swap3A_179] {strides = array<i32>} : memref<128x256xf32, #tpu.memory_space<vmem>>, vector<1x16xf32>,
      %swap3A_181 = vector.shape_cast %swap3A_180 : vector<1x16xf32> to vector<16xf32>
      %swap3A_182 = vector.shape_cast %add3A_178 : vector<16xf32> to vector<1x16xf32>
      tpu.vector_store %arg6[%swap3A, %swap3A_179], %swap3A_182 {strides = array<i32>} : memref<128x256xf32, #tpu.memory_space<vmem>>, vector<1x16xf32>,
      %get3A_183 = arith.index_cast %scan3A_168 : i32 to index
      %get3A_184 = arith.constant 16 : index
      %get3A_185 = tpu.vector_load %arg6[%get3A_183, %get3A_184] {strides = array<i32>} : memref<128x256xf32, #tpu.memory_space<vmem>>, vector<1x16xf32>,
      %get3A_186 = vector.shape_cast %get3A_185 : vector<1x16xf32> to vector<16xf32>
      %add3A_187 = arith.constant 64 : i32
      %add3A_188 = arith.addi %add3A_187, %scan3A_168 : i32
      %get3A_189 = arith.index_cast %add3A_188 : i32 to index
      %get3A_190 = arith.constant 16 : index
      %get3A_191 = tpu.vector_load %arg6[%get3A_189, %get3A_190] {strides = array<i32>} : memref<128x256xf32, #tpu.memory_space<vmem>>, vector<1x16xf32>,
      %get3A_192 = vector.shape_cast %get3A_191 : vector<1x16xf32> to vector<16xf32>
      %add3A_193 = arith.addf %get3A_186, %get3A_192 : vector<16xf32>
      %swap3A_194 = arith.index_cast %scan3A_168 : i32 to index
      %swap3A_195 = arith.constant 16 : index
      %swap3A_196 = tpu.vector_load %arg6[%swap3A_194, %swap3A_195] {strides = array<i32>} : memref<128x256xf32, #tpu.memory_space<vmem>>, vector<1x16xf32>,
      %swap3A_197 = vector.shape_cast %swap3A_196 : vector<1x16xf32> to vector<16xf32>
      %swap3A_198 = vector.shape_cast %add3A_193 : vector<16xf32> to vector<1x16xf32>
      tpu.vector_store %arg6[%swap3A_194, %swap3A_195], %swap3A_198 {strides = array<i32>} : memref<128x256xf32, #tpu.memory_space<vmem>>, vector<1x16xf32>,
      %get3A_199 = arith.index_cast %scan3A_168 : i32 to index
      %get3A_200 = arith.constant 32 : index
      %get3A_201 = tpu.vector_load %arg6[%get3A_199, %get3A_200] {strides = array<i32>} : memref<128x256xf32, #tpu.memory_space<vmem>>, vector<1x16xf32>,
      %get3A_202 = vector.shape_cast %get3A_201 : vector<1x16xf32> to vector<16xf32>
      %add3A_203 = arith.constant 64 : i32
      %add3A_204 = arith.addi %add3A_203, %scan3A_168 : i32
      %get3A_205 = arith.index_cast %add3A_204 : i32 to index
      %get3A_206 = arith.constant 32 : index
      %get3A_207 = tpu.vector_load %arg6[%get3A_205, %get3A_206] {strides = array<i32>} : memref<128x256xf32, #tpu.memory_space<vmem>>, vector<1x16xf32>,
      %get3A_208 = vector.shape_cast %get3A_207 : vector<1x16xf32> to vector<16xf32>
      %add3A_209 = arith.addf %get3A_202, %get3A_208 : vector<16xf32>
      %swap3A_210 = arith.index_cast %scan3A_168 : i32 to index
      %swap3A_211 = arith.constant 32 : index
      %swap3A_212 = tpu.vector_load %arg6[%swap3A_210, %swap3A_211] {strides = array<i32>} : memref<128x256xf32, #tpu.memory_space<vmem>>, vector<1x16xf32>,
      %swap3A_213 = vector.shape_cast %swap3A_212 : vector<1x16xf32> to vector<16xf32>
      %swap3A_214 = vector.shape_cast %add3A_209 : vector<16xf32> to vector<1x16xf32>
      tpu.vector_store %arg6[%swap3A_210, %swap3A_211], %swap3A_214 {strides = array<i32>} : memref<128x256xf32, #tpu.memory_space<vmem>>, vector<1x16xf32>,
      %get3A_215 = arith.index_cast %scan3A_168 : i32 to index
      %get3A_216 = arith.constant 48 : index
      %get3A_217 = tpu.vector_load %arg6[%get3A_215, %get3A_216] {strides = array<i32>} : memref<128x256xf32, #tpu.memory_space<vmem>>, vector<1x16xf32>,
      %get3A_218 = vector.shape_cast %get3A_217 : vector<1x16xf32> to vector<16xf32>
      %add3A_219 = arith.constant 64 : i32
      %add3A_220 = arith.addi %add3A_219, %scan3A_168 : i32
      %get3A_221 = arith.index_cast %add3A_220 : i32 to index
      %get3A_222 = arith.constant 48 : index
      %get3A_223 = tpu.vector_load %arg6[%get3A_221, %get3A_222] {strides = array<i32>} : memref<128x256xf32, #tpu.memory_space<vmem>>, vector<1x16xf32>,
      %get3A_224 = vector.shape_cast %get3A_223 : vector<1x16xf32> to vector<16xf32>
      %add3A_225 = arith.addf %get3A_218, %get3A_224 : vector<16xf32>
      %swap3A_226 = arith.index_cast %scan3A_168 : i32 to index
      %swap3A_227 = arith.constant 48 : index
      %swap3A_228 = tpu.vector_load %arg6[%swap3A_226, %swap3A_227] {strides = array<i32>} : memref<128x256xf32, #tpu.memory_space<vmem>>, vector<1x16xf32>,
      %swap3A_229 = vector.shape_cast %swap3A_228 : vector<1x16xf32> to vector<16xf32>
      %swap3A_230 = vector.shape_cast %add3A_225 : vector<16xf32> to vector<1x16xf32>
      tpu.vector_store %arg6[%swap3A_226, %swap3A_227], %swap3A_230 {strides = array<i32>} : memref<128x256xf32, #tpu.memory_space<vmem>>, vector<1x16xf32>,
      %get3A_231 = arith.index_cast %scan3A_168 : i32 to index
      %get3A_232 = arith.constant 64 : index
      %get3A_233 = tpu.vector_load %arg6[%get3A_231, %get3A_232] {strides = array<i32>} : memref<128x256xf32, #tpu.memory_space<vmem>>, vector<1x16xf32>,
      %get3A_234 = vector.shape_cast %get3A_233 : vector<1x16xf32> to vector<16xf32>
      %add3A_235 = arith.constant 64 : i32
      %add3A_236 = arith.addi %add3A_235, %scan3A_168 : i32
      %get3A_237 = arith.index_cast %add3A_236 : i32 to index
      %get3A_238 = arith.constant 64 : index
      %get3A_239 = tpu.vector_load %arg6[%get3A_237, %get3A_238] {strides = array<i32>} : memref<128x256xf32, #tpu.memory_space<vmem>>, vector<1x16xf32>,
      %get3A_240 = vector.shape_cast %get3A_239 : vector<1x16xf32> to vector<16xf32>
      %add3A_241 = arith.addf %get3A_234, %get3A_240 : vector<16xf32>
      %swap3A_242 = arith.index_cast %scan3A_168 : i32 to index
      %swap3A_243 = arith.constant 64 : index
      %swap3A_244 = tpu.vector_load %arg6[%swap3A_242, %swap3A_243] {strides = array<i32>} : memref<128x256xf32, #tpu.memory_space<vmem>>, vector<1x16xf32>,
      %swap3A_245 = vector.shape_cast %swap3A_244 : vector<1x16xf32> to vector<16xf32>
      %swap3A_246 = vector.shape_cast %add3A_241 : vector<16xf32> to vector<1x16xf32>
      tpu.vector_store %arg6[%swap3A_242, %swap3A_243], %swap3A_246 {strides = array<i32>} : memref<128x256xf32, #tpu.memory_space<vmem>>, vector<1x16xf32>,
      %get3A_247 = arith.index_cast %scan3A_168 : i32 to index
      %get3A_248 = arith.constant 80 : index
      %get3A_249 = tpu.vector_load %arg6[%get3A_247, %get3A_248] {strides = array<i32>} : memref<128x256xf32, #tpu.memory_space<vmem>>, vector<1x16xf32>,
      %get3A_250 = vector.shape_cast %get3A_249 : vector<1x16xf32> to vector<16xf32>
      %add3A_251 = arith.constant 64 : i32
      %add3A_252 = arith.addi %add3A_251, %scan3A_168 : i32
      %get3A_253 = arith.index_cast %add3A_252 : i32 to index
      %get3A_254 = arith.constant 80 : index
      %get3A_255 = tpu.vector_load %arg6[%get3A_253, %get3A_254] {strides = array<i32>} : memref<128x256xf32, #tpu.memory_space<vmem>>, vector<1x16xf32>,
      %get3A_256 = vector.shape_cast %get3A_255 : vector<1x16xf32> to vector<16xf32>
      %add3A_257 = arith.addf %get3A_250, %get3A_256 : vector<16xf32>
      %swap3A_258 = arith.index_cast %scan3A_168 : i32 to index
      %swap3A_259 = arith.constant 80 : index
      %swap3A_260 = tpu.vector_load %arg6[%swap3A_258, %swap3A_259] {strides = array<i32>} : memref<128x256xf32, #tpu.memory_space<vmem>>, vector<1x16xf32>,
      %swap3A_261 = vector.shape_cast %swap3A_260 : vector<1x16xf32> to vector<16xf32>
      %swap3A_262 = vector.shape_cast %add3A_257 : vector<16xf32> to vector<1x16xf32>
      tpu.vector_store %arg6[%swap3A_258, %swap3A_259], %swap3A_262 {strides = array<i32>} : memref<128x256xf32, #tpu.memory_space<vmem>>, vector<1x16xf32>,
      %get3A_263 = arith.index_cast %scan3A_168 : i32 to index
      %get3A_264 = arith.constant 96 : index
      %get3A_265 = tpu.vector_load %arg6[%get3A_263, %get3A_264] {strides = array<i32>} : memref<128x256xf32, #tpu.memory_space<vmem>>, vector<1x16xf32>,
      %get3A_266 = vector.shape_cast %get3A_265 : vector<1x16xf32> to vector<16xf32>
      %add3A_267 = arith.constant 64 : i32
      %add3A_268 = arith.addi %add3A_267, %scan3A_168 : i32
      %get3A_269 = arith.index_cast %add3A_268 : i32 to index
      %get3A_270 = arith.constant 96 : index
      %get3A_271 = tpu.vector_load %arg6[%get3A_269, %get3A_270] {strides = array<i32>} : memref<128x256xf32, #tpu.memory_space<vmem>>, vector<1x16xf32>,
      %get3A_272 = vector.shape_cast %get3A_271 : vector<1x16xf32> to vector<16xf32>
      %add3A_273 = arith.addf %get3A_266, %get3A_272 : vector<16xf32>
      %swap3A_274 = arith.index_cast %scan3A_168 : i32 to index
      %swap3A_275 = arith.constant 96 : index
      %swap3A_276 = tpu.vector_load %arg6[%swap3A_274, %swap3A_275] {strides = array<i32>} : memref<128x256xf32, #tpu.memory_space<vmem>>, vector<1x16xf32>,
      %swap3A_277 = vector.shape_cast %swap3A_276 : vector<1x16xf32> to vector<16xf32>
      %swap3A_278 = vector.shape_cast %add3A_273 : vector<16xf32> to vector<1x16xf32>
      tpu.vector_store %arg6[%swap3A_274, %swap3A_275], %swap3A_278 {strides = array<i32>} : memref<128x256xf32, #tpu.memory_space<vmem>>, vector<1x16xf32>,
      %get3A_279 = arith.index_cast %scan3A_168 : i32 to index
      %get3A_280 = arith.constant 112 : index
      %get3A_281 = tpu.vector_load %arg6[%get3A_279, %get3A_280] {strides = array<i32>} : memref<128x256xf32, #tpu.memory_space<vmem>>, vector<1x16xf32>,
      %get3A_282 = vector.shape_cast %get3A_281 : vector<1x16xf32> to vector<16xf32>
      %add3A_283 = arith.constant 64 : i32
      %add3A_284 = arith.addi %add3A_283, %scan3A_168 : i32
      %get3A_285 = arith.index_cast %add3A_284 : i32 to index
      %get3A_286 = arith.constant 112 : index
      %get3A_287 = tpu.vector_load %arg6[%get3A_285, %get3A_286] {strides = array<i32>} : memref<128x256xf32, #tpu.memory_space<vmem>>, vector<1x16xf32>,
      %get3A_288 = vector.shape_cast %get3A_287 : vector<1x16xf32> to vector<16xf32>
      %add3A_289 = arith.addf %get3A_282, %get3A_288 : vector<16xf32>
      %swap3A_290 = arith.index_cast %scan3A_168 : i32 to index
      %swap3A_291 = arith.constant 112 : index
      %swap3A_292 = tpu.vector_load %arg6[%swap3A_290, %swap3A_291] {strides = array<i32>} : memref<128x256xf32, #tpu.memory_space<vmem>>, vector<1x16xf32>,
      %swap3A_293 = vector.shape_cast %swap3A_292 : vector<1x16xf32> to vector<16xf32>
      %swap3A_294 = vector.shape_cast %add3A_289 : vector<16xf32> to vector<1x16xf32>
      tpu.vector_store %arg6[%swap3A_290, %swap3A_291], %swap3A_294 {strides = array<i32>} : memref<128x256xf32, #tpu.memory_space<vmem>>, vector<1x16xf32>,
      %get3A_295 = arith.index_cast %scan3A_168 : i32 to index
      %get3A_296 = arith.constant 128 : index
      %get3A_297 = tpu.vector_load %arg6[%get3A_295, %get3A_296] {strides = array<i32>} : memref<128x256xf32, #tpu.memory_space<vmem>>, vector<1x16xf32>,
      %get3A_298 = vector.shape_cast %get3A_297 : vector<1x16xf32> to vector<16xf32>
      %add3A_299 = arith.constant 64 : i32
      %add3A_300 = arith.addi %add3A_299, %scan3A_168 : i32
      %get3A_301 = arith.index_cast %add3A_300 : i32 to index
      %get3A_302 = arith.constant 128 : index
      %get3A_303 = tpu.vector_load %arg6[%get3A_301, %get3A_302] {strides = array<i32>} : memref<128x256xf32, #tpu.memory_space<vmem>>, vector<1x16xf32>,
      %get3A_304 = vector.shape_cast %get3A_303 : vector<1x16xf32> to vector<16xf32>
      %add3A_305 = arith.addf %get3A_298, %get3A_304 : vector<16xf32>
      %swap3A_306 = arith.index_cast %scan3A_168 : i32 to index
      %swap3A_307 = arith.constant 128 : index
      %swap3A_308 = tpu.vector_load %arg6[%swap3A_306, %swap3A_307] {strides = array<i32>} : memref<128x256xf32, #tpu.memory_space<vmem>>, vector<1x16xf32>,
      %swap3A_309 = vector.shape_cast %swap3A_308 : vector<1x16xf32> to vector<16xf32>
      %swap3A_310 = vector.shape_cast %add3A_305 : vector<16xf32> to vector<1x16xf32>
      tpu.vector_store %arg6[%swap3A_306, %swap3A_307], %swap3A_310 {strides = array<i32>} : memref<128x256xf32, #tpu.memory_space<vmem>>, vector<1x16xf32>,
      %get3A_311 = arith.index_cast %scan3A_168 : i32 to index
      %get3A_312 = arith.constant 144 : index
      %get3A_313 = tpu.vector_load %arg6[%get3A_311, %get3A_312] {strides = array<i32>} : memref<128x256xf32, #tpu.memory_space<vmem>>, vector<1x16xf32>,
      %get3A_314 = vector.shape_cast %get3A_313 : vector<1x16xf32> to vector<16xf32>
      %add3A_315 = arith.constant 64 : i32
      %add3A_316 = arith.addi %add3A_315, %scan3A_168 : i32
      %get3A_317 = arith.index_cast %add3A_316 : i32 to index
      %get3A_318 = arith.constant 144 : index
      %get3A_319 = tpu.vector_load %arg6[%get3A_317, %get3A_318] {strides = array<i32>} : memref<128x256xf32, #tpu.memory_space<vmem>>, vector<1x16xf32>,
      %get3A_320 = vector.shape_cast %get3A_319 : vector<1x16xf32> to vector<16xf32>
      %add3A_321 = arith.addf %get3A_314, %get3A_320 : vector<16xf32>
      %swap3A_322 = arith.index_cast %scan3A_168 : i32 to index
      %swap3A_323 = arith.constant 144 : index
      %swap3A_324 = tpu.vector_load %arg6[%swap3A_322, %swap3A_323] {strides = array<i32>} : memref<128x256xf32, #tpu.memory_space<vmem>>, vector<1x16xf32>,
      %swap3A_325 = vector.shape_cast %swap3A_324 : vector<1x16xf32> to vector<16xf32>
      %swap3A_326 = vector.shape_cast %add3A_321 : vector<16xf32> to vector<1x16xf32>
      tpu.vector_store %arg6[%swap3A_322, %swap3A_323], %swap3A_326 {strides = array<i32>} : memref<128x256xf32, #tpu.memory_space<vmem>>, vector<1x16xf32>,
      %get3A_327 = arith.index_cast %scan3A_168 : i32 to index
      %get3A_328 = arith.constant 160 : index
      %get3A_329 = tpu.vector_load %arg6[%get3A_327, %get3A_328] {strides = array<i32>} : memref<128x256xf32, #tpu.memory_space<vmem>>, vector<1x16xf32>,
      %get3A_330 = vector.shape_cast %get3A_329 : vector<1x16xf32> to vector<16xf32>
      %add3A_331 = arith.constant 64 : i32
      %add3A_332 = arith.addi %add3A_331, %scan3A_168 : i32
      %get3A_333 = arith.index_cast %add3A_332 : i32 to index
      %get3A_334 = arith.constant 160 : index
      %get3A_335 = tpu.vector_load %arg6[%get3A_333, %get3A_334] {strides = array<i32>} : memref<128x256xf32, #tpu.memory_space<vmem>>, vector<1x16xf32>,
      %get3A_336 = vector.shape_cast %get3A_335 : vector<1x16xf32> to vector<16xf32>
      %add3A_337 = arith.addf %get3A_330, %get3A_336 : vector<16xf32>
      %swap3A_338 = arith.index_cast %scan3A_168 : i32 to index
      %swap3A_339 = arith.constant 160 : index
      %swap3A_340 = tpu.vector_load %arg6[%swap3A_338, %swap3A_339] {strides = array<i32>} : memref<128x256xf32, #tpu.memory_space<vmem>>, vector<1x16xf32>,
      %swap3A_341 = vector.shape_cast %swap3A_340 : vector<1x16xf32> to vector<16xf32>
      %swap3A_342 = vector.shape_cast %add3A_337 : vector<16xf32> to vector<1x16xf32>
      tpu.vector_store %arg6[%swap3A_338, %swap3A_339], %swap3A_342 {strides = array<i32>} : memref<128x256xf32, #tpu.memory_space<vmem>>, vector<1x16xf32>,
      %get3A_343 = arith.index_cast %scan3A_168 : i32 to index
      %get3A_344 = arith.constant 176 : index
      %get3A_345 = tpu.vector_load %arg6[%get3A_343, %get3A_344] {strides = array<i32>} : memref<128x256xf32, #tpu.memory_space<vmem>>, vector<1x16xf32>,
      %get3A_346 = vector.shape_cast %get3A_345 : vector<1x16xf32> to vector<16xf32>
      %add3A_347 = arith.constant 64 : i32
      %add3A_348 = arith.addi %add3A_347, %scan3A_168 : i32
      %get3A_349 = arith.index_cast %add3A_348 : i32 to index
      %get3A_350 = arith.constant 176 : index
      %get3A_351 = tpu.vector_load %arg6[%get3A_349, %get3A_350] {strides = array<i32>} : memref<128x256xf32, #tpu.memory_space<vmem>>, vector<1x16xf32>,
      %get3A_352 = vector.shape_cast %get3A_351 : vector<1x16xf32> to vector<16xf32>
      %add3A_353 = arith.addf %get3A_346, %get3A_352 : vector<16xf32>
      %swap3A_354 = arith.index_cast %scan3A_168 : i32 to index
      %swap3A_355 = arith.constant 176 : index
      %swap3A_356 = tpu.vector_load %arg6[%swap3A_354, %swap3A_355] {strides = array<i32>} : memref<128x256xf32, #tpu.memory_space<vmem>>, vector<1x16xf32>,
      %swap3A_357 = vector.shape_cast %swap3A_356 : vector<1x16xf32> to vector<16xf32>
      %swap3A_358 = vector.shape_cast %add3A_353 : vector<16xf32> to vector<1x16xf32>
      tpu.vector_store %arg6[%swap3A_354, %swap3A_355], %swap3A_358 {strides = array<i32>} : memref<128x256xf32, #tpu.memory_space<vmem>>, vector<1x16xf32>,
      %get3A_359 = arith.index_cast %scan3A_168 : i32 to index
      %get3A_360 = arith.constant 192 : index
      %get3A_361 = tpu.vector_load %arg6[%get3A_359, %get3A_360] {strides = array<i32>} : memref<128x256xf32, #tpu.memory_space<vmem>>, vector<1x16xf32>,
      %get3A_362 = vector.shape_cast %get3A_361 : vector<1x16xf32> to vector<16xf32>
      %add3A_363 = arith.constant 64 : i32
      %add3A_364 = arith.addi %add3A_363, %scan3A_168 : i32
      %get3A_365 = arith.index_cast %add3A_364 : i32 to index
      %get3A_366 = arith.constant 192 : index
      %get3A_367 = tpu.vector_load %arg6[%get3A_365, %get3A_366] {strides = array<i32>} : memref<128x256xf32, #tpu.memory_space<vmem>>, vector<1x16xf32>,
      %get3A_368 = vector.shape_cast %get3A_367 : vector<1x16xf32> to vector<16xf32>
      %add3A_369 = arith.addf %get3A_362, %get3A_368 : vector<16xf32>
      %swap3A_370 = arith.index_cast %scan3A_168 : i32 to index
      %swap3A_371 = arith.constant 192 : index
      %swap3A_372 = tpu.vector_load %arg6[%swap3A_370, %swap3A_371] {strides = array<i32>} : memref<128x256xf32, #tpu.memory_space<vmem>>, vector<1x16xf32>,
      %swap3A_373 = vector.shape_cast %swap3A_372 : vector<1x16xf32> to vector<16xf32>
      %swap3A_374 = vector.shape_cast %add3A_369 : vector<16xf32> to vector<1x16xf32>
      tpu.vector_store %arg6[%swap3A_370, %swap3A_371], %swap3A_374 {strides = array<i32>} : memref<128x256xf32, #tpu.memory_space<vmem>>, vector<1x16xf32>,
      %get3A_375 = arith.index_cast %scan3A_168 : i32 to index
      %get3A_376 = arith.constant 208 : index
      %get3A_377 = tpu.vector_load %arg6[%get3A_375, %get3A_376] {strides = array<i32>} : memref<128x256xf32, #tpu.memory_space<vmem>>, vector<1x16xf32>,
      %get3A_378 = vector.shape_cast %get3A_377 : vector<1x16xf32> to vector<16xf32>
      %add3A_379 = arith.constant 64 : i32
      %add3A_380 = arith.addi %add3A_379, %scan3A_168 : i32
      %get3A_381 = arith.index_cast %add3A_380 : i32 to index
      %get3A_382 = arith.constant 208 : index
      %get3A_383 = tpu.vector_load %arg6[%get3A_381, %get3A_382] {strides = array<i32>} : memref<128x256xf32, #tpu.memory_space<vmem>>, vector<1x16xf32>,
      %get3A_384 = vector.shape_cast %get3A_383 : vector<1x16xf32> to vector<16xf32>
      %add3A_385 = arith.addf %get3A_378, %get3A_384 : vector<16xf32>
      %swap3A_386 = arith.index_cast %scan3A_168 : i32 to index
      %swap3A_387 = arith.constant 208 : index
      %swap3A_388 = tpu.vector_load %arg6[%swap3A_386, %swap3A_387] {strides = array<i32>} : memref<128x256xf32, #tpu.memory_space<vmem>>, vector<1x16xf32>,
      %swap3A_389 = vector.shape_cast %swap3A_388 : vector<1x16xf32> to vector<16xf32>
      %swap3A_390 = vector.shape_cast %add3A_385 : vector<16xf32> to vector<1x16xf32>
      tpu.vector_store %arg6[%swap3A_386, %swap3A_387], %swap3A_390 {strides = array<i32>} : memref<128x256xf32, #tpu.memory_space<vmem>>, vector<1x16xf32>,
      %get3A_391 = arith.index_cast %scan3A_168 : i32 to index
      %get3A_392 = arith.constant 224 : index
      %get3A_393 = tpu.vector_load %arg6[%get3A_391, %get3A_392] {strides = array<i32>} : memref<128x256xf32, #tpu.memory_space<vmem>>, vector<1x16xf32>,
      %get3A_394 = vector.shape_cast %get3A_393 : vector<1x16xf32> to vector<16xf32>
      %add3A_395 = arith.constant 64 : i32
      %add3A_396 = arith.addi %add3A_395, %scan3A_168 : i32
      %get3A_397 = arith.index_cast %add3A_396 : i32 to index
      %get3A_398 = arith.constant 224 : index
      %get3A_399 = tpu.vector_load %arg6[%get3A_397, %get3A_398] {strides = array<i32>} : memref<128x256xf32, #tpu.memory_space<vmem>>, vector<1x16xf32>,
      %get3A_400 = vector.shape_cast %get3A_399 : vector<1x16xf32> to vector<16xf32>
      %add3A_401 = arith.addf %get3A_394, %get3A_400 : vector<16xf32>
      %swap3A_402 = arith.index_cast %scan3A_168 : i32 to index
      %swap3A_403 = arith.constant 224 : index
      %swap3A_404 = tpu.vector_load %arg6[%swap3A_402, %swap3A_403] {strides = array<i32>} : memref<128x256xf32, #tpu.memory_space<vmem>>, vector<1x16xf32>,
      %swap3A_405 = vector.shape_cast %swap3A_404 : vector<1x16xf32> to vector<16xf32>
      %swap3A_406 = vector.shape_cast %add3A_401 : vector<16xf32> to vector<1x16xf32>
      tpu.vector_store %arg6[%swap3A_402, %swap3A_403], %swap3A_406 {strides = array<i32>} : memref<128x256xf32, #tpu.memory_space<vmem>>, vector<1x16xf32>,
      %get3A_407 = arith.index_cast %scan3A_168 : i32 to index
      %get3A_408 = arith.constant 240 : index
      %get3A_409 = tpu.vector_load %arg6[%get3A_407, %get3A_408] {strides = array<i32>} : memref<128x256xf32, #tpu.memory_space<vmem>>, vector<1x16xf32>,
      %get3A_410 = vector.shape_cast %get3A_409 : vector<1x16xf32> to vector<16xf32>
      %add3A_411 = arith.constant 64 : i32
      %add3A_412 = arith.addi %add3A_411, %scan3A_168 : i32
      %get3A_413 = arith.index_cast %add3A_412 : i32 to index
      %get3A_414 = arith.constant 240 : index
      %get3A_415 = tpu.vector_load %arg6[%get3A_413, %get3A_414] {strides = array<i32>} : memref<128x256xf32, #tpu.memory_space<vmem>>, vector<1x16xf32>,
      %get3A_416 = vector.shape_cast %get3A_415 : vector<1x16xf32> to vector<16xf32>
      %add3A_417 = arith.addf %get3A_410, %get3A_416 : vector<16xf32>
      %swap3A_418 = arith.index_cast %scan3A_168 : i32 to index
      %swap3A_419 = arith.constant 240 : index
      %swap3A_420 = tpu.vector_load %arg6[%swap3A_418, %swap3A_419] {strides = array<i32>} : memref<128x256xf32, #tpu.memory_space<vmem>>, vector<1x16xf32>,
      %swap3A_421 = vector.shape_cast %swap3A_420 : vector<1x16xf32> to vector<16xf32>
      %swap3A_422 = vector.shape_cast %add3A_417 : vector<16xf32> to vector<1x16xf32>
      tpu.vector_store %arg6[%swap3A_418, %swap3A_419], %swap3A_422 {strides = array<i32>} : memref<128x256xf32, #tpu.memory_space<vmem>>, vector<1x16xf32>,
    }
    %scan3A_110 = arith.constant 64 : i32
    %add3A_111 = arith.constant 128 : i32
    %add3A_112 = arith.addi %mul3A_2, %add3A_111 : i32
    %dma_start3A_113 = arith.constant 0 : i32
    %dma_start3A_114 = arith.constant 0 : i32
    %dma_start3A_115 = tpu.memref_slice %arg6[%dma_start3A_113, %dma_start3A_114] : memref<128x256xf32, #tpu.memory_space<vmem>> -> memref<64x256xf32, #tpu.memory_space<vmem>>
    %dma_start3A_116 = arith.constant 0 : i32
    %dma_start3A_117 = tpu.memref_slice %arg4[%add3A_112, %dma_start3A_116] : memref<8192x256xf32, #tpu.memory_space<hbm>> -> memref<64x256xf32, #tpu.memory_space<hbm>>
    %dma_start3A_118 = arith.constant 0 : i32
    %dma_start3A_119 = tpu.memref_slice %arg4[%add3A_112, %dma_start3A_118] : memref<8192x256xf32, #tpu.memory_space<hbm>> -> memref<64x256xf32, #tpu.memory_space<hbm>>
    %dma_start3A_120 = arith.constant 0 : i32
    %dma_start3A_121 = arith.constant 0 : i32
    %dma_start3A_122 = tpu.memref_slice %arg6[%dma_start3A_120, %dma_start3A_121] : memref<128x256xf32, #tpu.memory_space<vmem>> -> memref<64x256xf32, #tpu.memory_space<vmem>>
    tpu.enqueue_dma source(%dma_start3A_122 : memref<64x256xf32, #tpu.memory_space<vmem>>) target(%dma_start3A_119 : memref<64x256xf32, #tpu.memory_space<hbm>>) target_semaphore(%arg10 : memref<!tpu.dma_semaphore, #tpu.memory_space<semaphore_mem>>)
    %dma_wait3A_123 = arith.constant 3 : i32
    %dma_wait3A_124 = arith.constant 0 : i32
    %dma_wait3A_125 = tpu.memref_slice %arg5[%dma_wait3A_123, %dma_wait3A_124] : memref<4x128xi32, #tpu.memory_space<vmem>> -> memref<1x128xi32, #tpu.memory_space<vmem>>
    %dma_wait3A_126 = tpu.memref_squeeze %dma_wait3A_125 : memref<1x128xi32, #tpu.memory_space<vmem>> -> memref<128xi32, #tpu.memory_space<vmem>>
    %dma_wait3A_127 = arith.constant 0 : i32
    %dma_wait3A_128 = arith.constant 0 : i32
    %dma_wait3A_129 = tpu.memref_slice %arg2[%dma_wait3A_127, %dma_wait3A_128] : memref<2048x256xf32, #tpu.memory_space<hbm>> -> memref<2048x256xf32, #tpu.memory_space<hbm>>
    tpu.wait_indirect_dma semaphore(%arg9 : memref<!tpu.dma_semaphore, #tpu.memory_space<semaphore_mem>>) src(%dma_wait3A_129 : memref<2048x256xf32, #tpu.memory_space<hbm>>) dst(%arg7 : memref<128x256xf32, #tpu.memory_space<vmem>>)
    %scan3A_130 = arith.constant 0 : i32
    %scan3A_131 = arith.constant 0 : i32
    %scan3A_132 = arith.constant 64 : i32
    %scan3A_133 = arith.addi %scan3A_131, %scan3A_132 : i32
    %scan3A_134 = arith.constant 1 : i32
    scf.for %scan3A_168 = %scan3A_131 to %scan3A_133 step %scan3A_134  : i32 {
      %get3A = arith.index_cast %scan3A_168 : i32 to index
      %get3A_169 = arith.constant 0 : index
      %get3A_170 = tpu.vector_load %arg7[%get3A, %get3A_169] {strides = array<i32>} : memref<128x256xf32, #tpu.memory_space<vmem>>, vector<1x16xf32>,
      %get3A_171 = vector.shape_cast %get3A_170 : vector<1x16xf32> to vector<16xf32>
      %add3A_172 = arith.constant 64 : i32
      %add3A_173 = arith.addi %add3A_172, %scan3A_168 : i32
      %get3A_174 = arith.index_cast %add3A_173 : i32 to index
      %get3A_175 = arith.constant 0 : index
      %get3A_176 = tpu.vector_load %arg7[%get3A_174, %get3A_175] {strides = array<i32>} : memref<128x256xf32, #tpu.memory_space<vmem>>, vector<1x16xf32>,
      %get3A_177 = vector.shape_cast %get3A_176 : vector<1x16xf32> to vector<16xf32>
      %add3A_178 = arith.addf %get3A_171, %get3A_177 : vector<16xf32>
      %swap3A = arith.index_cast %scan3A_168 : i32 to index
      %swap3A_179 = arith.constant 0 : index
      %swap3A_180 = tpu.vector_load %arg7[%swap3A, %swap3A_179] {strides = array<i32>} : memref<128x256xf32, #tpu.memory_space<vmem>>, vector<1x16xf32>,
      %swap3A_181 = vector.shape_cast %swap3A_180 : vector<1x16xf32> to vector<16xf32>
      %swap3A_182 = vector.shape_cast %add3A_178 : vector<16xf32> to vector<1x16xf32>
      tpu.vector_store %arg7[%swap3A, %swap3A_179], %swap3A_182 {strides = array<i32>} : memref<128x256xf32, #tpu.memory_space<vmem>>, vector<1x16xf32>,
      %get3A_183 = arith.index_cast %scan3A_168 : i32 to index
      %get3A_184 = arith.constant 16 : index
      %get3A_185 = tpu.vector_load %arg7[%get3A_183, %get3A_184] {strides = array<i32>} : memref<128x256xf32, #tpu.memory_space<vmem>>, vector<1x16xf32>,
      %get3A_186 = vector.shape_cast %get3A_185 : vector<1x16xf32> to vector<16xf32>
      %add3A_187 = arith.constant 64 : i32
      %add3A_188 = arith.addi %add3A_187, %scan3A_168 : i32
      %get3A_189 = arith.index_cast %add3A_188 : i32 to index
      %get3A_190 = arith.constant 16 : index
      %get3A_191 = tpu.vector_load %arg7[%get3A_189, %get3A_190] {strides = array<i32>} : memref<128x256xf32, #tpu.memory_space<vmem>>, vector<1x16xf32>,
      %get3A_192 = vector.shape_cast %get3A_191 : vector<1x16xf32> to vector<16xf32>
      %add3A_193 = arith.addf %get3A_186, %get3A_192 : vector<16xf32>
      %swap3A_194 = arith.index_cast %scan3A_168 : i32 to index
      %swap3A_195 = arith.constant 16 : index
      %swap3A_196 = tpu.vector_load %arg7[%swap3A_194, %swap3A_195] {strides = array<i32>} : memref<128x256xf32, #tpu.memory_space<vmem>>, vector<1x16xf32>,
      %swap3A_197 = vector.shape_cast %swap3A_196 : vector<1x16xf32> to vector<16xf32>
      %swap3A_198 = vector.shape_cast %add3A_193 : vector<16xf32> to vector<1x16xf32>
      tpu.vector_store %arg7[%swap3A_194, %swap3A_195], %swap3A_198 {strides = array<i32>} : memref<128x256xf32, #tpu.memory_space<vmem>>, vector<1x16xf32>,
      %get3A_199 = arith.index_cast %scan3A_168 : i32 to index
      %get3A_200 = arith.constant 32 : index
      %get3A_201 = tpu.vector_load %arg7[%get3A_199, %get3A_200] {strides = array<i32>} : memref<128x256xf32, #tpu.memory_space<vmem>>, vector<1x16xf32>,
      %get3A_202 = vector.shape_cast %get3A_201 : vector<1x16xf32> to vector<16xf32>
      %add3A_203 = arith.constant 64 : i32
      %add3A_204 = arith.addi %add3A_203, %scan3A_168 : i32
      %get3A_205 = arith.index_cast %add3A_204 : i32 to index
      %get3A_206 = arith.constant 32 : index
      %get3A_207 = tpu.vector_load %arg7[%get3A_205, %get3A_206] {strides = array<i32>} : memref<128x256xf32, #tpu.memory_space<vmem>>, vector<1x16xf32>,
      %get3A_208 = vector.shape_cast %get3A_207 : vector<1x16xf32> to vector<16xf32>
      %add3A_209 = arith.addf %get3A_202, %get3A_208 : vector<16xf32>
      %swap3A_210 = arith.index_cast %scan3A_168 : i32 to index
      %swap3A_211 = arith.constant 32 : index
      %swap3A_212 = tpu.vector_load %arg7[%swap3A_210, %swap3A_211] {strides = array<i32>} : memref<128x256xf32, #tpu.memory_space<vmem>>, vector<1x16xf32>,
      %swap3A_213 = vector.shape_cast %swap3A_212 : vector<1x16xf32> to vector<16xf32>
      %swap3A_214 = vector.shape_cast %add3A_209 : vector<16xf32> to vector<1x16xf32>
      tpu.vector_store %arg7[%swap3A_210, %swap3A_211], %swap3A_214 {strides = array<i32>} : memref<128x256xf32, #tpu.memory_space<vmem>>, vector<1x16xf32>,
      %get3A_215 = arith.index_cast %scan3A_168 : i32 to index
      %get3A_216 = arith.constant 48 : index
      %get3A_217 = tpu.vector_load %arg7[%get3A_215, %get3A_216] {strides = array<i32>} : memref<128x256xf32, #tpu.memory_space<vmem>>, vector<1x16xf32>,
      %get3A_218 = vector.shape_cast %get3A_217 : vector<1x16xf32> to vector<16xf32>
      %add3A_219 = arith.constant 64 : i32
      %add3A_220 = arith.addi %add3A_219, %scan3A_168 : i32
      %get3A_221 = arith.index_cast %add3A_220 : i32 to index
      %get3A_222 = arith.constant 48 : index
      %get3A_223 = tpu.vector_load %arg7[%get3A_221, %get3A_222] {strides = array<i32>} : memref<128x256xf32, #tpu.memory_space<vmem>>, vector<1x16xf32>,
      %get3A_224 = vector.shape_cast %get3A_223 : vector<1x16xf32> to vector<16xf32>
      %add3A_225 = arith.addf %get3A_218, %get3A_224 : vector<16xf32>
      %swap3A_226 = arith.index_cast %scan3A_168 : i32 to index
      %swap3A_227 = arith.constant 48 : index
      %swap3A_228 = tpu.vector_load %arg7[%swap3A_226, %swap3A_227] {strides = array<i32>} : memref<128x256xf32, #tpu.memory_space<vmem>>, vector<1x16xf32>,
      %swap3A_229 = vector.shape_cast %swap3A_228 : vector<1x16xf32> to vector<16xf32>
      %swap3A_230 = vector.shape_cast %add3A_225 : vector<16xf32> to vector<1x16xf32>
      tpu.vector_store %arg7[%swap3A_226, %swap3A_227], %swap3A_230 {strides = array<i32>} : memref<128x256xf32, #tpu.memory_space<vmem>>, vector<1x16xf32>,
      %get3A_231 = arith.index_cast %scan3A_168 : i32 to index
      %get3A_232 = arith.constant 64 : index
      %get3A_233 = tpu.vector_load %arg7[%get3A_231, %get3A_232] {strides = array<i32>} : memref<128x256xf32, #tpu.memory_space<vmem>>, vector<1x16xf32>,
      %get3A_234 = vector.shape_cast %get3A_233 : vector<1x16xf32> to vector<16xf32>
      %add3A_235 = arith.constant 64 : i32
      %add3A_236 = arith.addi %add3A_235, %scan3A_168 : i32
      %get3A_237 = arith.index_cast %add3A_236 : i32 to index
      %get3A_238 = arith.constant 64 : index
      %get3A_239 = tpu.vector_load %arg7[%get3A_237, %get3A_238] {strides = array<i32>} : memref<128x256xf32, #tpu.memory_space<vmem>>, vector<1x16xf32>,
      %get3A_240 = vector.shape_cast %get3A_239 : vector<1x16xf32> to vector<16xf32>
      %add3A_241 = arith.addf %get3A_234, %get3A_240 : vector<16xf32>
      %swap3A_242 = arith.index_cast %scan3A_168 : i32 to index
      %swap3A_243 = arith.constant 64 : index
      %swap3A_244 = tpu.vector_load %arg7[%swap3A_242, %swap3A_243] {strides = array<i32>} : memref<128x256xf32, #tpu.memory_space<vmem>>, vector<1x16xf32>,
      %swap3A_245 = vector.shape_cast %swap3A_244 : vector<1x16xf32> to vector<16xf32>
      %swap3A_246 = vector.shape_cast %add3A_241 : vector<16xf32> to vector<1x16xf32>
      tpu.vector_store %arg7[%swap3A_242, %swap3A_243], %swap3A_246 {strides = array<i32>} : memref<128x256xf32, #tpu.memory_space<vmem>>, vector<1x16xf32>,
      %get3A_247 = arith.index_cast %scan3A_168 : i32 to index
      %get3A_248 = arith.constant 80 : index
      %get3A_249 = tpu.vector_load %arg7[%get3A_247, %get3A_248] {strides = array<i32>} : memref<128x256xf32, #tpu.memory_space<vmem>>, vector<1x16xf32>,
      %get3A_250 = vector.shape_cast %get3A_249 : vector<1x16xf32> to vector<16xf32>
      %add3A_251 = arith.constant 64 : i32
      %add3A_252 = arith.addi %add3A_251, %scan3A_168 : i32
      %get3A_253 = arith.index_cast %add3A_252 : i32 to index
      %get3A_254 = arith.constant 80 : index
      %get3A_255 = tpu.vector_load %arg7[%get3A_253, %get3A_254] {strides = array<i32>} : memref<128x256xf32, #tpu.memory_space<vmem>>, vector<1x16xf32>,
      %get3A_256 = vector.shape_cast %get3A_255 : vector<1x16xf32> to vector<16xf32>
      %add3A_257 = arith.addf %get3A_250, %get3A_256 : vector<16xf32>
      %swap3A_258 = arith.index_cast %scan3A_168 : i32 to index
      %swap3A_259 = arith.constant 80 : index
      %swap3A_260 = tpu.vector_load %arg7[%swap3A_258, %swap3A_259] {strides = array<i32>} : memref<128x256xf32, #tpu.memory_space<vmem>>, vector<1x16xf32>,
      %swap3A_261 = vector.shape_cast %swap3A_260 : vector<1x16xf32> to vector<16xf32>
      %swap3A_262 = vector.shape_cast %add3A_257 : vector<16xf32> to vector<1x16xf32>
      tpu.vector_store %arg7[%swap3A_258, %swap3A_259], %swap3A_262 {strides = array<i32>} : memref<128x256xf32, #tpu.memory_space<vmem>>, vector<1x16xf32>,
      %get3A_263 = arith.index_cast %scan3A_168 : i32 to index
      %get3A_264 = arith.constant 96 : index
      %get3A_265 = tpu.vector_load %arg7[%get3A_263, %get3A_264] {strides = array<i32>} : memref<128x256xf32, #tpu.memory_space<vmem>>, vector<1x16xf32>,
      %get3A_266 = vector.shape_cast %get3A_265 : vector<1x16xf32> to vector<16xf32>
      %add3A_267 = arith.constant 64 : i32
      %add3A_268 = arith.addi %add3A_267, %scan3A_168 : i32
      %get3A_269 = arith.index_cast %add3A_268 : i32 to index
      %get3A_270 = arith.constant 96 : index
      %get3A_271 = tpu.vector_load %arg7[%get3A_269, %get3A_270] {strides = array<i32>} : memref<128x256xf32, #tpu.memory_space<vmem>>, vector<1x16xf32>,
      %get3A_272 = vector.shape_cast %get3A_271 : vector<1x16xf32> to vector<16xf32>
      %add3A_273 = arith.addf %get3A_266, %get3A_272 : vector<16xf32>
      %swap3A_274 = arith.index_cast %scan3A_168 : i32 to index
      %swap3A_275 = arith.constant 96 : index
      %swap3A_276 = tpu.vector_load %arg7[%swap3A_274, %swap3A_275] {strides = array<i32>} : memref<128x256xf32, #tpu.memory_space<vmem>>, vector<1x16xf32>,
      %swap3A_277 = vector.shape_cast %swap3A_276 : vector<1x16xf32> to vector<16xf32>
      %swap3A_278 = vector.shape_cast %add3A_273 : vector<16xf32> to vector<1x16xf32>
      tpu.vector_store %arg7[%swap3A_274, %swap3A_275], %swap3A_278 {strides = array<i32>} : memref<128x256xf32, #tpu.memory_space<vmem>>, vector<1x16xf32>,
      %get3A_279 = arith.index_cast %scan3A_168 : i32 to index
      %get3A_280 = arith.constant 112 : index
      %get3A_281 = tpu.vector_load %arg7[%get3A_279, %get3A_280] {strides = array<i32>} : memref<128x256xf32, #tpu.memory_space<vmem>>, vector<1x16xf32>,
      %get3A_282 = vector.shape_cast %get3A_281 : vector<1x16xf32> to vector<16xf32>
      %add3A_283 = arith.constant 64 : i32
      %add3A_284 = arith.addi %add3A_283, %scan3A_168 : i32
      %get3A_285 = arith.index_cast %add3A_284 : i32 to index
      %get3A_286 = arith.constant 112 : index
      %get3A_287 = tpu.vector_load %arg7[%get3A_285, %get3A_286] {strides = array<i32>} : memref<128x256xf32, #tpu.memory_space<vmem>>, vector<1x16xf32>,
      %get3A_288 = vector.shape_cast %get3A_287 : vector<1x16xf32> to vector<16xf32>
      %add3A_289 = arith.addf %get3A_282, %get3A_288 : vector<16xf32>
      %swap3A_290 = arith.index_cast %scan3A_168 : i32 to index
      %swap3A_291 = arith.constant 112 : index
      %swap3A_292 = tpu.vector_load %arg7[%swap3A_290, %swap3A_291] {strides = array<i32>} : memref<128x256xf32, #tpu.memory_space<vmem>>, vector<1x16xf32>,
      %swap3A_293 = vector.shape_cast %swap3A_292 : vector<1x16xf32> to vector<16xf32>
      %swap3A_294 = vector.shape_cast %add3A_289 : vector<16xf32> to vector<1x16xf32>
      tpu.vector_store %arg7[%swap3A_290, %swap3A_291], %swap3A_294 {strides = array<i32>} : memref<128x256xf32, #tpu.memory_space<vmem>>, vector<1x16xf32>,
      %get3A_295 = arith.index_cast %scan3A_168 : i32 to index
      %get3A_296 = arith.constant 128 : index
      %get3A_297 = tpu.vector_load %arg7[%get3A_295, %get3A_296] {strides = array<i32>} : memref<128x256xf32, #tpu.memory_space<vmem>>, vector<1x16xf32>,
      %get3A_298 = vector.shape_cast %get3A_297 : vector<1x16xf32> to vector<16xf32>
      %add3A_299 = arith.constant 64 : i32
      %add3A_300 = arith.addi %add3A_299, %scan3A_168 : i32
      %get3A_301 = arith.index_cast %add3A_300 : i32 to index
      %get3A_302 = arith.constant 128 : index
      %get3A_303 = tpu.vector_load %arg7[%get3A_301, %get3A_302] {strides = array<i32>} : memref<128x256xf32, #tpu.memory_space<vmem>>, vector<1x16xf32>,
      %get3A_304 = vector.shape_cast %get3A_303 : vector<1x16xf32> to vector<16xf32>
      %add3A_305 = arith.addf %get3A_298, %get3A_304 : vector<16xf32>
      %swap3A_306 = arith.index_cast %scan3A_168 : i32 to index
      %swap3A_307 = arith.constant 128 : index
      %swap3A_308 = tpu.vector_load %arg7[%swap3A_306, %swap3A_307] {strides = array<i32>} : memref<128x256xf32, #tpu.memory_space<vmem>>, vector<1x16xf32>,
      %swap3A_309 = vector.shape_cast %swap3A_308 : vector<1x16xf32> to vector<16xf32>
      %swap3A_310 = vector.shape_cast %add3A_305 : vector<16xf32> to vector<1x16xf32>
      tpu.vector_store %arg7[%swap3A_306, %swap3A_307], %swap3A_310 {strides = array<i32>} : memref<128x256xf32, #tpu.memory_space<vmem>>, vector<1x16xf32>,
      %get3A_311 = arith.index_cast %scan3A_168 : i32 to index
      %get3A_312 = arith.constant 144 : index
      %get3A_313 = tpu.vector_load %arg7[%get3A_311, %get3A_312] {strides = array<i32>} : memref<128x256xf32, #tpu.memory_space<vmem>>, vector<1x16xf32>,
      %get3A_314 = vector.shape_cast %get3A_313 : vector<1x16xf32> to vector<16xf32>
      %add3A_315 = arith.constant 64 : i32
      %add3A_316 = arith.addi %add3A_315, %scan3A_168 : i32
      %get3A_317 = arith.index_cast %add3A_316 : i32 to index
      %get3A_318 = arith.constant 144 : index
      %get3A_319 = tpu.vector_load %arg7[%get3A_317, %get3A_318] {strides = array<i32>} : memref<128x256xf32, #tpu.memory_space<vmem>>, vector<1x16xf32>,
      %get3A_320 = vector.shape_cast %get3A_319 : vector<1x16xf32> to vector<16xf32>
      %add3A_321 = arith.addf %get3A_314, %get3A_320 : vector<16xf32>
      %swap3A_322 = arith.index_cast %scan3A_168 : i32 to index
      %swap3A_323 = arith.constant 144 : index
      %swap3A_324 = tpu.vector_load %arg7[%swap3A_322, %swap3A_323] {strides = array<i32>} : memref<128x256xf32, #tpu.memory_space<vmem>>, vector<1x16xf32>,
      %swap3A_325 = vector.shape_cast %swap3A_324 : vector<1x16xf32> to vector<16xf32>
      %swap3A_326 = vector.shape_cast %add3A_321 : vector<16xf32> to vector<1x16xf32>
      tpu.vector_store %arg7[%swap3A_322, %swap3A_323], %swap3A_326 {strides = array<i32>} : memref<128x256xf32, #tpu.memory_space<vmem>>, vector<1x16xf32>,
      %get3A_327 = arith.index_cast %scan3A_168 : i32 to index
      %get3A_328 = arith.constant 160 : index
      %get3A_329 = tpu.vector_load %arg7[%get3A_327, %get3A_328] {strides = array<i32>} : memref<128x256xf32, #tpu.memory_space<vmem>>, vector<1x16xf32>,
      %get3A_330 = vector.shape_cast %get3A_329 : vector<1x16xf32> to vector<16xf32>
      %add3A_331 = arith.constant 64 : i32
      %add3A_332 = arith.addi %add3A_331, %scan3A_168 : i32
      %get3A_333 = arith.index_cast %add3A_332 : i32 to index
      %get3A_334 = arith.constant 160 : index
      %get3A_335 = tpu.vector_load %arg7[%get3A_333, %get3A_334] {strides = array<i32>} : memref<128x256xf32, #tpu.memory_space<vmem>>, vector<1x16xf32>,
      %get3A_336 = vector.shape_cast %get3A_335 : vector<1x16xf32> to vector<16xf32>
      %add3A_337 = arith.addf %get3A_330, %get3A_336 : vector<16xf32>
      %swap3A_338 = arith.index_cast %scan3A_168 : i32 to index
      %swap3A_339 = arith.constant 160 : index
      %swap3A_340 = tpu.vector_load %arg7[%swap3A_338, %swap3A_339] {strides = array<i32>} : memref<128x256xf32, #tpu.memory_space<vmem>>, vector<1x16xf32>,
      %swap3A_341 = vector.shape_cast %swap3A_340 : vector<1x16xf32> to vector<16xf32>
      %swap3A_342 = vector.shape_cast %add3A_337 : vector<16xf32> to vector<1x16xf32>
      tpu.vector_store %arg7[%swap3A_338, %swap3A_339], %swap3A_342 {strides = array<i32>} : memref<128x256xf32, #tpu.memory_space<vmem>>, vector<1x16xf32>,
      %get3A_343 = arith.index_cast %scan3A_168 : i32 to index
      %get3A_344 = arith.constant 176 : index
      %get3A_345 = tpu.vector_load %arg7[%get3A_343, %get3A_344] {strides = array<i32>} : memref<128x256xf32, #tpu.memory_space<vmem>>, vector<1x16xf32>,
      %get3A_346 = vector.shape_cast %get3A_345 : vector<1x16xf32> to vector<16xf32>
      %add3A_347 = arith.constant 64 : i32
      %add3A_348 = arith.addi %add3A_347, %scan3A_168 : i32
      %get3A_349 = arith.index_cast %add3A_348 : i32 to index
      %get3A_350 = arith.constant 176 : index
      %get3A_351 = tpu.vector_load %arg7[%get3A_349, %get3A_350] {strides = array<i32>} : memref<128x256xf32, #tpu.memory_space<vmem>>, vector<1x16xf32>,
      %get3A_352 = vector.shape_cast %get3A_351 : vector<1x16xf32> to vector<16xf32>
      %add3A_353 = arith.addf %get3A_346, %get3A_352 : vector<16xf32>
      %swap3A_354 = arith.index_cast %scan3A_168 : i32 to index
      %swap3A_355 = arith.constant 176 : index
      %swap3A_356 = tpu.vector_load %arg7[%swap3A_354, %swap3A_355] {strides = array<i32>} : memref<128x256xf32, #tpu.memory_space<vmem>>, vector<1x16xf32>,
      %swap3A_357 = vector.shape_cast %swap3A_356 : vector<1x16xf32> to vector<16xf32>
      %swap3A_358 = vector.shape_cast %add3A_353 : vector<16xf32> to vector<1x16xf32>
      tpu.vector_store %arg7[%swap3A_354, %swap3A_355], %swap3A_358 {strides = array<i32>} : memref<128x256xf32, #tpu.memory_space<vmem>>, vector<1x16xf32>,
      %get3A_359 = arith.index_cast %scan3A_168 : i32 to index
      %get3A_360 = arith.constant 192 : index
      %get3A_361 = tpu.vector_load %arg7[%get3A_359, %get3A_360] {strides = array<i32>} : memref<128x256xf32, #tpu.memory_space<vmem>>, vector<1x16xf32>,
      %get3A_362 = vector.shape_cast %get3A_361 : vector<1x16xf32> to vector<16xf32>
      %add3A_363 = arith.constant 64 : i32
      %add3A_364 = arith.addi %add3A_363, %scan3A_168 : i32
      %get3A_365 = arith.index_cast %add3A_364 : i32 to index
      %get3A_366 = arith.constant 192 : index
      %get3A_367 = tpu.vector_load %arg7[%get3A_365, %get3A_366] {strides = array<i32>} : memref<128x256xf32, #tpu.memory_space<vmem>>, vector<1x16xf32>,
      %get3A_368 = vector.shape_cast %get3A_367 : vector<1x16xf32> to vector<16xf32>
      %add3A_369 = arith.addf %get3A_362, %get3A_368 : vector<16xf32>
      %swap3A_370 = arith.index_cast %scan3A_168 : i32 to index
      %swap3A_371 = arith.constant 192 : index
      %swap3A_372 = tpu.vector_load %arg7[%swap3A_370, %swap3A_371] {strides = array<i32>} : memref<128x256xf32, #tpu.memory_space<vmem>>, vector<1x16xf32>,
      %swap3A_373 = vector.shape_cast %swap3A_372 : vector<1x16xf32> to vector<16xf32>
      %swap3A_374 = vector.shape_cast %add3A_369 : vector<16xf32> to vector<1x16xf32>
      tpu.vector_store %arg7[%swap3A_370, %swap3A_371], %swap3A_374 {strides = array<i32>} : memref<128x256xf32, #tpu.memory_space<vmem>>, vector<1x16xf32>,
      %get3A_375 = arith.index_cast %scan3A_168 : i32 to index
      %get3A_376 = arith.constant 208 : index
      %get3A_377 = tpu.vector_load %arg7[%get3A_375, %get3A_376] {strides = array<i32>} : memref<128x256xf32, #tpu.memory_space<vmem>>, vector<1x16xf32>,
      %get3A_378 = vector.shape_cast %get3A_377 : vector<1x16xf32> to vector<16xf32>
      %add3A_379 = arith.constant 64 : i32
      %add3A_380 = arith.addi %add3A_379, %scan3A_168 : i32
      %get3A_381 = arith.index_cast %add3A_380 : i32 to index
      %get3A_382 = arith.constant 208 : index
      %get3A_383 = tpu.vector_load %arg7[%get3A_381, %get3A_382] {strides = array<i32>} : memref<128x256xf32, #tpu.memory_space<vmem>>, vector<1x16xf32>,
      %get3A_384 = vector.shape_cast %get3A_383 : vector<1x16xf32> to vector<16xf32>
      %add3A_385 = arith.addf %get3A_378, %get3A_384 : vector<16xf32>
      %swap3A_386 = arith.index_cast %scan3A_168 : i32 to index
      %swap3A_387 = arith.constant 208 : index
      %swap3A_388 = tpu.vector_load %arg7[%swap3A_386, %swap3A_387] {strides = array<i32>} : memref<128x256xf32, #tpu.memory_space<vmem>>, vector<1x16xf32>,
      %swap3A_389 = vector.shape_cast %swap3A_388 : vector<1x16xf32> to vector<16xf32>
      %swap3A_390 = vector.shape_cast %add3A_385 : vector<16xf32> to vector<1x16xf32>
      tpu.vector_store %arg7[%swap3A_386, %swap3A_387], %swap3A_390 {strides = array<i32>} : memref<128x256xf32, #tpu.memory_space<vmem>>, vector<1x16xf32>,
      %get3A_391 = arith.index_cast %scan3A_168 : i32 to index
      %get3A_392 = arith.constant 224 : index
      %get3A_393 = tpu.vector_load %arg7[%get3A_391, %get3A_392] {strides = array<i32>} : memref<128x256xf32, #tpu.memory_space<vmem>>, vector<1x16xf32>,
      %get3A_394 = vector.shape_cast %get3A_393 : vector<1x16xf32> to vector<16xf32>
      %add3A_395 = arith.constant 64 : i32
      %add3A_396 = arith.addi %add3A_395, %scan3A_168 : i32
      %get3A_397 = arith.index_cast %add3A_396 : i32 to index
      %get3A_398 = arith.constant 224 : index
      %get3A_399 = tpu.vector_load %arg7[%get3A_397, %get3A_398] {strides = array<i32>} : memref<128x256xf32, #tpu.memory_space<vmem>>, vector<1x16xf32>,
      %get3A_400 = vector.shape_cast %get3A_399 : vector<1x16xf32> to vector<16xf32>
      %add3A_401 = arith.addf %get3A_394, %get3A_400 : vector<16xf32>
      %swap3A_402 = arith.index_cast %scan3A_168 : i32 to index
      %swap3A_403 = arith.constant 224 : index
      %swap3A_404 = tpu.vector_load %arg7[%swap3A_402, %swap3A_403] {strides = array<i32>} : memref<128x256xf32, #tpu.memory_space<vmem>>, vector<1x16xf32>,
      %swap3A_405 = vector.shape_cast %swap3A_404 : vector<1x16xf32> to vector<16xf32>
      %swap3A_406 = vector.shape_cast %add3A_401 : vector<16xf32> to vector<1x16xf32>
      tpu.vector_store %arg7[%swap3A_402, %swap3A_403], %swap3A_406 {strides = array<i32>} : memref<128x256xf32, #tpu.memory_space<vmem>>, vector<1x16xf32>,
      %get3A_407 = arith.index_cast %scan3A_168 : i32 to index
      %get3A_408 = arith.constant 240 : index
      %get3A_409 = tpu.vector_load %arg7[%get3A_407, %get3A_408] {strides = array<i32>} : memref<128x256xf32, #tpu.memory_space<vmem>>, vector<1x16xf32>,
      %get3A_410 = vector.shape_cast %get3A_409 : vector<1x16xf32> to vector<16xf32>
      %add3A_411 = arith.constant 64 : i32
      %add3A_412 = arith.addi %add3A_411, %scan3A_168 : i32
      %get3A_413 = arith.index_cast %add3A_412 : i32 to index
      %get3A_414 = arith.constant 240 : index
      %get3A_415 = tpu.vector_load %arg7[%get3A_413, %get3A_414] {strides = array<i32>} : memref<128x256xf32, #tpu.memory_space<vmem>>, vector<1x16xf32>,
      %get3A_416 = vector.shape_cast %get3A_415 : vector<1x16xf32> to vector<16xf32>
      %add3A_417 = arith.addf %get3A_410, %get3A_416 : vector<16xf32>
      %swap3A_418 = arith.index_cast %scan3A_168 : i32 to index
      %swap3A_419 = arith.constant 240 : index
      %swap3A_420 = tpu.vector_load %arg7[%swap3A_418, %swap3A_419] {strides = array<i32>} : memref<128x256xf32, #tpu.memory_space<vmem>>, vector<1x16xf32>,
      %swap3A_421 = vector.shape_cast %swap3A_420 : vector<1x16xf32> to vector<16xf32>
      %swap3A_422 = vector.shape_cast %add3A_417 : vector<16xf32> to vector<1x16xf32>
      tpu.vector_store %arg7[%swap3A_418, %swap3A_419], %swap3A_422 {strides = array<i32>} : memref<128x256xf32, #tpu.memory_space<vmem>>, vector<1x16xf32>,
    }
    %scan3A_135 = arith.constant 64 : i32
    %add3A_136 = arith.constant 192 : i32
    %add3A_137 = arith.addi %mul3A_2, %add3A_136 : i32
    %dma_start3A_138 = arith.constant 0 : i32
    %dma_start3A_139 = arith.constant 0 : i32
    %dma_start3A_140 = tpu.memref_slice %arg7[%dma_start3A_138, %dma_start3A_139] : memref<128x256xf32, #tpu.memory_space<vmem>> -> memref<64x256xf32, #tpu.memory_space<vmem>>
    %dma_start3A_141 = arith.constant 0 : i32
    %dma_start3A_142 = tpu.memref_slice %arg4[%add3A_137, %dma_start3A_141] : memref<8192x256xf32, #tpu.memory_space<hbm>> -> memref<64x256xf32, #tpu.memory_space<hbm>>
    %dma_start3A_143 = arith.constant 0 : i32
    %dma_start3A_144 = tpu.memref_slice %arg4[%add3A_137, %dma_start3A_143] : memref<8192x256xf32, #tpu.memory_space<hbm>> -> memref<64x256xf32, #tpu.memory_space<hbm>>
    %dma_start3A_145 = arith.constant 0 : i32
    %dma_start3A_146 = arith.constant 0 : i32
    %dma_start3A_147 = tpu.memref_slice %arg7[%dma_start3A_145, %dma_start3A_146] : memref<128x256xf32, #tpu.memory_space<vmem>> -> memref<64x256xf32, #tpu.memory_space<vmem>>
    tpu.enqueue_dma source(%dma_start3A_147 : memref<64x256xf32, #tpu.memory_space<vmem>>) target(%dma_start3A_144 : memref<64x256xf32, #tpu.memory_space<hbm>>) target_semaphore(%arg10 : memref<!tpu.dma_semaphore, #tpu.memory_space<semaphore_mem>>)
    %dma_wait3A_148 = arith.constant 0 : i32
    %dma_wait3A_149 = arith.constant 0 : i32
    %dma_wait3A_150 = tpu.memref_slice %arg6[%dma_wait3A_148, %dma_wait3A_149] : memref<128x256xf32, #tpu.memory_space<vmem>> -> memref<64x256xf32, #tpu.memory_space<vmem>>
    %dma_wait3A_151 = arith.constant 0 : i32
    %dma_wait3A_152 = tpu.memref_slice %arg4[%add3A_112, %dma_wait3A_151] : memref<8192x256xf32, #tpu.memory_space<hbm>> -> memref<64x256xf32, #tpu.memory_space<hbm>>
    %dma_wait3A_153 = arith.constant 0 : i32
    %dma_wait3A_154 = tpu.memref_slice %arg4[%add3A_112, %dma_wait3A_153] : memref<8192x256xf32, #tpu.memory_space<hbm>> -> memref<64x256xf32, #tpu.memory_space<hbm>>
    %dma_wait3A_155 = arith.constant 0 : i32
    %dma_wait3A_156 = arith.constant 0 : i32
    %dma_wait3A_157 = tpu.memref_slice %arg6[%dma_wait3A_155, %dma_wait3A_156] : memref<128x256xf32, #tpu.memory_space<vmem>> -> memref<64x256xf32, #tpu.memory_space<vmem>>
    tpu.wait_dma2 semaphore(%arg10 : memref<!tpu.dma_semaphore, #tpu.memory_space<semaphore_mem>>) src(%dma_wait3A_157 : memref<64x256xf32, #tpu.memory_space<vmem>>) dst(%dma_wait3A_154 : memref<64x256xf32, #tpu.memory_space<hbm>>)
    %dma_wait3A_158 = arith.constant 0 : i32
    %dma_wait3A_159 = arith.constant 0 : i32
    %dma_wait3A_160 = tpu.memref_slice %arg7[%dma_wait3A_158, %dma_wait3A_159] : memref<128x256xf32, #tpu.memory_space<vmem>> -> memref<64x256xf32, #tpu.memory_space<vmem>>
    %dma_wait3A_161 = arith.constant 0 : i32
    %dma_wait3A_162 = tpu.memref_slice %arg4[%add3A_137, %dma_wait3A_161] : memref<8192x256xf32, #tpu.memory_space<hbm>> -> memref<64x256xf32, #tpu.memory_space<hbm>>
    %dma_wait3A_163 = arith.constant 0 : i32
    %dma_wait3A_164 = tpu.memref_slice %arg4[%add3A_137, %dma_wait3A_163] : memref<8192x256xf32, #tpu.memory_space<hbm>> -> memref<64x256xf32, #tpu.memory_space<hbm>>
    %dma_wait3A_165 = arith.constant 0 : i32
    %dma_wait3A_166 = arith.constant 0 : i32
    %dma_wait3A_167 = tpu.memref_slice %arg7[%dma_wait3A_165, %dma_wait3A_166] : memref<128x256xf32, #tpu.memory_space<vmem>> -> memref<64x256xf32, #tpu.memory_space<vmem>>
    tpu.wait_dma2 semaphore(%arg10 : memref<!tpu.dma_semaphore, #tpu.memory_space<semaphore_mem>>) src(%dma_wait3A_167 : memref<64x256xf32, #tpu.memory_space<vmem>>) dst(%dma_wait3A_164 : memref<64x256xf32, #tpu.memory_space<hbm>>)
    return
  }
}

module attributes {stable_mosaic.version = 14 : i64} {
  func.func @_argmin_body(%arg0: i32, %arg1: memref<512x256xf32, #tpu.memory_space<vmem>>, %arg2: memref<2x1024x128xf32, #tpu.memory_space<vmem>>, %arg3: memref<1x1x512xi32, #tpu.memory_space<vmem>>, %arg4: memref<1x1x512xi32, #tpu.memory_space<vmem>>, %arg5: memref<1x1xf32, #tpu.memory_space<vmem>>) attributes {dimension_semantics = [#tpu.dimension_semantics<arbitrary>], iteration_bounds = array<i64: 16>, scalar_prefetch = 0 : i64, scratch_operands = 0 : i64, tpu.core_type = #tpu.core_type<tc>, window_params = [{transform_indices = @transform_0, window_bounds = array<i64: 512, 256>}, {pipeline_mode = #tpu.pipeline_mode<synchronous>, transform_indices = @transform_1, window_bounds = array<i64: 2, 1024, 128>}, {transform_indices = @transform_2, window_bounds = array<i64: 1, 1, 512>}, {transform_indices = @transform_3, window_bounds = array<i64: 1, 1, 512>}, {pipeline_mode = #tpu.pipeline_mode<synchronous>, transform_indices = @transform_4, window_bounds = array<i64: 1, 1>}]} {
    %get3A = arith.constant 0 : index
    %get3A_0 = arith.constant 0 : index
    %get3A_1 = vector.load %arg1[%get3A, %get3A_0] : memref<512x256xf32, #tpu.memory_space<vmem>>, vector<512x256xf32>
    %get3A_2 = arith.constant 0 : index
    %get3A_3 = arith.constant 0 : index
    %get3A_4 = arith.constant 0 : index
    %get3A_5 = vector.load %arg2[%get3A_2, %get3A_3, %get3A_4] : memref<2x1024x128xf32, #tpu.memory_space<vmem>>, vector<1x1024x128xf32>
    %get3A_6 = vector.shape_cast %get3A_5 : vector<1x1024x128xf32> to vector<1024x128xf32>
    %slice3A = vector.extract_strided_slice %get3A_1 {offsets = [0, 0], sizes = [512, 128], strides = [1, 1]} : vector<512x256xf32> to vector<512x128xf32>
    %dot_general3A = arith.constant dense<0.000000e+00> : vector<1024x512xf32>
    %dot_general3A_7 = tpu.matmul %get3A_6, %slice3A, %dot_general3A {dimension_numbers = #tpu.dot_dimension_numbers<[1], [1], [0], [0], [0, 0, 1, 0], [], []>, transpose_lhs_hint = false} : vector<1024x128xf32>, vector<512x128xf32>, vector<1024x512xf32> -> vector<1024x512xf32>
    %mul3A = arith.mulf %get3A_6, %get3A_6 : vector<1024x128xf32>
    %reduce_sum3A = arith.constant dense<0.000000e+00> : vector<1024xf32>
    %reduce_sum3A_8 = vector.multi_reduction <add>, %mul3A, %reduce_sum3A [1] : vector<1024x128xf32> to vector<1024xf32>
    %broadcast_in_dim3A = vector.shape_cast %reduce_sum3A_8 : vector<1024xf32> to vector<1024x1xf32>
    %mul3A_9 = arith.constant 2.000000e+00 : f32
    %mul3A_10 = vector.broadcast %mul3A_9 : f32 to vector<1024x512xf32>
    %mul3A_11 = arith.mulf %mul3A_10, %dot_general3A_7 : vector<1024x512xf32>
    %sub3A = vector.broadcast %broadcast_in_dim3A : vector<1024x1xf32> to vector<1024x512xf32>
    %sub3A_12 = arith.subf %sub3A, %mul3A_11 : vector<1024x512xf32>
    %iota3A = tpu.iota {dimensions = array<i32: 0>} : vector<128x512xi32>
    %slice3A_13 = vector.extract_strided_slice %sub3A_12 {offsets = [0, 0], sizes = [128, 512], strides = [1, 1]} : vector<1024x512xf32> to vector<128x512xf32>
    %slice3A_14 = vector.extract_strided_slice %sub3A_12 {offsets = [128, 0], sizes = [128, 512], strides = [1, 1]} : vector<1024x512xf32> to vector<128x512xf32>
    %lt3A = arith.cmpf olt, %slice3A_14, %slice3A_13 : vector<128x512xf32>
    %min3A = arith.minimumf %slice3A_13, %slice3A_14 : vector<128x512xf32>
    %add3A = arith.constant 128 : i32
    %add3A_15 = vector.broadcast %add3A : i32 to vector<128x512xi32>
    %add3A_16 = arith.addi %iota3A, %add3A_15 : vector<128x512xi32>
    %select_n3A = arith.select %lt3A, %add3A_16, %iota3A : vector<128x512xi1>, vector<128x512xi32>
    %slice3A_17 = vector.extract_strided_slice %sub3A_12 {offsets = [256, 0], sizes = [128, 512], strides = [1, 1]} : vector<1024x512xf32> to vector<128x512xf32>
    %lt3A_18 = arith.cmpf olt, %slice3A_17, %min3A : vector<128x512xf32>
    %min3A_19 = arith.minimumf %min3A, %slice3A_17 : vector<128x512xf32>
    %add3A_20 = arith.constant 256 : i32
    %add3A_21 = vector.broadcast %add3A_20 : i32 to vector<128x512xi32>
    %add3A_22 = arith.addi %iota3A, %add3A_21 : vector<128x512xi32>
    %select_n3A_23 = arith.select %lt3A_18, %add3A_22, %select_n3A : vector<128x512xi1>, vector<128x512xi32>
    %slice3A_24 = vector.extract_strided_slice %sub3A_12 {offsets = [384, 0], sizes = [128, 512], strides = [1, 1]} : vector<1024x512xf32> to vector<128x512xf32>
    %lt3A_25 = arith.cmpf olt, %slice3A_24, %min3A_19 : vector<128x512xf32>
    %min3A_26 = arith.minimumf %min3A_19, %slice3A_24 : vector<128x512xf32>
    %add3A_27 = arith.constant 384 : i32
    %add3A_28 = vector.broadcast %add3A_27 : i32 to vector<128x512xi32>
    %add3A_29 = arith.addi %iota3A, %add3A_28 : vector<128x512xi32>
    %select_n3A_30 = arith.select %lt3A_25, %add3A_29, %select_n3A_23 : vector<128x512xi1>, vector<128x512xi32>
    %slice3A_31 = vector.extract_strided_slice %sub3A_12 {offsets = [512, 0], sizes = [128, 512], strides = [1, 1]} : vector<1024x512xf32> to vector<128x512xf32>
    %lt3A_32 = arith.cmpf olt, %slice3A_31, %min3A_26 : vector<128x512xf32>
    %min3A_33 = arith.minimumf %min3A_26, %slice3A_31 : vector<128x512xf32>
    %add3A_34 = arith.constant 512 : i32
    %add3A_35 = vector.broadcast %add3A_34 : i32 to vector<128x512xi32>
    %add3A_36 = arith.addi %iota3A, %add3A_35 : vector<128x512xi32>
    %select_n3A_37 = arith.select %lt3A_32, %add3A_36, %select_n3A_30 : vector<128x512xi1>, vector<128x512xi32>
    %slice3A_38 = vector.extract_strided_slice %sub3A_12 {offsets = [640, 0], sizes = [128, 512], strides = [1, 1]} : vector<1024x512xf32> to vector<128x512xf32>
    %lt3A_39 = arith.cmpf olt, %slice3A_38, %min3A_33 : vector<128x512xf32>
    %min3A_40 = arith.minimumf %min3A_33, %slice3A_38 : vector<128x512xf32>
    %add3A_41 = arith.constant 640 : i32
    %add3A_42 = vector.broadcast %add3A_41 : i32 to vector<128x512xi32>
    %add3A_43 = arith.addi %iota3A, %add3A_42 : vector<128x512xi32>
    %select_n3A_44 = arith.select %lt3A_39, %add3A_43, %select_n3A_37 : vector<128x512xi1>, vector<128x512xi32>
    %slice3A_45 = vector.extract_strided_slice %sub3A_12 {offsets = [768, 0], sizes = [128, 512], strides = [1, 1]} : vector<1024x512xf32> to vector<128x512xf32>
    %lt3A_46 = arith.cmpf olt, %slice3A_45, %min3A_40 : vector<128x512xf32>
    %min3A_47 = arith.minimumf %min3A_40, %slice3A_45 : vector<128x512xf32>
    %add3A_48 = arith.constant 768 : i32
    %add3A_49 = vector.broadcast %add3A_48 : i32 to vector<128x512xi32>
    %add3A_50 = arith.addi %iota3A, %add3A_49 : vector<128x512xi32>
    %select_n3A_51 = arith.select %lt3A_46, %add3A_50, %select_n3A_44 : vector<128x512xi1>, vector<128x512xi32>
    %slice3A_52 = vector.extract_strided_slice %sub3A_12 {offsets = [896, 0], sizes = [128, 512], strides = [1, 1]} : vector<1024x512xf32> to vector<128x512xf32>
    %lt3A_53 = arith.cmpf olt, %slice3A_52, %min3A_47 : vector<128x512xf32>
    %min3A_54 = arith.minimumf %min3A_47, %slice3A_52 : vector<128x512xf32>
    %add3A_55 = arith.constant 896 : i32
    %add3A_56 = vector.broadcast %add3A_55 : i32 to vector<128x512xi32>
    %add3A_57 = arith.addi %iota3A, %add3A_56 : vector<128x512xi32>
    %select_n3A_58 = arith.select %lt3A_53, %add3A_57, %select_n3A_51 : vector<128x512xi1>, vector<128x512xi32>
    %reduce_min3A = arith.constant dense<0x7F800000> : vector<512xf32>
    %reduce_min3A_59 = vector.multi_reduction <minimumf>, %min3A_54, %reduce_min3A [0] : vector<128x512xf32> to vector<512xf32>
    %broadcast_in_dim3A_60 = vector.shape_cast %reduce_min3A_59 : vector<512xf32> to vector<1x512xf32>
    %eq3A = vector.broadcast %broadcast_in_dim3A_60 : vector<1x512xf32> to vector<128x512xf32>
    %eq3A_61 = arith.cmpf oeq, %min3A_54, %eq3A : vector<128x512xf32>
    %jit3A = arith.constant 1024 : i32
    %broadcast_in_dim3A_62 = vector.broadcast %jit3A : i32 to vector<128x512xi32>
    %select_n3A_63 = arith.select %eq3A_61, %select_n3A_58, %broadcast_in_dim3A_62 : vector<128x512xi1>, vector<128x512xi32>
    %reduce_min3A_64 = arith.constant dense<2147483647> : vector<512xi32>
    %reduce_min3A_65 = vector.multi_reduction <minsi>, %select_n3A_63, %reduce_min3A_64 [0] : vector<128x512xi32> to vector<512xi32>
    %swap3A = arith.constant 0 : index
    %swap3A_66 = arith.constant 0 : index
    %swap3A_67 = arith.constant 0 : index
    %swap3A_68 = vector.load %arg3[%swap3A, %swap3A_66, %swap3A_67] : memref<1x1x512xi32, #tpu.memory_space<vmem>>, vector<1x1x512xi32>
    %swap3A_69 = vector.shape_cast %swap3A_68 : vector<1x1x512xi32> to vector<512xi32>
    %swap3A_70 = vector.shape_cast %reduce_min3A_65 : vector<512xi32> to vector<1x1x512xi32>
    tpu.vector_store %arg3[%swap3A, %swap3A_66, %swap3A_67], %swap3A_70 {strides = array<i32>} : memref<1x1x512xi32, #tpu.memory_space<vmem>>, vector<1x1x512xi32>,
    %mul3A_71 = arith.mulf %slice3A, %slice3A : vector<512x128xf32>
    %reduce_sum3A_72 = vector.shape_cast %mul3A_71 : vector<512x128xf32> to vector<1x512x128xf32>
    %reduce_sum3A_73 = arith.constant dense<0.000000e+00> : vector<1xf32>
    %reduce_sum3A_74 = vector.multi_reduction <add>, %reduce_sum3A_72, %reduce_sum3A_73 [1, 2] : vector<1x512x128xf32> to vector<1xf32>
    %reduce_sum3A_75 = vector.shape_cast %reduce_sum3A_74 : vector<1xf32> to vector<1x1x1xf32>
    %reduce_sum3A_76 = vector.extract %reduce_sum3A_75[0, 0, 0] : f32 from vector<1x1x1xf32>
    %reduce_sum3A_77 = vector.shape_cast %broadcast_in_dim3A_60 : vector<1x512xf32> to vector<1x1x512xf32>
    %reduce_sum3A_78 = arith.constant dense<0.000000e+00> : vector<1xf32>
    %reduce_sum3A_79 = vector.multi_reduction <add>, %reduce_sum3A_77, %reduce_sum3A_78 [1, 2] : vector<1x1x512xf32> to vector<1xf32>
    %reduce_sum3A_80 = vector.shape_cast %reduce_sum3A_79 : vector<1xf32> to vector<1x1x1xf32>
    %reduce_sum3A_81 = vector.extract %reduce_sum3A_80[0, 0, 0] : f32 from vector<1x1x1xf32>
    %add3A_82 = arith.addf %reduce_sum3A_76, %reduce_sum3A_81 : f32
    %add3A_83 = arith.constant 0.000000e+00 : f32
    %add3A_84 = arith.addf %add3A_83, %add3A_82 : f32
    %get3A_85 = arith.constant 1 : index
    %get3A_86 = arith.constant 0 : index
    %get3A_87 = arith.constant 0 : index
    %get3A_88 = vector.load %arg2[%get3A_85, %get3A_86, %get3A_87] : memref<2x1024x128xf32, #tpu.memory_space<vmem>>, vector<1x1024x128xf32>
    %get3A_89 = vector.shape_cast %get3A_88 : vector<1x1024x128xf32> to vector<1024x128xf32>
    %slice3A_90 = vector.extract_strided_slice %get3A_1 {offsets = [0, 128], sizes = [512, 128], strides = [1, 1]} : vector<512x256xf32> to vector<512x128xf32>
    %dot_general3A_91 = arith.constant dense<0.000000e+00> : vector<1024x512xf32>
    %dot_general3A_92 = tpu.matmul %get3A_89, %slice3A_90, %dot_general3A_91 {dimension_numbers = #tpu.dot_dimension_numbers<[1], [1], [0], [0], [0, 0, 1, 0], [], []>, transpose_lhs_hint = false} : vector<1024x128xf32>, vector<512x128xf32>, vector<1024x512xf32> -> vector<1024x512xf32>
    %mul3A_93 = arith.mulf %get3A_89, %get3A_89 : vector<1024x128xf32>
    %reduce_sum3A_94 = arith.constant dense<0.000000e+00> : vector<1024xf32>
    %reduce_sum3A_95 = vector.multi_reduction <add>, %mul3A_93, %reduce_sum3A_94 [1] : vector<1024x128xf32> to vector<1024xf32>
    %broadcast_in_dim3A_96 = vector.shape_cast %reduce_sum3A_95 : vector<1024xf32> to vector<1024x1xf32>
    %mul3A_97 = arith.constant 2.000000e+00 : f32
    %mul3A_98 = vector.broadcast %mul3A_97 : f32 to vector<1024x512xf32>
    %mul3A_99 = arith.mulf %mul3A_98, %dot_general3A_92 : vector<1024x512xf32>
    %sub3A_100 = vector.broadcast %broadcast_in_dim3A_96 : vector<1024x1xf32> to vector<1024x512xf32>
    %sub3A_101 = arith.subf %sub3A_100, %mul3A_99 : vector<1024x512xf32>
    %iota3A_102 = tpu.iota {dimensions = array<i32: 0>} : vector<128x512xi32>
    %slice3A_103 = vector.extract_strided_slice %sub3A_101 {offsets = [0, 0], sizes = [128, 512], strides = [1, 1]} : vector<1024x512xf32> to vector<128x512xf32>
    %slice3A_104 = vector.extract_strided_slice %sub3A_101 {offsets = [128, 0], sizes = [128, 512], strides = [1, 1]} : vector<1024x512xf32> to vector<128x512xf32>
    %lt3A_105 = arith.cmpf olt, %slice3A_104, %slice3A_103 : vector<128x512xf32>
    %min3A_106 = arith.minimumf %slice3A_103, %slice3A_104 : vector<128x512xf32>
    %add3A_107 = arith.constant 128 : i32
    %add3A_108 = vector.broadcast %add3A_107 : i32 to vector<128x512xi32>
    %add3A_109 = arith.addi %iota3A_102, %add3A_108 : vector<128x512xi32>
    %select_n3A_110 = arith.select %lt3A_105, %add3A_109, %iota3A_102 : vector<128x512xi1>, vector<128x512xi32>
    %slice3A_111 = vector.extract_strided_slice %sub3A_101 {offsets = [256, 0], sizes = [128, 512], strides = [1, 1]} : vector<1024x512xf32> to vector<128x512xf32>
    %lt3A_112 = arith.cmpf olt, %slice3A_111, %min3A_106 : vector<128x512xf32>
    %min3A_113 = arith.minimumf %min3A_106, %slice3A_111 : vector<128x512xf32>
    %add3A_114 = arith.constant 256 : i32
    %add3A_115 = vector.broadcast %add3A_114 : i32 to vector<128x512xi32>
    %add3A_116 = arith.addi %iota3A_102, %add3A_115 : vector<128x512xi32>
    %select_n3A_117 = arith.select %lt3A_112, %add3A_116, %select_n3A_110 : vector<128x512xi1>, vector<128x512xi32>
    %slice3A_118 = vector.extract_strided_slice %sub3A_101 {offsets = [384, 0], sizes = [128, 512], strides = [1, 1]} : vector<1024x512xf32> to vector<128x512xf32>
    %lt3A_119 = arith.cmpf olt, %slice3A_118, %min3A_113 : vector<128x512xf32>
    %min3A_120 = arith.minimumf %min3A_113, %slice3A_118 : vector<128x512xf32>
    %add3A_121 = arith.constant 384 : i32
    %add3A_122 = vector.broadcast %add3A_121 : i32 to vector<128x512xi32>
    %add3A_123 = arith.addi %iota3A_102, %add3A_122 : vector<128x512xi32>
    %select_n3A_124 = arith.select %lt3A_119, %add3A_123, %select_n3A_117 : vector<128x512xi1>, vector<128x512xi32>
    %slice3A_125 = vector.extract_strided_slice %sub3A_101 {offsets = [512, 0], sizes = [128, 512], strides = [1, 1]} : vector<1024x512xf32> to vector<128x512xf32>
    %lt3A_126 = arith.cmpf olt, %slice3A_125, %min3A_120 : vector<128x512xf32>
    %min3A_127 = arith.minimumf %min3A_120, %slice3A_125 : vector<128x512xf32>
    %add3A_128 = arith.constant 512 : i32
    %add3A_129 = vector.broadcast %add3A_128 : i32 to vector<128x512xi32>
    %add3A_130 = arith.addi %iota3A_102, %add3A_129 : vector<128x512xi32>
    %select_n3A_131 = arith.select %lt3A_126, %add3A_130, %select_n3A_124 : vector<128x512xi1>, vector<128x512xi32>
    %slice3A_132 = vector.extract_strided_slice %sub3A_101 {offsets = [640, 0], sizes = [128, 512], strides = [1, 1]} : vector<1024x512xf32> to vector<128x512xf32>
    %lt3A_133 = arith.cmpf olt, %slice3A_132, %min3A_127 : vector<128x512xf32>
    %min3A_134 = arith.minimumf %min3A_127, %slice3A_132 : vector<128x512xf32>
    %add3A_135 = arith.constant 640 : i32
    %add3A_136 = vector.broadcast %add3A_135 : i32 to vector<128x512xi32>
    %add3A_137 = arith.addi %iota3A_102, %add3A_136 : vector<128x512xi32>
    %select_n3A_138 = arith.select %lt3A_133, %add3A_137, %select_n3A_131 : vector<128x512xi1>, vector<128x512xi32>
    %slice3A_139 = vector.extract_strided_slice %sub3A_101 {offsets = [768, 0], sizes = [128, 512], strides = [1, 1]} : vector<1024x512xf32> to vector<128x512xf32>
    %lt3A_140 = arith.cmpf olt, %slice3A_139, %min3A_134 : vector<128x512xf32>
    %min3A_141 = arith.minimumf %min3A_134, %slice3A_139 : vector<128x512xf32>
    %add3A_142 = arith.constant 768 : i32
    %add3A_143 = vector.broadcast %add3A_142 : i32 to vector<128x512xi32>
    %add3A_144 = arith.addi %iota3A_102, %add3A_143 : vector<128x512xi32>
    %select_n3A_145 = arith.select %lt3A_140, %add3A_144, %select_n3A_138 : vector<128x512xi1>, vector<128x512xi32>
    %slice3A_146 = vector.extract_strided_slice %sub3A_101 {offsets = [896, 0], sizes = [128, 512], strides = [1, 1]} : vector<1024x512xf32> to vector<128x512xf32>
    %lt3A_147 = arith.cmpf olt, %slice3A_146, %min3A_141 : vector<128x512xf32>
    %min3A_148 = arith.minimumf %min3A_141, %slice3A_146 : vector<128x512xf32>
    %add3A_149 = arith.constant 896 : i32
    %add3A_150 = vector.broadcast %add3A_149 : i32 to vector<128x512xi32>
    %add3A_151 = arith.addi %iota3A_102, %add3A_150 : vector<128x512xi32>
    %select_n3A_152 = arith.select %lt3A_147, %add3A_151, %select_n3A_145 : vector<128x512xi1>, vector<128x512xi32>
    %reduce_min3A_153 = arith.constant dense<0x7F800000> : vector<512xf32>
    %reduce_min3A_154 = vector.multi_reduction <minimumf>, %min3A_148, %reduce_min3A_153 [0] : vector<128x512xf32> to vector<512xf32>
    %broadcast_in_dim3A_155 = vector.shape_cast %reduce_min3A_154 : vector<512xf32> to vector<1x512xf32>
    %eq3A_156 = vector.broadcast %broadcast_in_dim3A_155 : vector<1x512xf32> to vector<128x512xf32>
    %eq3A_157 = arith.cmpf oeq, %min3A_148, %eq3A_156 : vector<128x512xf32>
    %jit3A_158 = arith.constant 1024 : i32
    %broadcast_in_dim3A_159 = vector.broadcast %jit3A_158 : i32 to vector<128x512xi32>
    %select_n3A_160 = arith.select %eq3A_157, %select_n3A_152, %broadcast_in_dim3A_159 : vector<128x512xi1>, vector<128x512xi32>
    %reduce_min3A_161 = arith.constant dense<2147483647> : vector<512xi32>
    %reduce_min3A_162 = vector.multi_reduction <minsi>, %select_n3A_160, %reduce_min3A_161 [0] : vector<128x512xi32> to vector<512xi32>
    %add3A_163 = arith.constant 1024 : i32
    %add3A_164 = vector.broadcast %add3A_163 : i32 to vector<512xi32>
    %add3A_165 = arith.addi %reduce_min3A_162, %add3A_164 : vector<512xi32>
    %swap3A_166 = arith.constant 0 : index
    %swap3A_167 = arith.constant 0 : index
    %swap3A_168 = arith.constant 0 : index
    %swap3A_169 = vector.load %arg4[%swap3A_166, %swap3A_167, %swap3A_168] : memref<1x1x512xi32, #tpu.memory_space<vmem>>, vector<1x1x512xi32>
    %swap3A_170 = vector.shape_cast %swap3A_169 : vector<1x1x512xi32> to vector<512xi32>
    %swap3A_171 = vector.shape_cast %add3A_165 : vector<512xi32> to vector<1x1x512xi32>
    tpu.vector_store %arg4[%swap3A_166, %swap3A_167, %swap3A_168], %swap3A_171 {strides = array<i32>} : memref<1x1x512xi32, #tpu.memory_space<vmem>>, vector<1x1x512xi32>,
    %mul3A_172 = arith.mulf %slice3A_90, %slice3A_90 : vector<512x128xf32>
    %reduce_sum3A_173 = vector.shape_cast %mul3A_172 : vector<512x128xf32> to vector<1x512x128xf32>
    %reduce_sum3A_174 = arith.constant dense<0.000000e+00> : vector<1xf32>
    %reduce_sum3A_175 = vector.multi_reduction <add>, %reduce_sum3A_173, %reduce_sum3A_174 [1, 2] : vector<1x512x128xf32> to vector<1xf32>
    %reduce_sum3A_176 = vector.shape_cast %reduce_sum3A_175 : vector<1xf32> to vector<1x1x1xf32>
    %reduce_sum3A_177 = vector.extract %reduce_sum3A_176[0, 0, 0] : f32 from vector<1x1x1xf32>
    %reduce_sum3A_178 = vector.shape_cast %broadcast_in_dim3A_155 : vector<1x512xf32> to vector<1x1x512xf32>
    %reduce_sum3A_179 = arith.constant dense<0.000000e+00> : vector<1xf32>
    %reduce_sum3A_180 = vector.multi_reduction <add>, %reduce_sum3A_178, %reduce_sum3A_179 [1, 2] : vector<1x1x512xf32> to vector<1xf32>
    %reduce_sum3A_181 = vector.shape_cast %reduce_sum3A_180 : vector<1xf32> to vector<1x1x1xf32>
    %reduce_sum3A_182 = vector.extract %reduce_sum3A_181[0, 0, 0] : f32 from vector<1x1x1xf32>
    %add3A_183 = arith.addf %reduce_sum3A_177, %reduce_sum3A_182 : f32
    %add3A_184 = arith.addf %add3A_84, %add3A_183 : f32
    %eq3A_185 = arith.constant 0 : i32
    %eq3A_186 = arith.cmpi eq, %arg0, %eq3A_185 : i32
    %broadcast_in_dim3A_187 = arith.constant 0.000000e+00 : f32
    %broadcast_in_dim3A_188 = vector.broadcast %broadcast_in_dim3A_187 : f32 to vector<1x1xf32>
    %get3A_189 = arith.constant 0 : index
    %get3A_190 = arith.constant 0 : index
    %get3A_191 = vector.load %arg5[%get3A_189, %get3A_190] : memref<1x1xf32, #tpu.memory_space<vmem>>, vector<1x1xf32>
    %select_n3A_192 = arith.select %eq3A_186, %broadcast_in_dim3A_188, %get3A_191 : vector<1x1xf32>
    %add3A_193 = vector.broadcast %add3A_184 : f32 to vector<1x1xf32>
    %add3A_194 = arith.addf %select_n3A_192, %add3A_193 : vector<1x1xf32>
    %swap3A_195 = arith.constant 0 : index
    %swap3A_196 = arith.constant 0 : index
    %swap3A_197 = vector.load %arg5[%swap3A_195, %swap3A_196] : memref<1x1xf32, #tpu.memory_space<vmem>>, vector<1x1xf32>
    tpu.vector_store %arg5[%swap3A_195, %swap3A_196], %add3A_194 {strides = array<i32>} : memref<1x1xf32, #tpu.memory_space<vmem>>, vector<1x1xf32>,
    return
  }
  func.func @transform_0(%arg0: i32) -> (i32, i32) {
    %c0_i32 = arith.constant 0 : i32
    %c0_i32_0 = arith.constant 0 : i32
    return %arg0, %c0_i32 : i32, i32
  }
  func.func @transform_1(%arg0: i32) -> (i32, i32, i32) {
    %c0_i32 = arith.constant 0 : i32
    %c0_i32_0 = arith.constant 0 : i32
    %c0_i32_1 = arith.constant 0 : i32
    %c0_i32_2 = arith.constant 0 : i32
    return %c0_i32, %c0_i32_0, %c0_i32_1 : i32, i32, i32
  }
  func.func @transform_2(%arg0: i32) -> (i32, i32, i32) {
    %c0_i32 = arith.constant 0 : i32
    %c0_i32_0 = arith.constant 0 : i32
    %c0_i32_1 = arith.constant 0 : i32
    return %arg0, %c0_i32, %c0_i32_0 : i32, i32, i32
  }
  func.func @transform_3(%arg0: i32) -> (i32, i32, i32) {
    %c0_i32 = arith.constant 0 : i32
    %c0_i32_0 = arith.constant 0 : i32
    %c0_i32_1 = arith.constant 0 : i32
    return %arg0, %c0_i32, %c0_i32_0 : i32, i32, i32
  }
  func.func @transform_4(%arg0: i32) -> (i32, i32) {
    %c0_i32 = arith.constant 0 : i32
    %c0_i32_0 = arith.constant 0 : i32
    %c0_i32_1 = arith.constant 0 : i32
    return %c0_i32, %c0_i32_0 : i32, i32
  }
}

module attributes {stable_mosaic.version = 14 : i64} {
  func.func @_tables_body(%arg0: i32, %arg1: memref<1x1024x128xf32, #tpu.memory_space<vmem>>, %arg2: memref<128x256xf32, #tpu.memory_space<vmem>>, %arg3: memref<1x1024x256xf32, #tpu.memory_space<vmem>>) attributes {dimension_semantics = [#tpu.dimension_semantics<arbitrary>], iteration_bounds = array<i64: 2>, scalar_prefetch = 0 : i64, scratch_operands = 0 : i64, tpu.core_type = #tpu.core_type<tc>, window_params = [{transform_indices = @transform_0, window_bounds = array<i64: 1, 1024, 128>}, {transform_indices = @transform_1, window_bounds = array<i64: 128, 256>}, {transform_indices = @transform_2, window_bounds = array<i64: 1, 1024, 256>}]} {
    %get3A = arith.constant 0 : index
    %get3A_0 = arith.constant 0 : index
    %get3A_1 = arith.constant 0 : index
    %get3A_2 = vector.load %arg1[%get3A, %get3A_0, %get3A_1] : memref<1x1024x128xf32, #tpu.memory_space<vmem>>, vector<1x1024x128xf32>
    %get3A_3 = vector.shape_cast %get3A_2 : vector<1x1024x128xf32> to vector<1024x128xf32>
    %get3A_4 = arith.constant 0 : index
    %get3A_5 = arith.constant 0 : index
    %get3A_6 = vector.load %arg2[%get3A_4, %get3A_5] : memref<128x256xf32, #tpu.memory_space<vmem>>, vector<128x256xf32>
    %dot_general3A = arith.constant dense<0.000000e+00> : vector<1024x256xf32>
    %dot_general3A_7 = tpu.matmul %get3A_3, %get3A_6, %dot_general3A {dimension_numbers = #tpu.dot_dimension_numbers<[1], [0], [0], [1], [0, 0, 1, 1], [], []>, transpose_lhs_hint = false} : vector<1024x128xf32>, vector<128x256xf32>, vector<1024x256xf32> -> vector<1024x256xf32>
    %swap3A = arith.constant 0 : index
    %swap3A_8 = arith.constant 0 : index
    %swap3A_9 = arith.constant 0 : index
    %swap3A_10 = vector.load %arg3[%swap3A, %swap3A_8, %swap3A_9] : memref<1x1024x256xf32, #tpu.memory_space<vmem>>, vector<1x1024x256xf32>
    %swap3A_11 = vector.shape_cast %swap3A_10 : vector<1x1024x256xf32> to vector<1024x256xf32>
    %swap3A_12 = vector.shape_cast %dot_general3A_7 : vector<1024x256xf32> to vector<1x1024x256xf32>
    tpu.vector_store %arg3[%swap3A, %swap3A_8, %swap3A_9], %swap3A_12 {strides = array<i32>} : memref<1x1024x256xf32, #tpu.memory_space<vmem>>, vector<1x1024x256xf32>,
    return
  }
  func.func @transform_0(%arg0: i32) -> (i32, i32, i32) {
    %c0_i32 = arith.constant 0 : i32
    %c0_i32_0 = arith.constant 0 : i32
    %c0_i32_1 = arith.constant 0 : i32
    return %arg0, %c0_i32, %c0_i32_0 : i32, i32, i32
  }
  func.func @transform_1(%arg0: i32) -> (i32, i32) {
    %c0_i32 = arith.constant 0 : i32
    %c0_i32_0 = arith.constant 0 : i32
    return %arg0, %c0_i32 : i32, i32
  }
  func.func @transform_2(%arg0: i32) -> (i32, i32, i32) {
    %c0_i32 = arith.constant 0 : i32
    %c0_i32_0 = arith.constant 0 : i32
    %c0_i32_1 = arith.constant 0 : i32
    return %arg0, %c0_i32, %c0_i32_0 : i32, i32, i32
  }
}

</mosaic_0001>

<sc_bundles>
// kernel: kernel.5.cloned.1.call-start
scs
__scs_entry_jumppad:
0x0: {  	(pc) =	sbr.rel $0x88, $3  }
0x1: {  	(tag) =	ssettag $0x0;
	lr =	simm.s32 $0x1  }
0x2: {  	[smem:$0x3F9E] =	sst lr;
	_ =	strace $0xD0000000  }
0x3: {  	_ = 	snop  }
0x4: {  	_ = 	snop  }
0x5: {  	_ = 	snop  }
0x6: {  	_ = 	snop  }
0x7: {  	_ = 	snop  }
__scs_overlays_trampoline_lowered:
0x8: {  	[smem:$0x3FAD] =	sst s0  }
0x9: {  	[smem:$0x3FAE] =	sst s1  }
0xa: {  	[smem:$0x3FAF] =	sst s2  }
0xb: {  	[smem:$0x3FB0] =	sst s3  }
0xc: {  	[smem:$0x3FB1] =	sst s4  }
0xd: {  	[smem:$0x3FB2] =	sst s5  }
0xe: {  	[smem:$0x3FB3] =	sst s6  }
0xf: {  	[smem:$0x3FB4] =	sst s7  }
0x10: {  	[smem:$0x3FB5] =	sst s8  }
0x11: {  	[smem:$0x3FB6] =	sst s9;
	s0 =	simm.s32 @!p0 $0x0  }
0x12: {  	s1 =	sld [smem:$0x3F9C];
	s0 =	simm.s32 @p0 $0x1  }
0x13: {  	[smem:$0x3FB7] =	sst s0;
	s0 =	simm.s32 @!p1 $0x0  }
0x14: {  	s2 =	sld [smem:$0x3F9B];
	s0 =	simm.s32 @p1 $0x1  }
0x15: {  	[smem:$0x3FB8] =	sst s0;
	s0 =	simm.s32 @!p2 $0x0  }
0x16: {  	s3 =	sld [smem:$0x3FDB];
	s0 =	simm.s32 @p2 $0x1  }
0x17: {  	s4 =	simm.s32 $0x1BF5;
	[smem:$0x3FBA] =	sst s0  }
0x18: {  	s0 =	sld [smem:$0x3F9D];
	_ =	swait.ge [sflag:s4], $0x0  }
0x19: {  	s7 =	sld [smem:$0x3F9E]  }
0x1a: {  	s8 =	sadd.s32 $0xFFFFE003, lr  }
0x1b: {  	s9 =	sadd.s32 $0xFFFFFEF7, lr;
	s5 =	simm.s32 $0xFFFFFFFF;
	p2 =	slt.u32 s8, $0xFFFFF086  }
0x1c: {  	p1 =	slt.u32 s9, $0xF7A;
	s5 =	simm.s32 @!p2 $0x0  }
0x1d: {  	s5 =	simm.s32 @p1 $0x1;
	p0 =	seq.s32 s7, s2  }
0x1e: {  	s7 =	smul.u32 @!p0 $0xF7A, s2;
	p2 =	seq.s32 @!p0 s5, $0x0  }
0x1f: {  	s9 =	smul.u32 $0xF7A, s1;
	s8 =	simm.s32 @!p0 $0x1BF5;
	p2 =	por !p2, p0  }
0x20: {  	[sflag:s8] =	ssyncset.s32 @!p0 $0xFFFFF086;
	s6 =	sadd.s32 @!p0 s3, s7;
	s7 =	simm.s32 @!p0 $0x108  }
0x21: {  	s3 =	sadd.s32 s3, s9;
	s6 =	sadd.s32 @!p0 $0x88, s6;
	s7 =	simm.s32 @p2 $0x1082  }
0x22: {  	[simem:s7], [sflag:s8] =	dma.local @!p0 [hbm:s6], $0xF7A  }
0x23: {  	s9 =	sor.u32 $0xD0000000, s2;
	s6 =	simm.s32 $0x108;
	_ =	swait.ge @!p0 [sflag:s8], $0x0  }
0x24: {  	s3 =	sadd.s32 $0x88, s3;
	s6 =	simm.s32 @!p1 $0x1082;
	[sflag:s4] =	ssyncset.s32 $0xFFFFF086  }
0x25: {  	[simem:s6], [sflag:s4] =	dma.local [hbm:s3], $0xF7A  }
0x26: {  	[smem:$0x3F9E] =	sst s1;
	(tag) =	ssettag s2;
	_ =	strace s9  }
0x27: {  	s1 =	sld [smem:$0x3FAE]  }
0x28: {  	s2 =	sld [smem:$0x3FAF]  }
0x29: {  	s4 =	sld [smem:$0x3FB1]  }
0x2a: {  	p0 =	seq.s32 s5, $0x0;
	s5 =	sld [smem:$0x3FB2]  }
0x2b: {  	s6 =	sld [smem:$0x3FB3]  }
0x2c: {  	s7 =	sld [smem:$0x3FB4]  }
0x2d: {  	s3 =	simm.s32 $0x108;
	s8 =	sld [smem:$0x3FB5]  }
0x2e: {  	s3 =	simm.s32 @!p0 $0x1082;
	s9 =	sld [smem:$0x3FB6]  }
0x2f: {  	lr =	sadd.s32 s0, s3;
	s0 =	sld [smem:$0x3FAD]  }
0x30: {  	s3 =	sld [smem:$0x3FB0]  }
0x31: {  	[smem:$0x3FB9] =	sst s10  }
0x32: {  	s10 =	sld [smem:$0x3FB7];
	_ =	sdelay $0x3  }
0x33: {  	p0 =	seq.s32 s10, $0x1;
	s10 =	sld [smem:$0x3FB9];
	_ =	sdelay $0x3  }
0x34: {  	[smem:$0x3FB9] =	sst s10  }
0x35: {  	s10 =	sld [smem:$0x3FB8];
	_ =	sdelay $0x3  }
0x36: {  	p1 =	seq.s32 s10, $0x1;
	s10 =	sld [smem:$0x3FB9];
	_ =	sdelay $0x3  }
0x37: {  	[smem:$0x3FB9] =	sst s10  }
0x38: {  	s10 =	sld [smem:$0x3FBA]  }
0x39: {  	_ = 	snop;
	(pc) =	sbr.ind lr, $3  }
0x3a: {  	_ = 	snop  }
0x3b: {  	_ = 	snop  }
0x3c: {  	p2 =	seq.s32 s10, $0x1;
	s10 =	sld [smem:$0x3FB9]  }
0x3d: {  	_ =	shalt  }
0x3e: {  	_ =	shalt  }
0x3f: {  	_ =	shalt  }
0x40: {  	_ =	shalt  }
0x41: {  	_ =	shalt  }
0x42: {  	_ =	shalt  }
0x43: {  	_ =	shalt  }
0x44: {  	_ =	shalt  }
0x45: {  	_ =	shalt  }
0x46: {  	_ =	shalt  }
0x47: {  	_ =	shalt  }
0x48: {  	_ =	shalt  }
0x49: {  	_ =	shalt  }
0x4a: {  	_ =	shalt  }
0x4b: {  	_ =	shalt  }
0x4c: {  	_ =	shalt  }
0x4d: {  	_ =	shalt  }
0x4e: {  	_ =	shalt  }
0x4f: {  	_ =	shalt  }
0x50: {  	_ =	shalt  }
0x51: {  	_ =	shalt  }
0x52: {  	_ =	shalt  }
0x53: {  	_ =	shalt  }
0x54: {  	_ =	shalt  }
0x55: {  	_ =	shalt  }
0x56: {  	_ =	shalt  }
0x57: {  	_ =	shalt  }
0x58: {  	_ =	shalt  }
0x59: {  	_ =	shalt  }
0x5a: {  	_ =	shalt  }
0x5b: {  	_ =	shalt  }
0x5c: {  	_ =	shalt  }
0x5d: {  	_ =	shalt  }
0x5e: {  	_ =	shalt  }
0x5f: {  	_ =	shalt  }
0x60: {  	_ =	shalt  }
0x61: {  	_ =	shalt  }
0x62: {  	_ =	shalt  }
0x63: {  	_ =	shalt  }
0x64: {  	_ =	shalt  }
0x65: {  	_ =	shalt  }
0x66: {  	_ =	shalt  }
0x67: {  	_ =	shalt  }
0x68: {  	_ =	shalt  }
0x69: {  	_ =	shalt  }
0x6a: {  	_ =	shalt  }
0x6b: {  	_ =	shalt  }
0x6c: {  	_ =	shalt  }
0x6d: {  	_ =	shalt  }
0x6e: {  	_ =	shalt  }
0x6f: {  	_ =	shalt  }
0x70: {  	_ =	shalt  }
0x71: {  	_ =	shalt  }
0x72: {  	_ =	shalt  }
0x73: {  	_ =	shalt  }
0x74: {  	_ =	shalt  }
0x75: {  	_ =	shalt  }
0x76: {  	_ =	shalt  }
0x77: {  	_ =	shalt  }
0x78: {  	_ =	shalt  }
0x79: {  	_ =	shalt  }
0x7a: {  	_ =	shalt  }
0x7b: {  	_ =	shalt  }
0x7c: {  	_ =	shalt  }
0x7d: {  	_ =	shalt  }
0x7e: {  	_ =	shalt  }
0x7f: {  	_ =	shalt  }
0x80: {  	_ =	shalt  }
0x81: {  	_ =	shalt  }
0x82: {  	_ =	shalt  }
0x83: {  	_ =	shalt  }
0x84: {  	_ =	shalt  }
0x85: {  	_ =	shalt  }
0x86: {  	_ =	shalt  }
0x87: {  	_ =	shalt  }
.Lfunc_end0:
.L_simem_size_0:
called_computation_lowered:
.L_overlay_start_0:
0x88: {  	s2 =	sld [smem:$0x3FD9]  }
0x89: {  	s3 =	sld [smem:$0x3FFE];
	_ =	sdelay $0x1  }
0x8a: {  	s1 =	srdreg.scid  }
0x8b: {  	s0 =	sand.u32 $0x1, s1  }
0x8c: {  	s14 =	sshll.u32 s0, $0xA;
	s2 =	sadd.s32 s3, s2  }
0x8d: {  	s2 =	sadd.s32 s2, s14  }
0x8e: {  	[smem:$0x3FC5] =	sst s2  }
0x8f: {  	_ = 	snop  }
0x90: {  	s2 =	sld [smem:$0x3FD0];
	_ =	sdelay $0x2  }
0x91: {  	s15 =	simm.s32 $0xA;
	s4 =	simm.s32 $0x10  }
0x92: {  	[smem:s4], [sflag:s15] =	dma.local [hbm:s2], $0x1  }
0x93: {  	_ =	swait.eq [sflag:s15], $0x1  }
0x94: {  	[sflag:s15] =	ssyncset.done $0x0  }
0x95: {  	[sflag:s15] =	ssyncadd.s32 $0xFFFFFFFF  }
0x96: {  	s16 =	sld [smem:$0x10];
	(tm) =	ssettm $0x1  }
0x97: {  	s17 =	sld [smem:$0x3FFB];
	_ =	sdelay $0x3  }
0x98: {  	_ =	strace s17  }
0x99: {  	s3 =	sld [smem:$0x3FFC];
	_ =	sdelay $0x3  }
0x9a: {  	_ =	strace s3  }
0x9b: {  	s3 =	sld [smem:$0x3FFD];
	_ =	sdelay $0x3  }
0x9c: {  	_ =	strace s3  }
0x9d: {  	_ =	strace $0x8FFFFFFF  }
0x9e: {  	s18 =	sld [smem:$0x3FDB];
	_ =	sdelay $0x1  }
0x9f: {  	s19 =	simm.s32 $_scs_section_size  }
0xa0: {  	s5 =	simm.s32 $_size__tile_overlayer_lowered;
	s6 =	simm.s32 $_tile_overlayer_lowered  }
0xa1: {  	s22 =	simm.s32 $0x1BFF;
	s21 =	sshll.u32 s6, $0x1;
	s3 =	sadd.s32 s19, s18  }
0xa2: {  	s7 =	simm.s32 $0x0;
	s20 =	sshll.u32 s5, $0x1;
	s5 =	sadd.s32 s21, s3  }
0xa3: {  	[timem:s7], [sflag:s22] =	dma.local [hbm:s5], s20  }
0xa4: {  	_ =	swait.ge [sflag:s22], s20  }
0xa5: {  	s4 =	ssub.s32 $0x0, s20;
	[sflag:s22] =	ssyncset.done $0x0  }
0xa6: {  	[sflag:s22] =	ssyncadd.s32 s4;
	_ =	sdelay $0x1  }
0xa7: {  	s23 =	simm.s32 $0x1B8B  }
0xa8: {  	_ =	swait.ge [sflag:s23], $0x1  }
0xa9: {  	[sflag:s23] =	ssyncset.done $0x0  }
0xaa: {  	s25 =	simm.s32 $0x1B8E;
	s24 =	sld [smem:$0x3FFE];
	[sflag:s23] =	ssyncadd.s32 $0xFFFFFFFF  }
0xab: {  	s26 =	simm.s32 $execute0_lowered;
	[smem:$0x3FD2] =	sst s25  }
0xac: {  	s5 =	sshll.u32 s26, $0x1;
	_ =	strace $0x80000046;
	[dreg:$0x1] =	wrdreg $0xFFFFFFFF  }
0xad: {  	s28 =	simm.s32 $_size_execute0_lowered;
	s3 =	sadd.s32 s3, s5;
	[dreg:$0x0] =	wrdreg $0x0  }
0xae: {  	s5 =	sshll.u32 s28, $0x1;
	[dreg:$0x2] =	wrdreg s3  }
0xaf: {  	[dreg:$0x3] =	wrdreg s5  }
0xb0: {  	[dreg:$0x4] =	wrdreg $0xC0  }
0xb1: {  	_ =	task [dreg:s7], $0x5FFFF  }
0xb2: {  	[dreg:$0x1] =	wrdreg $0xFFFFFFFF  }
0xb3: {  	[dreg:$0x0] =	wrdreg $0x60  }
0xb4: {  	[dreg:$0x2] =	wrdreg s24  }
0xb5: {  	[dreg:$0x3] =	wrdreg s16  }
0xb6: {  	[dreg:$0x4] =	wrdreg $0x9  }
0xb7: {  	_ =	task.clear_ibuf [dreg:s7], $0x5FFFF;
	_ =	strace $0x90000046  }
0xb8: {  	s29 =	simm.s32 $0x9;
	_ =	strace $0x80000048  }
0xb9: {  	_ =	swait.ge [sflag:s29], $0x1  }
0xba: {  	[sflag:s29] =	ssyncadd.s32 $0xFFFFFFFF  }
0xbb: {  	_ =	strace $0x90000048  }
0xbc: {  	_ =	sfence  }
0xbd: {  	s30 =	sld [smem:$0x0];
	_ =	sdelay $0x2  }
0xbe: {  	s31 =	sshll.u32 s1, $0xD;
	s1 =	sshrl.u32 s1, $0x2  }
0xbf: {  	s3 =	sand.u32 $0x4000, s31;
	s1 =	sadd.s32 s1, s30  }
0xc0: {  	s0 =	sor.u32 s3, s0;
	s1 =	sshll.u32 s1, $0x11  }
0xc1: {  	s0 =	sor.u32 s1, s0  }
0xc2: {  	s0 =	sadd.s32 $0x8F2B, s0  }
0xc3: {  	[sflag:s0] =	ssyncadd.remote.s32 $0x1  }
0xc4: {  	_ =	sfence.sel $0xFFFF  }
0xc5: {  	[dreg:$0x0] =	wrdreg $0xFFFFFFFF;
	(pc) =	sbr.abs _section_cstart, $3  }
0xc6: {  	[dreg:$0x1] =	wrdreg $0xFFFFFFFF  }
0xc7: {  	_ =	task.clear_ibuf [dreg:s7], $0x2FFFF;
	_ =	strace $0x9FFFFFFF  }
0xc8: {  	(tm) =	ssettm $0x7FFFFFFF  }
0xc9: {  	_ =	shalt  }
tec
execute0_lowered:
.L_overlay_start_1:
0x0: {  	(tag) =	ssettag $0x1  }
0x1: {  	s0 =	rddreg [dreg:$0x0]  }
0x2: {  	s1 =	rddreg [dreg:$0x1];
	s2 =	simm.s32 $0x0;
	s3 =	srdreg.scid  }
0x3: {  	s5 =	stileid.u32;
	s10 =	simm.s32 $0x4;
	s11 =	simm.s32 $0x200  }
0x4: {  	s28 =	simm.s32 $0x8200;
	s29 =	simm.s32 $0x8A00;
	s30 =	simm.s32 $0x9200  }
0x5: {  	s31 =	simm.s32 $0x9A00;
	s12 =	simm.s32 $0xB200;
	s13 =	simm.s32 $0xBA00  }
0x6: {  	s14 =	simm.s32 $0xC200;
	s15 =	simm.s32 $0xCA00;
	s16 =	simm.s32 $0xD200  }
0x7: {  	s17 =	simm.s32 $0xDA00;
	s18 =	simm.s32 $0xE200;
	s19 =	simm.s32 $0xEA00  }
0x8: {  	s20 =	simm.s32 $0xF200;
	s21 =	simm.s32 $0xFA00;
	s22 =	simm.s32 $0x1  }
0x9: {  	[smem:$0x7FF] =	sst s2;
	s4 =	sand.u32 $0x1, s3;
	s5 =	sshll.u32 s5, $0x1  }
0xa: {  	s3 =	sadd.s32 $0xE00, s0;
	s5 =	sor.u32 s4, s5;
	s4 =	ssub.s32 $0x2, s4  }
0xb: {  	_ =	strace $0x80000047;
	s6 =	sshll.u32 s5, $0x6;
	s7 =	sshrl.u32 s4, $0x1  }
0xc: {  	s5 =	sshll.u32 s5, $0xD;
	s0 =	sadd.s32 s6, s0;
	s23 =	ssub.s32 s4, s7  }
0xd: {  	s4 =	sadd.s32 s1, s5;
	s1 =	simm.s32 $0xAA00;
	s0 =	sadd.s32 $0x600, s0  }
0xe: {  	s5 =	simm.s32 $0x3;
	s24 =	sadd.s32 $0x800, s4;
	[dreg:$0x3] =	wrdreg s0  }
0xf: {  	v2 =	vlaneseq.u32;
	s6 =	simm.s32 $0x0;
	s25 =	sadd.s32 $0x1000, s4;
	[dreg:$0x4] =	wrdreg s24  }
0x10: {  	vm0 =	vmmov $0xffff;
	v1 =	vshrl.u32 v2, $0x3;
	s26 =	sadd.s32 $0x1800, s4;
	s9 =	smax.u32 s23, $0x1;
	[dreg:$0x5] =	wrdreg s25  }
0x11: {  	v0 =	vand.u32 $0x7, v2;
	v2 =	vor.u32 $0x8, v2;
	v1 =	vmul.u32 $0x8, v1;
	s23 =	simm.s32 $0x2;
	[dreg:$0x6] =	wrdreg s26;
	s0 =	simm.s32 $0xA200  }
.LBB2_1:
0x12: {  	s7 =	rddreg [dreg:$0x3]  }
0x13: {  	[tilespmem:s2], [sflag:$0x4] =	stream.linear.gather [hbm4b:s7+s2], $0x200, $0x38;
	[tilespmem:$0x10200] =	vst v63  }
0x14: {  	_ =	swait.ge [sflag:s10], $0x200  }
0x15: {  	[sflag:s10] =	ssyncset.done $0x0  }
0x16: {  	[sflag:s10] =	ssyncadd.s32 $0xFFFFFE00  }
0x17: {  	v3 =	vld [tilespmem:$0x0];
	_ =	sdelay $0x4  }
0x18: {  	v4 =	vshll.u32 v3, $0x1  }
0x19: {  	v3 =	vand.u32 $0x7, v3;
	v4 =	vand.u32 $0xFFFFFFF0, v4  }
0x1a: {  	v3 =	vor.u32 v3, v4  }
0x1b: {  	v4 =	vperm.xlane v3, v0;
	_ =	sdelay $0x1  }
0x1c: {  	v3 =	vperm.xlane v3, v2;
	v4 =	vadd.s32 v1, v4;
	_ =	sdelay $0x1  }
0x1d: {  	v3 =	vadd.s32 v1, v3;
	_ =	sdelay $0x2  }
0x1e: {  	[tilespmem:s11], [sflag:$0x1] =	stream.indirect_vreg.gather [hbm4b:s3+s2], $0x80, v4, vm0, $0xb8;
	[tilespmem:$0x10200] =	vst v63  }
0x1f: {  	s8 =	simm.s32 $0xA00  }
0x20: {  	[tilespmem:s8], [sflag:$0x1] =	stream.indirect_vreg.gather [hbm4b:s3+s2], $0x80, v3, vm0, $0xb8;
	[tilespmem:$0x10200] =	vst v63  }
0x21: {  	v3 =	vld [tilespmem:$0x10];
	_ =	sdelay $0x4  }
0x22: {  	v4 =	vshll.u32 v3, $0x1  }
0x23: {  	v3 =	vand.u32 $0x7, v3;
	v4 =	vand.u32 $0xFFFFFFF0, v4  }
0x24: {  	v3 =	vor.u32 v3, v4  }
0x25: {  	v4 =	vperm.xlane v3, v0;
	_ =	sdelay $0x1  }
0x26: {  	v3 =	vperm.xlane v3, v2;
	v4 =	vadd.s32 v1, v4;
	_ =	sdelay $0x1  }
0x27: {  	v3 =	vadd.s32 v1, v3;
	_ =	sdelay $0x1  }
0x28: {  	s24 =	simm.s32 $0x1200  }
0x29: {  	[tilespmem:s24], [sflag:$0x1] =	stream.indirect_vreg.gather [hbm4b:s3+s2], $0x80, v4, vm0, $0xb8;
	[tilespmem:$0x10200] =	vst v63  }
0x2a: {  	s25 =	simm.s32 $0x1A00  }
0x2b: {  	[tilespmem:s25], [sflag:$0x1] =	stream.indirect_vreg.gather [hbm4b:s3+s2], $0x80, v3, vm0, $0xb8;
	[tilespmem:$0x10200] =	vst v63  }
0x2c: {  	v3 =	vld [tilespmem:$0x20];
	_ =	sdelay $0x4  }
0x2d: {  	v4 =	vshll.u32 v3, $0x1  }
0x2e: {  	v3 =	vand.u32 $0x7, v3;
	v4 =	vand.u32 $0xFFFFFFF0, v4  }
0x2f: {  	v3 =	vor.u32 v3, v4  }
0x30: {  	v4 =	vperm.xlane v3, v0;
	_ =	sdelay $0x1  }
0x31: {  	v3 =	vperm.xlane v3, v2;
	v4 =	vadd.s32 v1, v4;
	_ =	sdelay $0x1  }
0x32: {  	v3 =	vadd.s32 v1, v3;
	_ =	sdelay $0x1  }
0x33: {  	s26 =	simm.s32 $0x2200  }
0x34: {  	[tilespmem:s26], [sflag:$0x1] =	stream.indirect_vreg.gather [hbm4b:s3+s2], $0x80, v4, vm0, $0xb8;
	[tilespmem:$0x10200] =	vst v63  }
0x35: {  	s8 =	simm.s32 $0x2A00  }
0x36: {  	[tilespmem:s8], [sflag:$0x1] =	stream.indirect_vreg.gather [hbm4b:s3+s2], $0x80, v3, vm0, $0xb8;
	[tilespmem:$0x10200] =	vst v63  }
0x37: {  	v3 =	vld [tilespmem:$0x30];
	_ =	sdelay $0x4  }
0x38: {  	v4 =	vshll.u32 v3, $0x1  }
0x39: {  	v3 =	vand.u32 $0x7, v3;
	v4 =	vand.u32 $0xFFFFFFF0, v4  }
0x3a: {  	v3 =	vor.u32 v3, v4  }
0x3b: {  	v4 =	vperm.xlane v3, v0;
	_ =	sdelay $0x1  }
0x3c: {  	v3 =	vperm.xlane v3, v2;
	v4 =	vadd.s32 v1, v4;
	_ =	sdelay $0x1  }
0x3d: {  	v3 =	vadd.s32 v1, v3;
	_ =	sdelay $0x1  }
0x3e: {  	s24 =	simm.s32 $0x3200  }
0x3f: {  	[tilespmem:s24], [sflag:$0x1] =	stream.indirect_vreg.gather [hbm4b:s3+s2], $0x80, v4, vm0, $0xb8;
	[tilespmem:$0x10200] =	vst v63  }
0x40: {  	s25 =	simm.s32 $0x3A00  }
0x41: {  	[tilespmem:s25], [sflag:$0x1] =	stream.indirect_vreg.gather [hbm4b:s3+s2], $0x80, v3, vm0, $0xb8;
	[tilespmem:$0x10200] =	vst v63  }
0x42: {  	v3 =	vld [tilespmem:$0x40];
	_ =	sdelay $0x4  }
0x43: {  	v4 =	vshll.u32 v3, $0x1  }
0x44: {  	v3 =	vand.u32 $0x7, v3;
	v4 =	vand.u32 $0xFFFFFFF0, v4  }
0x45: {  	v3 =	vor.u32 v3, v4  }
0x46: {  	v4 =	vperm.xlane v3, v0;
	_ =	sdelay $0x1  }
0x47: {  	v3 =	vperm.xlane v3, v2;
	v4 =	vadd.s32 v1, v4;
	_ =	sdelay $0x1  }
0x48: {  	v3 =	vadd.s32 v1, v3;
	_ =	sdelay $0x1  }
0x49: {  	s26 =	simm.s32 $0x4200  }
0x4a: {  	[tilespmem:s26], [sflag:$0x1] =	stream.indirect_vreg.gather [hbm4b:s3+s2], $0x80, v4, vm0, $0xb8;
	[tilespmem:$0x10200] =	vst v63  }
0x4b: {  	s8 =	simm.s32 $0x4A00  }
0x4c: {  	[tilespmem:s8], [sflag:$0x1] =	stream.indirect_vreg.gather [hbm4b:s3+s2], $0x80, v3, vm0, $0xb8;
	[tilespmem:$0x10200] =	vst v63  }
0x4d: {  	v3 =	vld [tilespmem:$0x50];
	_ =	sdelay $0x4  }
0x4e: {  	v4 =	vshll.u32 v3, $0x1  }
0x4f: {  	v3 =	vand.u32 $0x7, v3;
	v4 =	vand.u32 $0xFFFFFFF0, v4  }
0x50: {  	v3 =	vor.u32 v3, v4  }
0x51: {  	v4 =	vperm.xlane v3, v0;
	_ =	sdelay $0x1  }
0x52: {  	v3 =	vperm.xlane v3, v2;
	v4 =	vadd.s32 v1, v4;
	_ =	sdelay $0x1  }
0x53: {  	v3 =	vadd.s32 v1, v3;
	_ =	sdelay $0x1  }
0x54: {  	s24 =	simm.s32 $0x5200  }
0x55: {  	[tilespmem:s24], [sflag:$0x1] =	stream.indirect_vreg.gather [hbm4b:s3+s2], $0x80, v4, vm0, $0xb8;
	[tilespmem:$0x10200] =	vst v63  }
0x56: {  	s25 =	simm.s32 $0x5A00  }
0x57: {  	[tilespmem:s25], [sflag:$0x1] =	stream.indirect_vreg.gather [hbm4b:s3+s2], $0x80, v3, vm0, $0xb8;
	[tilespmem:$0x10200] =	vst v63  }
0x58: {  	v3 =	vld [tilespmem:$0x60];
	_ =	sdelay $0x4  }
0x59: {  	v4 =	vshll.u32 v3, $0x1  }
0x5a: {  	v3 =	vand.u32 $0x7, v3;
	v4 =	vand.u32 $0xFFFFFFF0, v4  }
0x5b: {  	v3 =	vor.u32 v3, v4  }
0x5c: {  	v4 =	vperm.xlane v3, v0;
	_ =	sdelay $0x1  }
0x5d: {  	v3 =	vperm.xlane v3, v2;
	v4 =	vadd.s32 v1, v4;
	_ =	sdelay $0x1  }
0x5e: {  	v3 =	vadd.s32 v1, v3;
	_ =	sdelay $0x1  }
0x5f: {  	s26 =	simm.s32 $0x6200  }
0x60: {  	[tilespmem:s26], [sflag:$0x1] =	stream.indirect_vreg.gather [hbm4b:s3+s2], $0x80, v4, vm0, $0xb8;
	[tilespmem:$0x10200] =	vst v63  }
0x61: {  	s8 =	simm.s32 $0x6A00  }
0x62: {  	[tilespmem:s8], [sflag:$0x1] =	stream.indirect_vreg.gather [hbm4b:s3+s2], $0x80, v3, vm0, $0xb8;
	[tilespmem:$0x10200] =	vst v63  }
0x63: {  	v3 =	vld [tilespmem:$0x70];
	_ =	sdelay $0x4  }
0x64: {  	v4 =	vshll.u32 v3, $0x1  }
0x65: {  	v3 =	vand.u32 $0x7, v3;
	v4 =	vand.u32 $0xFFFFFFF0, v4  }
0x66: {  	v3 =	vor.u32 v3, v4  }
0x67: {  	v4 =	vperm.xlane v3, v0;
	_ =	sdelay $0x1  }
0x68: {  	v3 =	vperm.xlane v3, v2;
	v4 =	vadd.s32 v1, v4;
	_ =	sdelay $0x1  }
0x69: {  	v3 =	vadd.s32 v1, v3;
	_ =	sdelay $0x1  }
0x6a: {  	s24 =	simm.s32 $0x7200  }
0x6b: {  	[tilespmem:s24], [sflag:$0x1] =	stream.indirect_vreg.gather [hbm4b:s3+s2], $0x80, v4, vm0, $0xb8;
	[tilespmem:$0x10200] =	vst v63  }
0x6c: {  	s25 =	simm.s32 $0x7A00  }
0x6d: {  	[tilespmem:s25], [sflag:$0x1] =	stream.indirect_vreg.gather [hbm4b:s3+s2], $0x80, v3, vm0, $0xb8;
	[tilespmem:$0x10200] =	vst v63  }
0x6e: {  	v3 =	vld [tilespmem:$0x80];
	_ =	sdelay $0x4  }
0x6f: {  	v4 =	vshll.u32 v3, $0x1  }
0x70: {  	v3 =	vand.u32 $0x7, v3;
	v4 =	vand.u32 $0xFFFFFFF0, v4  }
0x71: {  	v3 =	vor.u32 v3, v4  }
0x72: {  	v4 =	vperm.xlane v3, v0;
	_ =	sdelay $0x1  }
0x73: {  	v3 =	vperm.xlane v3, v2;
	v4 =	vadd.s32 v1, v4;
	_ =	sdelay $0x1  }
0x74: {  	v3 =	vadd.s32 v1, v3;
	_ =	sdelay $0x2  }
0x75: {  	[tilespmem:s28], [sflag:$0x2] =	stream.indirect_vreg.gather [hbm4b:s3+s2], $0x80, v4, vm0, $0xb8;
	[tilespmem:$0x10200] =	vst v63  }
0x76: {  	_ = 	snop  }
0x77: {  	[tilespmem:s29], [sflag:$0x2] =	stream.indirect_vreg.gather [hbm4b:s3+s2], $0x80, v3, vm0, $0xb8;
	[tilespmem:$0x10200] =	vst v63  }
0x78: {  	v3 =	vld [tilespmem:$0x90];
	_ =	sdelay $0x4  }
0x79: {  	v4 =	vshll.u32 v3, $0x1  }
0x7a: {  	v3 =	vand.u32 $0x7, v3;
	v4 =	vand.u32 $0xFFFFFFF0, v4  }
0x7b: {  	v3 =	vor.u32 v3, v4  }
0x7c: {  	v4 =	vperm.xlane v3, v0;
	_ =	sdelay $0x1  }
0x7d: {  	v3 =	vperm.xlane v3, v2;
	v4 =	vadd.s32 v1, v4;
	_ =	sdelay $0x1  }
0x7e: {  	v3 =	vadd.s32 v1, v3;
	_ =	sdelay $0x2  }
0x7f: {  	[tilespmem:s30], [sflag:$0x2] =	stream.indirect_vreg.gather [hbm4b:s3+s2], $0x80, v4, vm0, $0xb8;
	[tilespmem:$0x10200] =	vst v63  }
0x80: {  	_ = 	snop  }
0x81: {  	[tilespmem:s31], [sflag:$0x2] =	stream.indirect_vreg.gather [hbm4b:s3+s2], $0x80, v3, vm0, $0xb8;
	[tilespmem:$0x10200] =	vst v63  }
0x82: {  	v3 =	vld [tilespmem:$0xA0];
	_ =	sdelay $0x4  }
0x83: {  	v4 =	vshll.u32 v3, $0x1  }
0x84: {  	v3 =	vand.u32 $0x7, v3;
	v4 =	vand.u32 $0xFFFFFFF0, v4  }
0x85: {  	v3 =	vor.u32 v3, v4  }
0x86: {  	v4 =	vperm.xlane v3, v0;
	_ =	sdelay $0x1  }
0x87: {  	v3 =	vperm.xlane v3, v2;
	v4 =	vadd.s32 v1, v4;
	_ =	sdelay $0x1  }
0x88: {  	v3 =	vadd.s32 v1, v3;
	_ =	sdelay $0x2  }
0x89: {  	[tilespmem:s0], [sflag:$0x2] =	stream.indirect_vreg.gather [hbm4b:s3+s2], $0x80, v4, vm0, $0xb8;
	[tilespmem:$0x10200] =	vst v63  }
0x8a: {  	_ = 	snop  }
0x8b: {  	[tilespmem:s1], [sflag:$0x2] =	stream.indirect_vreg.gather [hbm4b:s3+s2], $0x80, v3, vm0, $0xb8;
	[tilespmem:$0x10200] =	vst v63  }
0x8c: {  	v3 =	vld [tilespmem:$0xB0];
	_ =	sdelay $0x4  }
0x8d: {  	v4 =	vshll.u32 v3, $0x1  }
0x8e: {  	v3 =	vand.u32 $0x7, v3;
	v4 =	vand.u32 $0xFFFFFFF0, v4  }
0x8f: {  	v3 =	vor.u32 v3, v4  }
0x90: {  	v4 =	vperm.xlane v3, v0;
	_ =	sdelay $0x1  }
0x91: {  	v3 =	vperm.xlane v3, v2;
	v4 =	vadd.s32 v1, v4;
	_ =	sdelay $0x1  }
0x92: {  	v3 =	vadd.s32 v1, v3;
	_ =	sdelay $0x2  }
0x93: {  	[tilespmem:s12], [sflag:$0x2] =	stream.indirect_vreg.gather [hbm4b:s3+s2], $0x80, v4, vm0, $0xb8;
	[tilespmem:$0x10200] =	vst v63  }
0x94: {  	_ = 	snop  }
0x95: {  	[tilespmem:s13], [sflag:$0x2] =	stream.indirect_vreg.gather [hbm4b:s3+s2], $0x80, v3, vm0, $0xb8;
	[tilespmem:$0x10200] =	vst v63  }
0x96: {  	v3 =	vld [tilespmem:$0xC0];
	_ =	sdelay $0x4  }
0x97: {  	v4 =	vshll.u32 v3, $0x1  }
0x98: {  	v3 =	vand.u32 $0x7, v3;
	v4 =	vand.u32 $0xFFFFFFF0, v4  }
0x99: {  	v3 =	vor.u32 v3, v4  }
0x9a: {  	v4 =	vperm.xlane v3, v0;
	_ =	sdelay $0x1  }
0x9b: {  	v3 =	vperm.xlane v3, v2;
	v4 =	vadd.s32 v1, v4;
	_ =	sdelay $0x1  }
0x9c: {  	v3 =	vadd.s32 v1, v3;
	_ =	sdelay $0x2  }
0x9d: {  	[tilespmem:s14], [sflag:$0x2] =	stream.indirect_vreg.gather [hbm4b:s3+s2], $0x80, v4, vm0, $0xb8;
	[tilespmem:$0x10200] =	vst v63  }
0x9e: {  	_ = 	snop  }
0x9f: {  	[tilespmem:s15], [sflag:$0x2] =	stream.indirect_vreg.gather [hbm4b:s3+s2], $0x80, v3, vm0, $0xb8;
	[tilespmem:$0x10200] =	vst v63  }
0xa0: {  	v3 =	vld [tilespmem:$0xD0];
	_ =	sdelay $0x4  }
0xa1: {  	v4 =	vshll.u32 v3, $0x1  }
0xa2: {  	v3 =	vand.u32 $0x7, v3;
	v4 =	vand.u32 $0xFFFFFFF0, v4  }
0xa3: {  	v3 =	vor.u32 v3, v4  }
0xa4: {  	v4 =	vperm.xlane v3, v0;
	_ =	sdelay $0x1  }
0xa5: {  	v3 =	vperm.xlane v3, v2;
	v4 =	vadd.s32 v1, v4;
	_ =	sdelay $0x1  }
0xa6: {  	v3 =	vadd.s32 v1, v3;
	_ =	sdelay $0x2  }
0xa7: {  	[tilespmem:s16], [sflag:$0x2] =	stream.indirect_vreg.gather [hbm4b:s3+s2], $0x80, v4, vm0, $0xb8;
	[tilespmem:$0x10200] =	vst v63  }
0xa8: {  	_ = 	snop  }
0xa9: {  	[tilespmem:s17], [sflag:$0x2] =	stream.indirect_vreg.gather [hbm4b:s3+s2], $0x80, v3, vm0, $0xb8;
	[tilespmem:$0x10200] =	vst v63  }
0xaa: {  	v3 =	vld [tilespmem:$0xE0];
	_ =	sdelay $0x4  }
0xab: {  	v4 =	vshll.u32 v3, $0x1  }
0xac: {  	v3 =	vand.u32 $0x7, v3;
	v4 =	vand.u32 $0xFFFFFFF0, v4  }
0xad: {  	v3 =	vor.u32 v3, v4  }
0xae: {  	v4 =	vperm.xlane v3, v0;
	_ =	sdelay $0x1  }
0xaf: {  	v3 =	vperm.xlane v3, v2;
	v4 =	vadd.s32 v1, v4;
	_ =	sdelay $0x1  }
0xb0: {  	v3 =	vadd.s32 v1, v3;
	_ =	sdelay $0x2  }
0xb1: {  	[tilespmem:s18], [sflag:$0x2] =	stream.indirect_vreg.gather [hbm4b:s3+s2], $0x80, v4, vm0, $0xb8;
	[tilespmem:$0x10200] =	vst v63  }
0xb2: {  	_ = 	snop  }
0xb3: {  	[tilespmem:s19], [sflag:$0x2] =	stream.indirect_vreg.gather [hbm4b:s3+s2], $0x80, v3, vm0, $0xb8;
	[tilespmem:$0x10200] =	vst v63  }
0xb4: {  	v3 =	vld [tilespmem:$0xF0];
	_ =	sdelay $0x4  }
0xb5: {  	v4 =	vshll.u32 v3, $0x1  }
0xb6: {  	v3 =	vand.u32 $0x7, v3;
	v4 =	vand.u32 $0xFFFFFFF0, v4  }
0xb7: {  	v3 =	vor.u32 v3, v4  }
0xb8: {  	v4 =	vperm.xlane v3, v0;
	_ =	sdelay $0x1  }
0xb9: {  	v3 =	vperm.xlane v3, v2;
	v4 =	vadd.s32 v1, v4;
	_ =	sdelay $0x1  }
0xba: {  	v3 =	vadd.s32 v1, v3;
	_ =	sdelay $0x2  }
0xbb: {  	[tilespmem:s20], [sflag:$0x2] =	stream.indirect_vreg.gather [hbm4b:s3+s2], $0x80, v4, vm0, $0xb8;
	[tilespmem:$0x10200] =	vst v63  }
0xbc: {  	_ = 	snop  }
0xbd: {  	[tilespmem:s21], [sflag:$0x2] =	stream.indirect_vreg.gather [hbm4b:s3+s2], $0x80, v3, vm0, $0xb8;
	[tilespmem:$0x10200] =	vst v63  }
0xbe: {  	_ =	swait.ge [sflag:s22], $0x8000  }
0xbf: {  	s26 =	sand.u32 $0x3800, s2;
	s24 =	sand.u32 $0x380, s2;
	[sflag:s22] =	ssyncset.done $0x0  }
0xc0: {  	s24 =	sor.u32 s24, s26;
	[sflag:s22] =	ssyncadd.s32 $0xFFFF8000  }
0xc1: {  	v10 =	vld [tilespmem:s24+$0x4200]  }
0xc2: {  	v11 =	vld [tilespmem:s24+$0x4210]  }
0xc3: {  	v12 =	vld [tilespmem:s24+$0x4220]  }
0xc4: {  	v13 =	vld [tilespmem:s24+$0x4230]  }
0xc5: {  	v14 =	vld [tilespmem:s24+$0x4240]  }
0xc6: {  	v15 =	vld [tilespmem:s24+$0x4250]  }
0xc7: {  	v16 =	vld [tilespmem:s24+$0x4260]  }
0xc8: {  	v17 =	vld [tilespmem:s24+$0x4270]  }
0xc9: {  	v18 =	vld [tilespmem:s24+$0x4600]  }
0xca: {  	v9 =	vld [tilespmem:s24+$0x4610]  }
0xcb: {  	v8 =	vld [tilespmem:s24+$0x4620]  }
0xcc: {  	v7 =	vld [tilespmem:s24+$0x4630]  }
0xcd: {  	v6 =	vld [tilespmem:s24+$0x4640]  }
0xce: {  	v5 =	vld [tilespmem:s24+$0x4650]  }
0xcf: {  	v4 =	vld [tilespmem:s24+$0x4660]  }
0xd0: {  	v3 =	vld [tilespmem:s24+$0x4670]  }
0xd1: {  	v19 =	vld [tilespmem:s24+$0x200]  }
0xd2: {  	v20 =	vld [tilespmem:s24+$0x210]  }
0xd3: {  	v21 =	vld [tilespmem:s24+$0x220]  }
0xd4: {  	v22 =	vld [tilespmem:s24+$0x230]  }
0xd5: {  	v23 =	vld [tilespmem:s24+$0x240]  }
0xd6: {  	v10 =	vadd.f32 v10, v19;
	v19 =	vld [tilespmem:s24+$0x250]  }
0xd7: {  	v61 =	vld [tilespmem:s24+$0x260];
	v11 =	vadd.f32 v11, v20  }
0xd8: {  	v62 =	vld [tilespmem:s24+$0x270];
	[tilespmem:s24+$0x200] =	vst v10;
	v10 =	vadd.f32 v12, v21  }
0xd9: {  	v63 =	vld [tilespmem:s24+$0x600];
	[tilespmem:s24+$0x210] =	vst v11;
	v11 =	vadd.f32 v13, v22  }
0xda: {  	v13 =	vld [tilespmem:s24+$0x610];
	[tilespmem:s24+$0x220] =	vst v10;
	v10 =	vadd.f32 v14, v23  }
0xdb: {  	v12 =	vld [tilespmem:s24+$0x620];
	[tilespmem:s24+$0x230] =	vst v11;
	v11 =	vadd.f32 v15, v19  }
0xdc: {  	v14 =	vadd.f32 v16, v61;
	[tilespmem:s24+$0x240] =	vst v10;
	v10 =	vld [tilespmem:s24+$0x630]  }
0xdd: {  	v16 =	vadd.f32 v17, v62;
	[tilespmem:s24+$0x250] =	vst v11;
	v11 =	vld [tilespmem:s24+$0x640]  }
0xde: {  	s7 =	simm.s32 $0x80;
	s25 =	simm.s32 $0x100;
	v15 =	vadd.f32 v18, v63;
	[tilespmem:s24+$0x260] =	vst v14;
	v14 =	vld [tilespmem:s24+$0x650]  }
.LBB2_2:
0xdf: {  	s8 =	sand.u32 $0x3800, s25;
	s26 =	sand.u32 $0x380, s7;
	p0 =	sne.s32 s25, $0x3F00;
	[tilespmem:s24+$0x270] =	vst v16;
	v9 =	vadd.f32 v9, v13;
	v13 =	vld [tilespmem:s24+$0x660]  }
0xe0: {  	s8 =	sor.u32 s26, s8;
	[tilespmem:s24+$0x600] =	vst v15;
	v8 =	vadd.f32 v8, v12;
	v12 =	vld [tilespmem:s24+$0x670]  }
0xe1: {  	v15 =	vld [tilespmem:s8+$0x4200];
	[tilespmem:s24+$0x610] =	vst v9;
	v7 =	vadd.f32 v7, v10  }
0xe2: {  	v10 =	vld [tilespmem:s8+$0x4210];
	[tilespmem:s24+$0x620] =	vst v8;
	v6 =	vadd.f32 v6, v11  }
0xe3: {  	v11 =	vld [tilespmem:s8+$0x4220];
	[tilespmem:s24+$0x630] =	vst v7;
	v5 =	vadd.f32 v5, v14  }
0xe4: {  	v14 =	vld [tilespmem:s8+$0x4230];
	[tilespmem:s24+$0x640] =	vst v6;
	v4 =	vadd.f32 v4, v13  }
0xe5: {  	v13 =	vld [tilespmem:s8+$0x4240];
	[tilespmem:s24+$0x650] =	vst v5;
	v3 =	vadd.f32 v3, v12  }
0xe6: {  	v12 =	vld [tilespmem:s8+$0x4250];
	[tilespmem:s24+$0x660] =	vst v4  }
0xe7: {  	v16 =	vld [tilespmem:s8+$0x4260];
	[tilespmem:s24+$0x670] =	vst v3;
	s24 =	smov.u32 s8  }
0xe8: {  	v17 =	vld [tilespmem:s24+$0x4270]  }
0xe9: {  	v18 =	vld [tilespmem:s24+$0x4600]  }
0xea: {  	v9 =	vld [tilespmem:s24+$0x4610]  }
0xeb: {  	v8 =	vld [tilespmem:s24+$0x4620]  }
0xec: {  	v7 =	vld [tilespmem:s24+$0x4630]  }
0xed: {  	v6 =	vld [tilespmem:s24+$0x4640]  }
0xee: {  	v5 =	vld [tilespmem:s24+$0x4650]  }
0xef: {  	v4 =	vld [tilespmem:s24+$0x4660]  }
0xf0: {  	v3 =	vld [tilespmem:s24+$0x4670]  }
0xf1: {  	v19 =	vld [tilespmem:s24+$0x200]  }
0xf2: {  	v20 =	vld [tilespmem:s24+$0x210]  }
0xf3: {  	v21 =	vld [tilespmem:s24+$0x220]  }
0xf4: {  	v22 =	vld [tilespmem:s24+$0x230]  }
0xf5: {  	v23 =	vld [tilespmem:s24+$0x240]  }
0xf6: {  	v15 =	vadd.f32 v15, v19;
	v19 =	vld [tilespmem:s24+$0x250]  }
0xf7: {  	v10 =	vadd.f32 v10, v20;
	v20 =	vld [tilespmem:s24+$0x260]  }
0xf8: {  	[tilespmem:s24+$0x200] =	vst v15;
	v11 =	vadd.f32 v11, v21;
	v15 =	vld [tilespmem:s24+$0x270]  }
0xf9: {  	[tilespmem:s24+$0x210] =	vst v10;
	v10 =	vadd.f32 v14, v22;
	v14 =	vld [tilespmem:s24+$0x600]  }
.Ltmp0:
0xfa: {  	[tilespmem:s24+$0x220] =	vst v11;
	v11 =	vadd.f32 v13, v23;
	v13 =	vld [tilespmem:s24+$0x610];
	(pc) =	sbr.rel @p0 .LBB2_2-.Ltmp0, $4  }
0xfb: {  	[tilespmem:s24+$0x230] =	vst v10;
	v19 =	vadd.f32 v12, v19;
	v12 =	vld [tilespmem:s24+$0x620]  }
0xfc: {  	[tilespmem:s24+$0x240] =	vst v11;
	v20 =	vadd.f32 v16, v20;
	v10 =	vld [tilespmem:s24+$0x630]  }
0xfd: {  	[tilespmem:s24+$0x250] =	vst v19;
	v16 =	vadd.f32 v17, v15;
	v11 =	vld [tilespmem:s24+$0x640]  }
0xfe: {  	s7 =	sadd.s32 $0x80, s7;
	s25 =	sadd.s32 $0x100, s25;
	[tilespmem:s24+$0x260] =	vst v20;
	v15 =	vadd.f32 v18, v14;
	v14 =	vld [tilespmem:s24+$0x650]  }
0xff: {  	[tilespmem:s24+$0x270] =	vst v16;
	v9 =	vadd.f32 v9, v13;
	v13 =	vld [tilespmem:s24+$0x660]  }
0x100: {  	[tilespmem:s24+$0x600] =	vst v15;
	v8 =	vadd.f32 v8, v12;
	v12 =	vld [tilespmem:s24+$0x670]  }
0x101: {  	[tilespmem:s24+$0x610] =	vst v9;
	v7 =	vadd.f32 v7, v10  }
0x102: {  	[tilespmem:s24+$0x620] =	vst v8;
	v6 =	vadd.f32 v6, v11  }
0x103: {  	[tilespmem:s24+$0x630] =	vst v7;
	v5 =	vadd.f32 v5, v14  }
0x104: {  	[tilespmem:s24+$0x640] =	vst v6;
	v4 =	vadd.f32 v4, v13  }
0x105: {  	[tilespmem:s24+$0x650] =	vst v5;
	v3 =	vadd.f32 v3, v12  }
0x106: {  	[tilespmem:s24+$0x660] =	vst v4  }
0x107: {  	s7 =	simm.s32 $0x0;
	[tilespmem:s24+$0x670] =	vst v3  }
0x108: {  	[hbm4b:s4+s7] =	stream.linear.scatter [tilespmem:s11], [sflag:$0x3], $0x4000, $0x38;
	[tilespmem:$0x10200] =	vst v63  }
0x109: {  	_ =	swait.ge [sflag:s5], $0x4000  }
0x10a: {  	[sflag:s5] =	ssyncset.done $0x0  }
0x10b: {  	[sflag:s5] =	ssyncadd.s32 $0xFFFFC000  }
0x10c: {  	v3 =	vld [tilespmem:$0x100];
	_ =	sdelay $0x4  }
0x10d: {  	v4 =	vshll.u32 v3, $0x1  }
0x10e: {  	v3 =	vand.u32 $0x7, v3;
	v4 =	vand.u32 $0xFFFFFFF0, v4  }
0x10f: {  	v3 =	vor.u32 v3, v4  }
0x110: {  	v4 =	vperm.xlane v3, v0;
	_ =	sdelay $0x1  }
0x111: {  	v3 =	vperm.xlane v3, v2;
	v4 =	vadd.s32 v1, v4;
	_ =	sdelay $0x1  }
0x112: {  	v3 =	vadd.s32 v1, v3;
	_ =	sdelay $0x2  }
0x113: {  	[tilespmem:s11], [sflag:$0x1] =	stream.indirect_vreg.gather [hbm4b:s3+s7], $0x80, v4, vm0, $0xb8;
	[tilespmem:$0x10200] =	vst v63  }
0x114: {  	s8 =	simm.s32 $0xA00  }
0x115: {  	[tilespmem:s8], [sflag:$0x1] =	stream.indirect_vreg.gather [hbm4b:s3+s7], $0x80, v3, vm0, $0xb8;
	[tilespmem:$0x10200] =	vst v63  }
0x116: {  	v3 =	vld [tilespmem:$0x110];
	_ =	sdelay $0x4  }
0x117: {  	v4 =	vshll.u32 v3, $0x1  }
0x118: {  	v3 =	vand.u32 $0x7, v3;
	v4 =	vand.u32 $0xFFFFFFF0, v4  }
0x119: {  	v3 =	vor.u32 v3, v4  }
0x11a: {  	v4 =	vperm.xlane v3, v0;
	_ =	sdelay $0x1  }
0x11b: {  	v3 =	vperm.xlane v3, v2;
	v4 =	vadd.s32 v1, v4;
	_ =	sdelay $0x1  }
0x11c: {  	v3 =	vadd.s32 v1, v3;
	_ =	sdelay $0x1  }
0x11d: {  	s24 =	simm.s32 $0x1200  }
0x11e: {  	[tilespmem:s24], [sflag:$0x1] =	stream.indirect_vreg.gather [hbm4b:s3+s7], $0x80, v4, vm0, $0xb8;
	[tilespmem:$0x10200] =	vst v63  }
0x11f: {  	s25 =	simm.s32 $0x1A00  }
0x120: {  	[tilespmem:s25], [sflag:$0x1] =	stream.indirect_vreg.gather [hbm4b:s3+s7], $0x80, v3, vm0, $0xb8;
	[tilespmem:$0x10200] =	vst v63  }
0x121: {  	v3 =	vld [tilespmem:$0x120];
	_ =	sdelay $0x4  }
0x122: {  	v4 =	vshll.u32 v3, $0x1  }
0x123: {  	v3 =	vand.u32 $0x7, v3;
	v4 =	vand.u32 $0xFFFFFFF0, v4  }
0x124: {  	v3 =	vor.u32 v3, v4  }
0x125: {  	v4 =	vperm.xlane v3, v0;
	_ =	sdelay $0x1  }
0x126: {  	v3 =	vperm.xlane v3, v2;
	v4 =	vadd.s32 v1, v4;
	_ =	sdelay $0x1  }
0x127: {  	v3 =	vadd.s32 v1, v3;
	_ =	sdelay $0x1  }
0x128: {  	s26 =	simm.s32 $0x2200  }
0x129: {  	[tilespmem:s26], [sflag:$0x1] =	stream.indirect_vreg.gather [hbm4b:s3+s7], $0x80, v4, vm0, $0xb8;
	[tilespmem:$0x10200] =	vst v63  }
0x12a: {  	s24 =	simm.s32 $0x2A00  }
0x12b: {  	[tilespmem:s24], [sflag:$0x1] =	stream.indirect_vreg.gather [hbm4b:s3+s7], $0x80, v3, vm0, $0xb8;
	[tilespmem:$0x10200] =	vst v63  }
0x12c: {  	v3 =	vld [tilespmem:$0x130];
	_ =	sdelay $0x4  }
0x12d: {  	v4 =	vshll.u32 v3, $0x1  }
0x12e: {  	v3 =	vand.u32 $0x7, v3;
	v4 =	vand.u32 $0xFFFFFFF0, v4  }
0x12f: {  	v3 =	vor.u32 v3, v4  }
0x130: {  	v4 =	vperm.xlane v3, v0;
	_ =	sdelay $0x1  }
0x131: {  	v3 =	vperm.xlane v3, v2;
	v4 =	vadd.s32 v1, v4;
	_ =	sdelay $0x1  }
0x132: {  	v3 =	vadd.s32 v1, v3;
	_ =	sdelay $0x1  }
0x133: {  	s25 =	simm.s32 $0x3200  }
0x134: {  	[tilespmem:s25], [sflag:$0x1] =	stream.indirect_vreg.gather [hbm4b:s3+s7], $0x80, v4, vm0, $0xb8;
	[tilespmem:$0x10200] =	vst v63  }
0x135: {  	s26 =	simm.s32 $0x3A00  }
0x136: {  	[tilespmem:s26], [sflag:$0x1] =	stream.indirect_vreg.gather [hbm4b:s3+s7], $0x80, v3, vm0, $0xb8;
	[tilespmem:$0x10200] =	vst v63  }
0x137: {  	v3 =	vld [tilespmem:$0x140];
	_ =	sdelay $0x4  }
0x138: {  	v4 =	vshll.u32 v3, $0x1  }
0x139: {  	v3 =	vand.u32 $0x7, v3;
	v4 =	vand.u32 $0xFFFFFFF0, v4  }
0x13a: {  	v3 =	vor.u32 v3, v4  }
0x13b: {  	v4 =	vperm.xlane v3, v0;
	_ =	sdelay $0x1  }
0x13c: {  	v3 =	vperm.xlane v3, v2;
	v4 =	vadd.s32 v1, v4;
	_ =	sdelay $0x1  }
0x13d: {  	v3 =	vadd.s32 v1, v3;
	_ =	sdelay $0x1  }
0x13e: {  	s24 =	simm.s32 $0x4200  }
0x13f: {  	[tilespmem:s24], [sflag:$0x1] =	stream.indirect_vreg.gather [hbm4b:s3+s7], $0x80, v4, vm0, $0xb8;
	[tilespmem:$0x10200] =	vst v63  }
0x140: {  	s25 =	simm.s32 $0x4A00  }
0x141: {  	[tilespmem:s25], [sflag:$0x1] =	stream.indirect_vreg.gather [hbm4b:s3+s7], $0x80, v3, vm0, $0xb8;
	[tilespmem:$0x10200] =	vst v63  }
0x142: {  	v3 =	vld [tilespmem:$0x150];
	_ =	sdelay $0x4  }
0x143: {  	v4 =	vshll.u32 v3, $0x1  }
0x144: {  	v3 =	vand.u32 $0x7, v3;
	v4 =	vand.u32 $0xFFFFFFF0, v4  }
0x145: {  	v3 =	vor.u32 v3, v4  }
0x146: {  	v4 =	vperm.xlane v3, v0;
	_ =	sdelay $0x1  }
0x147: {  	v3 =	vperm.xlane v3, v2;
	v4 =	vadd.s32 v1, v4;
	_ =	sdelay $0x1  }
0x148: {  	v3 =	vadd.s32 v1, v3;
	_ =	sdelay $0x1  }
0x149: {  	s26 =	simm.s32 $0x5200  }
0x14a: {  	[tilespmem:s26], [sflag:$0x1] =	stream.indirect_vreg.gather [hbm4b:s3+s7], $0x80, v4, vm0, $0xb8;
	[tilespmem:$0x10200] =	vst v63  }
0x14b: {  	s24 =	simm.s32 $0x5A00  }
0x14c: {  	[tilespmem:s24], [sflag:$0x1] =	stream.indirect_vreg.gather [hbm4b:s3+s7], $0x80, v3, vm0, $0xb8;
	[tilespmem:$0x10200] =	vst v63  }
0x14d: {  	v3 =	vld [tilespmem:$0x160];
	_ =	sdelay $0x4  }
0x14e: {  	v4 =	vshll.u32 v3, $0x1  }
0x14f: {  	v3 =	vand.u32 $0x7, v3;
	v4 =	vand.u32 $0xFFFFFFF0, v4  }
0x150: {  	v3 =	vor.u32 v3, v4  }
0x151: {  	v4 =	vperm.xlane v3, v0;
	_ =	sdelay $0x1  }
0x152: {  	v3 =	vperm.xlane v3, v2;
	v4 =	vadd.s32 v1, v4;
	_ =	sdelay $0x1  }
0x153: {  	v3 =	vadd.s32 v1, v3;
	_ =	sdelay $0x1  }
0x154: {  	s25 =	simm.s32 $0x6200  }
0x155: {  	[tilespmem:s25], [sflag:$0x1] =	stream.indirect_vreg.gather [hbm4b:s3+s7], $0x80, v4, vm0, $0xb8;
	[tilespmem:$0x10200] =	vst v63  }
0x156: {  	s26 =	simm.s32 $0x6A00  }
0x157: {  	[tilespmem:s26], [sflag:$0x1] =	stream.indirect_vreg.gather [hbm4b:s3+s7], $0x80, v3, vm0, $0xb8;
	[tilespmem:$0x10200] =	vst v63  }
0x158: {  	v3 =	vld [tilespmem:$0x170];
	_ =	sdelay $0x4  }
0x159: {  	v4 =	vshll.u32 v3, $0x1  }
0x15a: {  	v3 =	vand.u32 $0x7, v3;
	v4 =	vand.u32 $0xFFFFFFF0, v4  }
0x15b: {  	v3 =	vor.u32 v3, v4  }
0x15c: {  	v4 =	vperm.xlane v3, v0;
	_ =	sdelay $0x1  }
0x15d: {  	v3 =	vperm.xlane v3, v2;
	v4 =	vadd.s32 v1, v4;
	_ =	sdelay $0x1  }
0x15e: {  	v3 =	vadd.s32 v1, v3;
	_ =	sdelay $0x1  }
0x15f: {  	s24 =	simm.s32 $0x7200  }
0x160: {  	[tilespmem:s24], [sflag:$0x1] =	stream.indirect_vreg.gather [hbm4b:s3+s7], $0x80, v4, vm0, $0xb8;
	[tilespmem:$0x10200] =	vst v63  }
0x161: {  	s25 =	simm.s32 $0x7A00  }
0x162: {  	[tilespmem:s25], [sflag:$0x1] =	stream.indirect_vreg.gather [hbm4b:s3+s7], $0x80, v3, vm0, $0xb8;
	[tilespmem:$0x10200] =	vst v63  }
0x163: {  	_ =	swait.ge [sflag:s23], $0x8000  }
0x164: {  	s26 =	sand.u32 $0x3800, s7;
	s7 =	sand.u32 $0x380, s7;
	[sflag:s23] =	ssyncset.done $0x0  }
0x165: {  	s24 =	sor.u32 s7, s26;
	[sflag:s23] =	ssyncadd.s32 $0xFFFF8000  }
0x166: {  	v10 =	vld [tilespmem:s24+$0xC200]  }
0x167: {  	v11 =	vld [tilespmem:s24+$0xC210]  }
0x168: {  	v12 =	vld [tilespmem:s24+$0xC220]  }
0x169: {  	v13 =	vld [tilespmem:s24+$0xC230]  }
0x16a: {  	v14 =	vld [tilespmem:s24+$0xC240]  }
0x16b: {  	v15 =	vld [tilespmem:s24+$0xC250]  }
0x16c: {  	v16 =	vld [tilespmem:s24+$0xC260]  }
0x16d: {  	v17 =	vld [tilespmem:s24+$0xC270]  }
0x16e: {  	v18 =	vld [tilespmem:s24+$0xC600]  }
0x16f: {  	v9 =	vld [tilespmem:s24+$0xC610]  }
0x170: {  	v8 =	vld [tilespmem:s24+$0xC620]  }
0x171: {  	v7 =	vld [tilespmem:s24+$0xC630]  }
0x172: {  	v6 =	vld [tilespmem:s24+$0xC640]  }
0x173: {  	v5 =	vld [tilespmem:s24+$0xC650]  }
0x174: {  	v4 =	vld [tilespmem:s24+$0xC660]  }
0x175: {  	v3 =	vld [tilespmem:s24+$0xC670]  }
0x176: {  	v19 =	vld [tilespmem:s24+$0x8200]  }
0x177: {  	v20 =	vld [tilespmem:s24+$0x8210]  }
0x178: {  	v21 =	vld [tilespmem:s24+$0x8220]  }
0x179: {  	v22 =	vld [tilespmem:s24+$0x8230]  }
0x17a: {  	v23 =	vld [tilespmem:s24+$0x8240]  }
0x17b: {  	v10 =	vadd.f32 v10, v19;
	v19 =	vld [tilespmem:s24+$0x8250]  }
0x17c: {  	v61 =	vld [tilespmem:s24+$0x8260];
	v11 =	vadd.f32 v11, v20  }
0x17d: {  	v62 =	vld [tilespmem:s24+$0x8270];
	[tilespmem:s24+$0x8200] =	vst v10;
	v10 =	vadd.f32 v12, v21  }
0x17e: {  	v63 =	vld [tilespmem:s24+$0x8600];
	[tilespmem:s24+$0x8210] =	vst v11;
	v11 =	vadd.f32 v13, v22  }
0x17f: {  	v13 =	vld [tilespmem:s24+$0x8610];
	[tilespmem:s24+$0x8220] =	vst v10;
	v10 =	vadd.f32 v14, v23  }
0x180: {  	v12 =	vld [tilespmem:s24+$0x8620];
	[tilespmem:s24+$0x8230] =	vst v11;
	v11 =	vadd.f32 v15, v19  }
0x181: {  	v14 =	vadd.f32 v16, v61;
	[tilespmem:s24+$0x8240] =	vst v10;
	v10 =	vld [tilespmem:s24+$0x8630]  }
0x182: {  	v16 =	vadd.f32 v17, v62;
	[tilespmem:s24+$0x8250] =	vst v11;
	v11 =	vld [tilespmem:s24+$0x8640]  }
0x183: {  	s25 =	simm.s32 $0x100;
	s7 =	simm.s32 $0x80;
	v15 =	vadd.f32 v18, v63;
	[tilespmem:s24+$0x8260] =	vst v14;
	v14 =	vld [tilespmem:s24+$0x8650]  }
.LBB2_4:
0x184: {  	s8 =	sand.u32 $0x3800, s25;
	s26 =	sand.u32 $0x380, s7;
	p0 =	sne.s32 s25, $0x3F00;
	[tilespmem:s24+$0x8270] =	vst v16;
	v9 =	vadd.f32 v9, v13;
	v13 =	vld [tilespmem:s24+$0x8660]  }
0x185: {  	s8 =	sor.u32 s26, s8;
	[tilespmem:s24+$0x8600] =	vst v15;
	v8 =	vadd.f32 v8, v12;
	v12 =	vld [tilespmem:s24+$0x8670]  }
0x186: {  	v15 =	vld [tilespmem:s8+$0xC200];
	[tilespmem:s24+$0x8610] =	vst v9;
	v7 =	vadd.f32 v7, v10  }
0x187: {  	v10 =	vld [tilespmem:s8+$0xC210];
	[tilespmem:s24+$0x8620] =	vst v8;
	v6 =	vadd.f32 v6, v11  }
0x188: {  	v11 =	vld [tilespmem:s8+$0xC220];
	[tilespmem:s24+$0x8630] =	vst v7;
	v5 =	vadd.f32 v5, v14  }
0x189: {  	v14 =	vld [tilespmem:s8+$0xC230];
	[tilespmem:s24+$0x8640] =	vst v6;
	v4 =	vadd.f32 v4, v13  }
0x18a: {  	v13 =	vld [tilespmem:s8+$0xC240];
	[tilespmem:s24+$0x8650] =	vst v5;
	v3 =	vadd.f32 v3, v12  }
0x18b: {  	v12 =	vld [tilespmem:s8+$0xC250];
	[tilespmem:s24+$0x8660] =	vst v4  }
0x18c: {  	v16 =	vld [tilespmem:s8+$0xC260];
	[tilespmem:s24+$0x8670] =	vst v3;
	s24 =	smov.u32 s8  }
0x18d: {  	v17 =	vld [tilespmem:s24+$0xC270]  }
0x18e: {  	v18 =	vld [tilespmem:s24+$0xC600]  }
0x18f: {  	v9 =	vld [tilespmem:s24+$0xC610]  }
0x190: {  	v8 =	vld [tilespmem:s24+$0xC620]  }
0x191: {  	v7 =	vld [tilespmem:s24+$0xC630]  }
0x192: {  	v6 =	vld [tilespmem:s24+$0xC640]  }
0x193: {  	v5 =	vld [tilespmem:s24+$0xC650]  }
0x194: {  	v4 =	vld [tilespmem:s24+$0xC660]  }
0x195: {  	v3 =	vld [tilespmem:s24+$0xC670]  }
0x196: {  	v19 =	vld [tilespmem:s24+$0x8200]  }
0x197: {  	v20 =	vld [tilespmem:s24+$0x8210]  }
0x198: {  	v21 =	vld [tilespmem:s24+$0x8220]  }
0x199: {  	v22 =	vld [tilespmem:s24+$0x8230]  }
0x19a: {  	v23 =	vld [tilespmem:s24+$0x8240]  }
0x19b: {  	v15 =	vadd.f32 v15, v19;
	v19 =	vld [tilespmem:s24+$0x8250]  }
0x19c: {  	v10 =	vadd.f32 v10, v20;
	v20 =	vld [tilespmem:s24+$0x8260]  }
0x19d: {  	[tilespmem:s24+$0x8200] =	vst v15;
	v11 =	vadd.f32 v11, v21;
	v15 =	vld [tilespmem:s24+$0x8270]  }
0x19e: {  	[tilespmem:s24+$0x8210] =	vst v10;
	v10 =	vadd.f32 v14, v22;
	v14 =	vld [tilespmem:s24+$0x8600]  }
.Ltmp1:
0x19f: {  	[tilespmem:s24+$0x8220] =	vst v11;
	v11 =	vadd.f32 v13, v23;
	v13 =	vld [tilespmem:s24+$0x8610];
	(pc) =	sbr.rel @p0 .LBB2_4-.Ltmp1, $4  }
0x1a0: {  	[tilespmem:s24+$0x8230] =	vst v10;
	v19 =	vadd.f32 v12, v19;
	v12 =	vld [tilespmem:s24+$0x8620]  }
0x1a1: {  	[tilespmem:s24+$0x8240] =	vst v11;
	v20 =	vadd.f32 v16, v20;
	v10 =	vld [tilespmem:s24+$0x8630]  }
0x1a2: {  	[tilespmem:s24+$0x8250] =	vst v19;
	v16 =	vadd.f32 v17, v15;
	v11 =	vld [tilespmem:s24+$0x8640]  }
0x1a3: {  	s7 =	sadd.s32 $0x80, s7;
	s25 =	sadd.s32 $0x100, s25;
	[tilespmem:s24+$0x8260] =	vst v20;
	v15 =	vadd.f32 v18, v14;
	v14 =	vld [tilespmem:s24+$0x8650]  }
0x1a4: {  	[tilespmem:s24+$0x8270] =	vst v16;
	v9 =	vadd.f32 v9, v13;
	v13 =	vld [tilespmem:s24+$0x8660]  }
0x1a5: {  	[tilespmem:s24+$0x8600] =	vst v15;
	v8 =	vadd.f32 v8, v12;
	v12 =	vld [tilespmem:s24+$0x8670]  }
0x1a6: {  	[tilespmem:s24+$0x8610] =	vst v9;
	v7 =	vadd.f32 v7, v10  }
0x1a7: {  	[tilespmem:s24+$0x8620] =	vst v8;
	v6 =	vadd.f32 v6, v11  }
0x1a8: {  	[tilespmem:s24+$0x8630] =	vst v7;
	v5 =	vadd.f32 v5, v14  }
0x1a9: {  	[tilespmem:s24+$0x8640] =	vst v6;
	v4 =	vadd.f32 v4, v13  }
0x1aa: {  	[tilespmem:s24+$0x8650] =	vst v5;
	v3 =	vadd.f32 v3, v12  }
0x1ab: {  	[tilespmem:s24+$0x8660] =	vst v4  }
0x1ac: {  	s7 =	simm.s32 $0x0;
	s8 =	rddreg [dreg:$0x4];
	[tilespmem:s24+$0x8670] =	vst v3  }
0x1ad: {  	[hbm4b:s8+s7] =	stream.linear.scatter [tilespmem:s28], [sflag:$0x3], $0x4000, $0x38;
	[tilespmem:$0x10200] =	vst v63  }
0x1ae: {  	_ =	swait.ge [sflag:s5], $0x4000  }
0x1af: {  	[sflag:s5] =	ssyncset.done $0x0  }
0x1b0: {  	[sflag:s5] =	ssyncadd.s32 $0xFFFFC000  }
0x1b1: {  	v3 =	vld [tilespmem:$0x180];
	_ =	sdelay $0x4  }
0x1b2: {  	v4 =	vshll.u32 v3, $0x1  }
0x1b3: {  	v3 =	vand.u32 $0x7, v3;
	v4 =	vand.u32 $0xFFFFFFF0, v4  }
0x1b4: {  	v3 =	vor.u32 v3, v4  }
0x1b5: {  	v4 =	vperm.xlane v3, v0;
	_ =	sdelay $0x1  }
0x1b6: {  	v3 =	vperm.xlane v3, v2;
	v4 =	vadd.s32 v1, v4;
	_ =	sdelay $0x1  }
0x1b7: {  	v3 =	vadd.s32 v1, v3;
	_ =	sdelay $0x2  }
0x1b8: {  	[tilespmem:s28], [sflag:$0x2] =	stream.indirect_vreg.gather [hbm4b:s3+s7], $0x80, v4, vm0, $0xb8;
	[tilespmem:$0x10200] =	vst v63  }
0x1b9: {  	_ = 	snop  }
0x1ba: {  	[tilespmem:s29], [sflag:$0x2] =	stream.indirect_vreg.gather [hbm4b:s3+s7], $0x80, v3, vm0, $0xb8;
	[tilespmem:$0x10200] =	vst v63  }
0x1bb: {  	v3 =	vld [tilespmem:$0x190];
	_ =	sdelay $0x4  }
0x1bc: {  	v4 =	vshll.u32 v3, $0x1  }
0x1bd: {  	v3 =	vand.u32 $0x7, v3;
	v4 =	vand.u32 $0xFFFFFFF0, v4  }
0x1be: {  	v3 =	vor.u32 v3, v4  }
0x1bf: {  	v4 =	vperm.xlane v3, v0;
	_ =	sdelay $0x1  }
0x1c0: {  	v3 =	vperm.xlane v3, v2;
	v4 =	vadd.s32 v1, v4;
	_ =	sdelay $0x1  }
0x1c1: {  	v3 =	vadd.s32 v1, v3;
	_ =	sdelay $0x2  }
0x1c2: {  	[tilespmem:s30], [sflag:$0x2] =	stream.indirect_vreg.gather [hbm4b:s3+s7], $0x80, v4, vm0, $0xb8;
	[tilespmem:$0x10200] =	vst v63  }
0x1c3: {  	_ = 	snop  }
0x1c4: {  	[tilespmem:s31], [sflag:$0x2] =	stream.indirect_vreg.gather [hbm4b:s3+s7], $0x80, v3, vm0, $0xb8;
	[tilespmem:$0x10200] =	vst v63  }
0x1c5: {  	v3 =	vld [tilespmem:$0x1A0];
	_ =	sdelay $0x4  }
0x1c6: {  	v4 =	vshll.u32 v3, $0x1  }
0x1c7: {  	v3 =	vand.u32 $0x7, v3;
	v4 =	vand.u32 $0xFFFFFFF0, v4  }
0x1c8: {  	v3 =	vor.u32 v3, v4  }
0x1c9: {  	v4 =	vperm.xlane v3, v0;
	_ =	sdelay $0x1  }
0x1ca: {  	v3 =	vperm.xlane v3, v2;
	v4 =	vadd.s32 v1, v4;
	_ =	sdelay $0x1  }
0x1cb: {  	v3 =	vadd.s32 v1, v3;
	_ =	sdelay $0x2  }
0x1cc: {  	[tilespmem:s0], [sflag:$0x2] =	stream.indirect_vreg.gather [hbm4b:s3+s7], $0x80, v4, vm0, $0xb8;
	[tilespmem:$0x10200] =	vst v63  }
0x1cd: {  	_ = 	snop  }
0x1ce: {  	[tilespmem:s1], [sflag:$0x2] =	stream.indirect_vreg.gather [hbm4b:s3+s7], $0x80, v3, vm0, $0xb8;
	[tilespmem:$0x10200] =	vst v63  }
0x1cf: {  	v3 =	vld [tilespmem:$0x1B0];
	_ =	sdelay $0x4  }
0x1d0: {  	v4 =	vshll.u32 v3, $0x1  }
0x1d1: {  	v3 =	vand.u32 $0x7, v3;
	v4 =	vand.u32 $0xFFFFFFF0, v4  }
0x1d2: {  	v3 =	vor.u32 v3, v4  }
0x1d3: {  	v4 =	vperm.xlane v3, v0;
	_ =	sdelay $0x1  }
0x1d4: {  	v3 =	vperm.xlane v3, v2;
	v4 =	vadd.s32 v1, v4;
	_ =	sdelay $0x1  }
0x1d5: {  	v3 =	vadd.s32 v1, v3;
	_ =	sdelay $0x2  }
0x1d6: {  	[tilespmem:s12], [sflag:$0x2] =	stream.indirect_vreg.gather [hbm4b:s3+s7], $0x80, v4, vm0, $0xb8;
	[tilespmem:$0x10200] =	vst v63  }
0x1d7: {  	_ = 	snop  }
0x1d8: {  	[tilespmem:s13], [sflag:$0x2] =	stream.indirect_vreg.gather [hbm4b:s3+s7], $0x80, v3, vm0, $0xb8;
	[tilespmem:$0x10200] =	vst v63  }
0x1d9: {  	v3 =	vld [tilespmem:$0x1C0];
	_ =	sdelay $0x4  }
0x1da: {  	v4 =	vshll.u32 v3, $0x1  }
0x1db: {  	v3 =	vand.u32 $0x7, v3;
	v4 =	vand.u32 $0xFFFFFFF0, v4  }
0x1dc: {  	v3 =	vor.u32 v3, v4  }
0x1dd: {  	v4 =	vperm.xlane v3, v0;
	_ =	sdelay $0x1  }
0x1de: {  	v3 =	vperm.xlane v3, v2;
	v4 =	vadd.s32 v1, v4;
	_ =	sdelay $0x1  }
0x1df: {  	v3 =	vadd.s32 v1, v3;
	_ =	sdelay $0x2  }
0x1e0: {  	[tilespmem:s14], [sflag:$0x2] =	stream.indirect_vreg.gather [hbm4b:s3+s7], $0x80, v4, vm0, $0xb8;
	[tilespmem:$0x10200] =	vst v63  }
0x1e1: {  	_ = 	snop  }
0x1e2: {  	[tilespmem:s15], [sflag:$0x2] =	stream.indirect_vreg.gather [hbm4b:s3+s7], $0x80, v3, vm0, $0xb8;
	[tilespmem:$0x10200] =	vst v63  }
0x1e3: {  	v3 =	vld [tilespmem:$0x1D0];
	_ =	sdelay $0x4  }
0x1e4: {  	v4 =	vshll.u32 v3, $0x1  }
0x1e5: {  	v3 =	vand.u32 $0x7, v3;
	v4 =	vand.u32 $0xFFFFFFF0, v4  }
0x1e6: {  	v3 =	vor.u32 v3, v4  }
0x1e7: {  	v4 =	vperm.xlane v3, v0;
	_ =	sdelay $0x1  }
0x1e8: {  	v3 =	vperm.xlane v3, v2;
	v4 =	vadd.s32 v1, v4;
	_ =	sdelay $0x1  }
0x1e9: {  	v3 =	vadd.s32 v1, v3;
	_ =	sdelay $0x2  }
0x1ea: {  	[tilespmem:s16], [sflag:$0x2] =	stream.indirect_vreg.gather [hbm4b:s3+s7], $0x80, v4, vm0, $0xb8;
	[tilespmem:$0x10200] =	vst v63  }
0x1eb: {  	_ = 	snop  }
0x1ec: {  	[tilespmem:s17], [sflag:$0x2] =	stream.indirect_vreg.gather [hbm4b:s3+s7], $0x80, v3, vm0, $0xb8;
	[tilespmem:$0x10200] =	vst v63  }
0x1ed: {  	v3 =	vld [tilespmem:$0x1E0];
	_ =	sdelay $0x4  }
0x1ee: {  	v4 =	vshll.u32 v3, $0x1  }
0x1ef: {  	v3 =	vand.u32 $0x7, v3;
	v4 =	vand.u32 $0xFFFFFFF0, v4  }
0x1f0: {  	v3 =	vor.u32 v3, v4  }
0x1f1: {  	v4 =	vperm.xlane v3, v0;
	_ =	sdelay $0x1  }
0x1f2: {  	v3 =	vperm.xlane v3, v2;
	v4 =	vadd.s32 v1, v4;
	_ =	sdelay $0x1  }
0x1f3: {  	v3 =	vadd.s32 v1, v3;
	_ =	sdelay $0x2  }
0x1f4: {  	[tilespmem:s18], [sflag:$0x2] =	stream.indirect_vreg.gather [hbm4b:s3+s7], $0x80, v4, vm0, $0xb8;
	[tilespmem:$0x10200] =	vst v63  }
0x1f5: {  	_ = 	snop  }
0x1f6: {  	[tilespmem:s19], [sflag:$0x2] =	stream.indirect_vreg.gather [hbm4b:s3+s7], $0x80, v3, vm0, $0xb8;
	[tilespmem:$0x10200] =	vst v63  }
0x1f7: {  	v3 =	vld [tilespmem:$0x1F0];
	_ =	sdelay $0x4  }
0x1f8: {  	v4 =	vshll.u32 v3, $0x1  }
0x1f9: {  	v3 =	vand.u32 $0x7, v3;
	v4 =	vand.u32 $0xFFFFFFF0, v4  }
0x1fa: {  	v3 =	vor.u32 v3, v4  }
0x1fb: {  	v4 =	vperm.xlane v3, v0;
	_ =	sdelay $0x1  }
0x1fc: {  	v3 =	vperm.xlane v3, v2;
	v4 =	vadd.s32 v1, v4;
	_ =	sdelay $0x1  }
0x1fd: {  	v3 =	vadd.s32 v1, v3;
	_ =	sdelay $0x2  }
0x1fe: {  	[tilespmem:s20], [sflag:$0x2] =	stream.indirect_vreg.gather [hbm4b:s3+s7], $0x80, v4, vm0, $0xb8;
	[tilespmem:$0x10200] =	vst v63  }
0x1ff: {  	_ = 	snop  }
0x200: {  	[tilespmem:s21], [sflag:$0x2] =	stream.indirect_vreg.gather [hbm4b:s3+s7], $0x80, v3, vm0, $0xb8;
	[tilespmem:$0x10200] =	vst v63  }
0x201: {  	_ =	swait.ge [sflag:s22], $0x8000  }
0x202: {  	s26 =	sand.u32 $0x3800, s7;
	s7 =	sand.u32 $0x380, s7;
	[sflag:s22] =	ssyncset.done $0x0  }
0x203: {  	s24 =	sor.u32 s7, s26;
	[sflag:s22] =	ssyncadd.s32 $0xFFFF8000  }
0x204: {  	v10 =	vld [tilespmem:s24+$0x4200]  }
0x205: {  	v11 =	vld [tilespmem:s24+$0x4210]  }
0x206: {  	v12 =	vld [tilespmem:s24+$0x4220]  }
0x207: {  	v13 =	vld [tilespmem:s24+$0x4230]  }
0x208: {  	v14 =	vld [tilespmem:s24+$0x4240]  }
0x209: {  	v15 =	vld [tilespmem:s24+$0x4250]  }
0x20a: {  	v16 =	vld [tilespmem:s24+$0x4260]  }
0x20b: {  	v17 =	vld [tilespmem:s24+$0x4270]  }
0x20c: {  	v18 =	vld [tilespmem:s24+$0x4600]  }
0x20d: {  	v9 =	vld [tilespmem:s24+$0x4610]  }
0x20e: {  	v8 =	vld [tilespmem:s24+$0x4620]  }
0x20f: {  	v7 =	vld [tilespmem:s24+$0x4630]  }
0x210: {  	v6 =	vld [tilespmem:s24+$0x4640]  }
0x211: {  	v5 =	vld [tilespmem:s24+$0x4650]  }
0x212: {  	v4 =	vld [tilespmem:s24+$0x4660]  }
0x213: {  	v3 =	vld [tilespmem:s24+$0x4670]  }
0x214: {  	v19 =	vld [tilespmem:s24+$0x200]  }
0x215: {  	v20 =	vld [tilespmem:s24+$0x210]  }
0x216: {  	v21 =	vld [tilespmem:s24+$0x220]  }
0x217: {  	v22 =	vld [tilespmem:s24+$0x230]  }
0x218: {  	v23 =	vld [tilespmem:s24+$0x240]  }
0x219: {  	v10 =	vadd.f32 v10, v19;
	v19 =	vld [tilespmem:s24+$0x250]  }
0x21a: {  	v61 =	vld [tilespmem:s24+$0x260];
	v11 =	vadd.f32 v11, v20  }
0x21b: {  	v62 =	vld [tilespmem:s24+$0x270];
	[tilespmem:s24+$0x200] =	vst v10;
	v10 =	vadd.f32 v12, v21  }
0x21c: {  	v63 =	vld [tilespmem:s24+$0x600];
	[tilespmem:s24+$0x210] =	vst v11;
	v11 =	vadd.f32 v13, v22  }
0x21d: {  	v13 =	vld [tilespmem:s24+$0x610];
	[tilespmem:s24+$0x220] =	vst v10;
	v10 =	vadd.f32 v14, v23  }
0x21e: {  	v12 =	vld [tilespmem:s24+$0x620];
	[tilespmem:s24+$0x230] =	vst v11;
	v11 =	vadd.f32 v15, v19  }
0x21f: {  	v14 =	vadd.f32 v16, v61;
	[tilespmem:s24+$0x240] =	vst v10;
	v10 =	vld [tilespmem:s24+$0x630]  }
0x220: {  	v16 =	vadd.f32 v17, v62;
	[tilespmem:s24+$0x250] =	vst v11;
	v11 =	vld [tilespmem:s24+$0x640]  }
0x221: {  	s25 =	simm.s32 $0x100;
	s7 =	simm.s32 $0x80;
	v15 =	vadd.f32 v18, v63;
	[tilespmem:s24+$0x260] =	vst v14;
	v14 =	vld [tilespmem:s24+$0x650]  }
.LBB2_6:
0x222: {  	s8 =	sand.u32 $0x3800, s25;
	s26 =	sand.u32 $0x380, s7;
	p0 =	sne.s32 s25, $0x3F00;
	[tilespmem:s24+$0x270] =	vst v16;
	v9 =	vadd.f32 v9, v13;
	v13 =	vld [tilespmem:s24+$0x660]  }
0x223: {  	s8 =	sor.u32 s26, s8;
	[tilespmem:s24+$0x600] =	vst v15;
	v8 =	vadd.f32 v8, v12;
	v12 =	vld [tilespmem:s24+$0x670]  }
0x224: {  	v15 =	vld [tilespmem:s8+$0x4200];
	[tilespmem:s24+$0x610] =	vst v9;
	v7 =	vadd.f32 v7, v10  }
0x225: {  	v10 =	vld [tilespmem:s8+$0x4210];
	[tilespmem:s24+$0x620] =	vst v8;
	v6 =	vadd.f32 v6, v11  }
0x226: {  	v11 =	vld [tilespmem:s8+$0x4220];
	[tilespmem:s24+$0x630] =	vst v7;
	v5 =	vadd.f32 v5, v14  }
0x227: {  	v14 =	vld [tilespmem:s8+$0x4230];
	[tilespmem:s24+$0x640] =	vst v6;
	v4 =	vadd.f32 v4, v13  }
0x228: {  	v13 =	vld [tilespmem:s8+$0x4240];
	[tilespmem:s24+$0x650] =	vst v5;
	v3 =	vadd.f32 v3, v12  }
0x229: {  	v12 =	vld [tilespmem:s8+$0x4250];
	[tilespmem:s24+$0x660] =	vst v4  }
0x22a: {  	v16 =	vld [tilespmem:s8+$0x4260];
	[tilespmem:s24+$0x670] =	vst v3;
	s24 =	smov.u32 s8  }
0x22b: {  	v17 =	vld [tilespmem:s24+$0x4270]  }
0x22c: {  	v18 =	vld [tilespmem:s24+$0x4600]  }
0x22d: {  	v9 =	vld [tilespmem:s24+$0x4610]  }
0x22e: {  	v8 =	vld [tilespmem:s24+$0x4620]  }
0x22f: {  	v7 =	vld [tilespmem:s24+$0x4630]  }
0x230: {  	v6 =	vld [tilespmem:s24+$0x4640]  }
0x231: {  	v5 =	vld [tilespmem:s24+$0x4650]  }
0x232: {  	v4 =	vld [tilespmem:s24+$0x4660]  }
0x233: {  	v3 =	vld [tilespmem:s24+$0x4670]  }
0x234: {  	v19 =	vld [tilespmem:s24+$0x200]  }
0x235: {  	v20 =	vld [tilespmem:s24+$0x210]  }
0x236: {  	v21 =	vld [tilespmem:s24+$0x220]  }
0x237: {  	v22 =	vld [tilespmem:s24+$0x230]  }
0x238: {  	v23 =	vld [tilespmem:s24+$0x240]  }
0x239: {  	v15 =	vadd.f32 v15, v19;
	v19 =	vld [tilespmem:s24+$0x250]  }
0x23a: {  	v10 =	vadd.f32 v10, v20;
	v20 =	vld [tilespmem:s24+$0x260]  }
0x23b: {  	[tilespmem:s24+$0x200] =	vst v15;
	v11 =	vadd.f32 v11, v21;
	v15 =	vld [tilespmem:s24+$0x270]  }
0x23c: {  	[tilespmem:s24+$0x210] =	vst v10;
	v10 =	vadd.f32 v14, v22;
	v14 =	vld [tilespmem:s24+$0x600]  }
.Ltmp2:
0x23d: {  	[tilespmem:s24+$0x220] =	vst v11;
	v11 =	vadd.f32 v13, v23;
	v13 =	vld [tilespmem:s24+$0x610];
	(pc) =	sbr.rel @p0 .LBB2_6-.Ltmp2, $4  }
0x23e: {  	[tilespmem:s24+$0x230] =	vst v10;
	v19 =	vadd.f32 v12, v19;
	v12 =	vld [tilespmem:s24+$0x620]  }
0x23f: {  	[tilespmem:s24+$0x240] =	vst v11;
	v20 =	vadd.f32 v16, v20;
	v10 =	vld [tilespmem:s24+$0x630]  }
0x240: {  	[tilespmem:s24+$0x250] =	vst v19;
	v16 =	vadd.f32 v17, v15;
	v11 =	vld [tilespmem:s24+$0x640]  }
0x241: {  	s7 =	sadd.s32 $0x80, s7;
	s25 =	sadd.s32 $0x100, s25;
	[tilespmem:s24+$0x260] =	vst v20;
	v15 =	vadd.f32 v18, v14;
	v14 =	vld [tilespmem:s24+$0x650]  }
0x242: {  	[tilespmem:s24+$0x270] =	vst v16;
	v9 =	vadd.f32 v9, v13;
	v13 =	vld [tilespmem:s24+$0x660]  }
0x243: {  	[tilespmem:s24+$0x600] =	vst v15;
	v8 =	vadd.f32 v8, v12;
	v12 =	vld [tilespmem:s24+$0x670]  }
0x244: {  	[tilespmem:s24+$0x610] =	vst v9;
	v7 =	vadd.f32 v7, v10  }
0x245: {  	[tilespmem:s24+$0x620] =	vst v8;
	v6 =	vadd.f32 v6, v11  }
0x246: {  	[tilespmem:s24+$0x630] =	vst v7;
	v5 =	vadd.f32 v5, v14  }
0x247: {  	[tilespmem:s24+$0x640] =	vst v6;
	v4 =	vadd.f32 v4, v13  }
0x248: {  	[tilespmem:s24+$0x650] =	vst v5;
	v3 =	vadd.f32 v3, v12  }
0x249: {  	[tilespmem:s24+$0x660] =	vst v4  }
0x24a: {  	s7 =	simm.s32 $0x0;
	s8 =	rddreg [dreg:$0x5];
	[tilespmem:s24+$0x670] =	vst v3  }
0x24b: {  	[hbm4b:s8+s7] =	stream.linear.scatter [tilespmem:s11], [sflag:$0x3], $0x4000, $0x38;
	[tilespmem:$0x10200] =	vst v63  }
0x24c: {  	_ =	swait.ge [sflag:s23], $0x8000  }
0x24d: {  	s26 =	sand.u32 $0x3800, s7;
	s7 =	sand.u32 $0x380, s7;
	[sflag:s23] =	ssyncset.done $0x0  }
0x24e: {  	s24 =	sor.u32 s7, s26;
	[sflag:s23] =	ssyncadd.s32 $0xFFFF8000  }
0x24f: {  	v10 =	vld [tilespmem:s24+$0xC200]  }
0x250: {  	v11 =	vld [tilespmem:s24+$0xC210]  }
0x251: {  	v12 =	vld [tilespmem:s24+$0xC220]  }
0x252: {  	v13 =	vld [tilespmem:s24+$0xC230]  }
0x253: {  	v14 =	vld [tilespmem:s24+$0xC240]  }
0x254: {  	v15 =	vld [tilespmem:s24+$0xC250]  }
0x255: {  	v16 =	vld [tilespmem:s24+$0xC260]  }
0x256: {  	v17 =	vld [tilespmem:s24+$0xC270]  }
0x257: {  	v18 =	vld [tilespmem:s24+$0xC600]  }
0x258: {  	v9 =	vld [tilespmem:s24+$0xC610]  }
0x259: {  	v8 =	vld [tilespmem:s24+$0xC620]  }
0x25a: {  	v7 =	vld [tilespmem:s24+$0xC630]  }
0x25b: {  	v6 =	vld [tilespmem:s24+$0xC640]  }
0x25c: {  	v5 =	vld [tilespmem:s24+$0xC650]  }
0x25d: {  	v4 =	vld [tilespmem:s24+$0xC660]  }
0x25e: {  	v3 =	vld [tilespmem:s24+$0xC670]  }
0x25f: {  	v19 =	vld [tilespmem:s24+$0x8200]  }
0x260: {  	v20 =	vld [tilespmem:s24+$0x8210]  }
0x261: {  	v21 =	vld [tilespmem:s24+$0x8220]  }
0x262: {  	v22 =	vld [tilespmem:s24+$0x8230]  }
0x263: {  	v23 =	vld [tilespmem:s24+$0x8240]  }
0x264: {  	v10 =	vadd.f32 v10, v19;
	v19 =	vld [tilespmem:s24+$0x8250]  }
0x265: {  	v61 =	vld [tilespmem:s24+$0x8260];
	v11 =	vadd.f32 v11, v20  }
0x266: {  	v62 =	vld [tilespmem:s24+$0x8270];
	[tilespmem:s24+$0x8200] =	vst v10;
	v10 =	vadd.f32 v12, v21  }
0x267: {  	v63 =	vld [tilespmem:s24+$0x8600];
	[tilespmem:s24+$0x8210] =	vst v11;
	v11 =	vadd.f32 v13, v22  }
0x268: {  	v13 =	vld [tilespmem:s24+$0x8610];
	[tilespmem:s24+$0x8220] =	vst v10;
	v10 =	vadd.f32 v14, v23  }
0x269: {  	v12 =	vld [tilespmem:s24+$0x8620];
	[tilespmem:s24+$0x8230] =	vst v11;
	v11 =	vadd.f32 v15, v19  }
0x26a: {  	v14 =	vadd.f32 v16, v61;
	[tilespmem:s24+$0x8240] =	vst v10;
	v10 =	vld [tilespmem:s24+$0x8630]  }
0x26b: {  	v16 =	vadd.f32 v17, v62;
	[tilespmem:s24+$0x8250] =	vst v11;
	v11 =	vld [tilespmem:s24+$0x8640]  }
0x26c: {  	s25 =	simm.s32 $0x100;
	s7 =	simm.s32 $0x80;
	v15 =	vadd.f32 v18, v63;
	[tilespmem:s24+$0x8260] =	vst v14;
	v14 =	vld [tilespmem:s24+$0x8650]  }
.LBB2_8:
0x26d: {  	s8 =	sand.u32 $0x3800, s25;
	s26 =	sand.u32 $0x380, s7;
	p0 =	sne.s32 s25, $0x3F00;
	[tilespmem:s24+$0x8270] =	vst v16;
	v9 =	vadd.f32 v9, v13;
	v13 =	vld [tilespmem:s24+$0x8660]  }
0x26e: {  	s8 =	sor.u32 s26, s8;
	[tilespmem:s24+$0x8600] =	vst v15;
	v8 =	vadd.f32 v8, v12;
	v12 =	vld [tilespmem:s24+$0x8670]  }
0x26f: {  	v15 =	vld [tilespmem:s8+$0xC200];
	[tilespmem:s24+$0x8610] =	vst v9;
	v7 =	vadd.f32 v7, v10  }
0x270: {  	v10 =	vld [tilespmem:s8+$0xC210];
	[tilespmem:s24+$0x8620] =	vst v8;
	v6 =	vadd.f32 v6, v11  }
0x271: {  	v11 =	vld [tilespmem:s8+$0xC220];
	[tilespmem:s24+$0x8630] =	vst v7;
	v5 =	vadd.f32 v5, v14  }
0x272: {  	v14 =	vld [tilespmem:s8+$0xC230];
	[tilespmem:s24+$0x8640] =	vst v6;
	v4 =	vadd.f32 v4, v13  }
0x273: {  	v13 =	vld [tilespmem:s8+$0xC240];
	[tilespmem:s24+$0x8650] =	vst v5;
	v3 =	vadd.f32 v3, v12  }
0x274: {  	v12 =	vld [tilespmem:s8+$0xC250];
	[tilespmem:s24+$0x8660] =	vst v4  }
0x275: {  	v16 =	vld [tilespmem:s8+$0xC260];
	[tilespmem:s24+$0x8670] =	vst v3;
	s24 =	smov.u32 s8  }
0x276: {  	v17 =	vld [tilespmem:s24+$0xC270]  }
0x277: {  	v18 =	vld [tilespmem:s24+$0xC600]  }
0x278: {  	v9 =	vld [tilespmem:s24+$0xC610]  }
0x279: {  	v8 =	vld [tilespmem:s24+$0xC620]  }
0x27a: {  	v7 =	vld [tilespmem:s24+$0xC630]  }
0x27b: {  	v6 =	vld [tilespmem:s24+$0xC640]  }
0x27c: {  	v5 =	vld [tilespmem:s24+$0xC650]  }
0x27d: {  	v4 =	vld [tilespmem:s24+$0xC660]  }
0x27e: {  	v3 =	vld [tilespmem:s24+$0xC670]  }
0x27f: {  	v19 =	vld [tilespmem:s24+$0x8200]  }
0x280: {  	v20 =	vld [tilespmem:s24+$0x8210]  }
0x281: {  	v21 =	vld [tilespmem:s24+$0x8220]  }
0x282: {  	v22 =	vld [tilespmem:s24+$0x8230]  }
0x283: {  	v23 =	vld [tilespmem:s24+$0x8240]  }
0x284: {  	v15 =	vadd.f32 v15, v19;
	v19 =	vld [tilespmem:s24+$0x8250]  }
0x285: {  	v10 =	vadd.f32 v10, v20;
	v20 =	vld [tilespmem:s24+$0x8260]  }
0x286: {  	[tilespmem:s24+$0x8200] =	vst v15;
	v11 =	vadd.f32 v11, v21;
	v15 =	vld [tilespmem:s24+$0x8270]  }
0x287: {  	[tilespmem:s24+$0x8210] =	vst v10;
	v10 =	vadd.f32 v14, v22;
	v14 =	vld [tilespmem:s24+$0x8600]  }
.Ltmp3:
0x288: {  	[tilespmem:s24+$0x8220] =	vst v11;
	v11 =	vadd.f32 v13, v23;
	v13 =	vld [tilespmem:s24+$0x8610];
	(pc) =	sbr.rel @p0 .LBB2_8-.Ltmp3, $4  }
0x289: {  	[tilespmem:s24+$0x8230] =	vst v10;
	v19 =	vadd.f32 v12, v19;
	v12 =	vld [tilespmem:s24+$0x8620]  }
0x28a: {  	[tilespmem:s24+$0x8240] =	vst v11;
	v20 =	vadd.f32 v16, v20;
	v10 =	vld [tilespmem:s24+$0x8630]  }
0x28b: {  	[tilespmem:s24+$0x8250] =	vst v19;
	v16 =	vadd.f32 v17, v15;
	v11 =	vld [tilespmem:s24+$0x8640]  }
0x28c: {  	s7 =	sadd.s32 $0x80, s7;
	s25 =	sadd.s32 $0x100, s25;
	[tilespmem:s24+$0x8260] =	vst v20;
	v15 =	vadd.f32 v18, v14;
	v14 =	vld [tilespmem:s24+$0x8650]  }
0x28d: {  	[tilespmem:s24+$0x8270] =	vst v16;
	v9 =	vadd.f32 v9, v13;
	v62 =	vld [tilespmem:s24+$0x8660]  }
0x28e: {  	v63 =	vld [tilespmem:s24+$0x8670];
	[tilespmem:s24+$0x8600] =	vst v15;
	v8 =	vadd.f32 v8, v12  }
0x28f: {  	[tilespmem:s24+$0x8610] =	vst v9;
	v7 =	vadd.f32 v7, v10  }
0x290: {  	[tilespmem:s24+$0x8620] =	vst v8;
	v6 =	vadd.f32 v6, v11  }
0x291: {  	[tilespmem:s24+$0x8630] =	vst v7;
	v5 =	vadd.f32 v5, v14  }
0x292: {  	[tilespmem:s24+$0x8640] =	vst v6;
	v4 =	vadd.f32 v4, v62  }
0x293: {  	v3 =	vadd.f32 v3, v63;
	[tilespmem:s24+$0x8650] =	vst v5  }
0x294: {  	[tilespmem:s24+$0x8660] =	vst v4  }
0x295: {  	s7 =	rddreg [dreg:$0x6];
	s6 =	sadd.s32 $0x1, s6;
	[tilespmem:s24+$0x8670] =	vst v3  }
0x296: {  	[hbm4b:s7+s2] =	stream.linear.scatter [tilespmem:s28], [sflag:$0x3], $0x4000, $0x38;
	[tilespmem:$0x10200] =	vst v63  }
0x297: {  	p0 =	sne.s32 s6, s9;
	_ =	swait.ge [sflag:s5], $0x4000  }
.Ltmp4:
0x298: {  	[sflag:s5] =	ssyncset.done $0x0;
	(pc) =	sbr.rel @p0 .LBB2_1-.Ltmp4, $4  }
0x299: {  	[sflag:s5] =	ssyncadd.s32 $0xFFFFC000  }
0x29a: {  	_ =	swait.ge [sflag:s5], $0x4000  }
0x29b: {  	[sflag:s5] =	ssyncset.done $0x0  }
0x29c: {  	[sflag:s5] =	ssyncadd.s32 $0xFFFFC000  }
0x29d: {  	_ =	sfence.sel $0x180000  }
0x29e: {  	[bflag:$0x0] =	sbarrier.arrive $0xFFFF  }
0x29f: {  	_ =	strace $0x90000047  }
0x2a0: {  	s0 =	stileid.u32;
	[bflag:$0x2] =	sbarrier.arrive $0xFFFF  }
0x2a1: {  	p0 =	sne.s32 s0, $0x0;
	s0 =	rddreg [dreg:$0x2]  }
0x2a2: {  	s0 =	sadd.s32 @!p0 $0x100000, s0  }
0x2a3: {  	[sflag:s0] =	ssyncadd.tile.s32 @!p0 $0x1;
	_ =	shalt  }
.Lfunc_end2:
_tile_overlayer_lowered:
.L_overlay_start_2:
0x2a4: {  	(tag) =	ssettag $0x2  }
0x2a5: {  	s0 =	rddreg [dreg:$0x0];
	s2 =	stileid.u32  }
0x2a6: {  	s1 =	rddreg [dreg:$0x1];
	p0 =	sne.s32 s2, $0x0  }
0x2a7: {  	s3 =	rddreg [dreg:$0x2];
	[bflag:$0x3] =	sbarrier.arrive $0xFFFF;
	s2 =	simm.s32 @!p0 $0x1C04  }
0x2a8: {  	[timem:s3], [sflag:s2] =	dma.local @!p0 [hbm:s0], s1  }
0x2a9: {  	s0 =	simm.s32 @!p0 $0x4  }
0x2aa: {  	_ =	swait.ge @!p0 [sflag:s0], s1  }
0x2ab: {  	s1 =	ssub.s32 @!p0 $0x0, s1;
	[sflag:s0] =	ssyncset.done @!p0 $0x0  }
0x2ac: {  	[sflag:s0] =	ssyncadd.s32 @!p0 s1  }
0x2ad: {  	[bflag:$0x3] =	sbarrier.arrive $0xFFFF  }
0x2ae: {  	_ =	shalt  }

</sc_bundles>
